<compile_context>
chip_gen: v7x
topology: tpu7x:2x2x1
jax: 0.10.2.dev20260603
libtpu: 0.0.44.dev20260713+nightly
codegen_flags: <defaults>
</compile_context>

<pallas_src>
import jax
import jax.numpy as jnp
from jax import lax
from jax.experimental import pallas as pl
from jax.experimental.pallas import tpu as pltpu
from jax.experimental.pallas import tpu_sc as plsc

N_NODES = 10000
N_EDGES = 320000
D = 128

NC = 2
NS = 16

CHUNK = 128
K = 8
KB = 2
EPW = 10240
E_PAD = EPW * NC * NS
N_PAD = N_NODES + 112
ZPS = N_PAD // NS

_MESH = plsc.VectorSubcoreMesh(core_axis_name="c", subcore_axis_name="s")


def _sc_count(dst_rows, zeros_r, ones_c):

  NCH = EPW // CHUNK
  out_types = jax.ShapeDtypeStruct((NC, N_PAD, D), jnp.float32)
  scratch = [
      pltpu.VMEM((NCH, CHUNK), jnp.int32),
      pltpu.VMEM((CHUNK, D), jnp.float32),
      pltpu.VMEM_SHARED((N_PAD, D), jnp.float32),
      pltpu.SemaphoreType.DMA,
  ]

  def body(dstR, zc_hbm, ones_hbm, cnt_out, dst_v, ones_v, cnt, ssem):
    cid = lax.axis_index("c")
    sid = lax.axis_index("s")
    w = cid * NS + sid
    rows = pl.ds(sid * ZPS, ZPS)

    pltpu.sync_copy(zc_hbm.at[rows], cnt.at[rows])
    pltpu.sync_copy(ones_hbm, ones_v)
    pltpu.sync_copy(dstR.at[pl.ds(w * NCH, NCH)], dst_v)
    plsc.subcore_barrier()

    def step(g, carry):
      puts = [
          pltpu.async_copy(ones_v, cnt.at[dst_v.at[g * K + b]], ssem,
                           add=True)
          for b in range(K)
      ]
      for d in puts:
        d.wait()
      return carry

    lax.fori_loop(0, NCH // K, step, 0)
    plsc.subcore_barrier()
    pltpu.sync_copy(cnt.at[rows], cnt_out.at[cid, rows])

  fn = pl.kernel(body, out_type=out_types, mesh=_MESH, scratch_types=scratch)
  return fn(dst_rows, zeros_r, ones_c)


def _sc_aggregate(x, src_rows, dst_rows, zeros_r):

  out_types = jax.ShapeDtypeStruct((NC, N_PAD, D), jnp.float32)
  P = (EPW // CHUNK) // 2
  scratch = [
      pltpu.VMEM((P, CHUNK), jnp.int32),
      pltpu.VMEM((P, CHUNK), jnp.int32),
      pltpu.VMEM((KB, CHUNK, D), jnp.float32),
      pltpu.VMEM_SHARED((N_PAD, D), jnp.float32),
      pltpu.SemaphoreType.DMA,
      pltpu.SemaphoreType.DMA,
  ]

  def body(x_hbm, srcR, dstR, zr_hbm, out, src_v, dst_v, rows_v, acc,
           gsem, ssem):
    cid = lax.axis_index("c")
    sid = lax.axis_index("s")
    w = cid * NS + sid
    rows = pl.ds(sid * ZPS, ZPS)

    def gather(c, b):
      return pltpu.async_copy(x_hbm.at[src_v.at[c]], rows_v.at[b], gsem)

    def wait_gather(b):
      pltpu.make_async_copy(x_hbm.at[src_v.at[0]], rows_v.at[b], gsem).wait()

    def scatter(c, b):
      return pltpu.async_copy(rows_v.at[b], acc.at[dst_v.at[c]], ssem,
                              add=True)

    for phase in range(2):
      base = w * (EPW // CHUNK) + phase * P
      pltpu.sync_copy(srcR.at[pl.ds(base, P)], src_v)
      pltpu.sync_copy(dstR.at[pl.ds(base, P)], dst_v)
      gather(0, 0)
      gather(1, 1)
      if phase == 0:
        pltpu.sync_copy(zr_hbm.at[rows], acc.at[rows])
        plsc.subcore_barrier()

      def ring(g, carry):
        c0 = 2 * g
        c1 = 2 * g + 1
        n0 = lax.rem(c0 + 2, P)
        n1 = lax.rem(c1 + 2, P)
        wait_gather(0)
        s0 = scatter(c0, 0)
        wait_gather(1)
        s1 = scatter(c1, 1)
        s0.wait()
        gather(n0, 0)
        s1.wait()
        gather(n1, 1)
        return carry

      lax.fori_loop(0, P // 2, ring, 0)
      wait_gather(0)
      wait_gather(1)

    plsc.subcore_barrier()

    pltpu.sync_copy(acc.at[rows], out.at[cid, rows])

  fn = pl.kernel(body, out_type=out_types, mesh=_MESH, scratch_types=scratch)
  return fn(x, src_rows, dst_rows, zeros_r)


def _tc_layer(p, c, xin, wl, wr, bias, relu):
  BN = 2000
  grid = (N_NODES // BN,)

  def body(p0_r, p1_r, c0_r, c1_r, x_r, wl_r, wr_r, b_r, o_r):
    cntv = jnp.maximum(c0_r[0, :, :1] + c1_r[0, :, :1], 1.0)
    mean = (p0_r[0] + p1_r[0]) / cntv
    acc = lax.dot_general(mean, wl_r[...], (((1,), (1,)), ((), ())),
                          preferred_element_type=jnp.float32)
    acc = acc + lax.dot_general(x_r[...], wr_r[...], (((1,), (1,)), ((), ())),
                                preferred_element_type=jnp.float32)
    acc = acc + b_r[0:1, :]
    o_r[...] = jnp.maximum(acc, 0.0) if relu else acc

  p0s = pl.BlockSpec((1, BN, D), lambda i: (0, i, 0))
  p1s = pl.BlockSpec((1, BN, D), lambda i: (1, i, 0))
  c0s = pl.BlockSpec((1, BN, D), lambda i: (0, i, 0))
  c1s = pl.BlockSpec((1, BN, D), lambda i: (1, i, 0))
  big = pl.BlockSpec((BN, D), lambda i: (i, 0))
  wspec = pl.BlockSpec((D, D), lambda i: (0, 0))
  bspec = pl.BlockSpec((8, D), lambda i: (0, 0))

  return pl.pallas_call(
      body,
      grid=grid,
      in_specs=[p0s, p1s, c0s, c1s, big, wspec, wspec, bspec],
      out_specs=big,
      out_shape=jax.ShapeDtypeStruct((N_NODES, D), jnp.float32),
  )(p, p, c, c, xin, wl, wr, bias)


@jax.jit
def kernel(x, edge_index, W1_l, b1, W1_r, W2_l, b2, W2_r):
  src = edge_index[0].astype(jnp.int32)
  dst = edge_index[1].astype(jnp.int32)

  pad_n = E_PAD - N_EDGES
  pad_ar = jnp.arange(pad_n, dtype=jnp.int32)
  pad_src = (pad_ar * 131) % N_NODES
  pad_dst = N_NODES + (pad_ar % 112)
  src_rows = jnp.concatenate([src, pad_src]).reshape(E_PAD // CHUNK, CHUNK)
  dst_rows = jnp.concatenate([dst, pad_dst]).reshape(E_PAD // CHUNK, CHUNK)

  zeros_r = jnp.zeros((N_PAD, D), jnp.float32)
  ones_c = jnp.ones((CHUNK, D), jnp.float32)

  b1r = jnp.broadcast_to(b1, (8, D))
  b2r = jnp.broadcast_to(b2, (8, D))

  c = _sc_count(dst_rows, zeros_r, ones_c)
  p = _sc_aggregate(x, src_rows, dst_rows, zeros_r)
  h = _tc_layer(p, c, x, W1_l, W1_r, b1r, relu=True)

  q = _sc_aggregate(h, src_rows, dst_rows, zeros_r)
  out = _tc_layer(q, c, h, W2_l, W2_r, b2r, relu=False)
  return out

# --- scband reference (transcript-rebuilt; emitter-appended) ---
"""Pipeline reference for scband-gnnencoder-20091857010929 (READ-ONLY COPY).

The authoritative reference and input builder live on the scoring server;
editing this copy changes nothing except your own understanding.
"""

import jax, jax.numpy as jnp
import numpy as np

N_NODES = 10000
N_EDGES = 320000
D_FEAT = 128
HIDDEN = 128


def setup_inputs(seed: int = 0) -> dict:
    key = jax.random.key(seed)
    ks = jax.random.split(key, 8)
    x = jax.random.normal(ks[0], (N_NODES, D_FEAT), dtype=jnp.float32)
    edge_index = jax.random.randint(ks[1], (2, N_EDGES), 0, N_NODES, dtype=jnp.int64)
    s1 = 1.0 / np.sqrt(D_FEAT)
    s2 = 1.0 / np.sqrt(HIDDEN)
    W1_l = jax.random.uniform(ks[2], (HIDDEN, D_FEAT), jnp.float32, -s1, s1)
    b1 = jnp.zeros((HIDDEN,), jnp.float32)
    W1_r = jax.random.uniform(ks[3], (HIDDEN, D_FEAT), jnp.float32, -s1, s1)
    W2_l = jax.random.uniform(ks[4], (HIDDEN, HIDDEN), jnp.float32, -s2, s2)
    b2 = jnp.zeros((HIDDEN,), jnp.float32)
    W2_r = jax.random.uniform(ks[5], (HIDDEN, HIDDEN), jnp.float32, -s2, s2)
    return {"x": x, "edge_index": edge_index, "W1_l": W1_l, "b1": b1, "W1_r": W1_r,
            "W2_l": W2_l, "b2": b2, "W2_r": W2_r}


def _sage_conv(x, edge_index, W_l, b_l, W_r):
    # PyG SAGEConv (mean aggr): out = lin_l(mean_{j in N(i)} x_j) + lin_r(x_i)
    src = edge_index[0]
    dst = edge_index[1]
    n = x.shape[0]
    msgs = jnp.take(x, src, axis=0)                      # gather (SparseCore)
    summed = jax.ops.segment_sum(msgs, dst, num_segments=n)   # scatter-add
    cnt = jax.ops.segment_sum(jnp.ones((msgs.shape[0],), x.dtype), dst, num_segments=n)
    mean = summed / jnp.maximum(cnt, 1.0)[:, None]
    return mean @ W_l.T + b_l + x @ W_r.T


def reference(x, edge_index, W1_l, b1, W1_r, W2_l, b2, W2_r):
    # conv1 -> relu -> dropout (identity in eval) -> conv2
    h = _sage_conv(x, edge_index, W1_l, b1, W1_r)
    h = jax.nn.relu(h)
    out = _sage_conv(h, edge_index, W2_l, b2, W2_r)
    return out

if __name__ == "__main__":
    import jax
    _d = setup_inputs()
    print(jax.jit(kernel)(*tuple(_d.values())))

</pallas_src>

<mosaic_0001>
#map = affine_map<(d0, d1) -> (0, 0)>
#map1 = affine_map<(d0, d1) -> (0, 0, 0)>
module attributes {stable_mosaic.version = 14 : i64} {
  func.func @body(%arg0: i32, %arg1: i32, %arg2: memref<10000x128xf32, #tpu.memory_space<hbm>>, %arg3: memref<2560x128xi32, #tpu.memory_space<hbm>>, %arg4: memref<2560x128xi32, #tpu.memory_space<hbm>>, %arg5: memref<10112x128xf32, #tpu.memory_space<hbm>>, %arg6: memref<2x10112x128xf32, #tpu.memory_space<hbm>>, %arg7: memref<40x128xi32, #tpu.memory_space<vmem>>, %arg8: memref<40x128xi32, #tpu.memory_space<vmem>>, %arg9: memref<2x128x128xf32, #tpu.memory_space<vmem>>, %arg10: memref<10112x128xf32, #tpu.memory_space<vmem_shared>>, %arg11: memref<!tpu.dma_semaphore, #tpu.memory_space<semaphore_mem>>, %arg12: memref<!tpu.dma_semaphore, #tpu.memory_space<semaphore_mem>>) attributes {dimension_semantics = [#tpu.dimension_semantics<core_parallel>, #tpu.dimension_semantics<subcore_parallel>], iteration_bounds = array<i64: 2, 16>, scalar_prefetch = 0 : i64, scratch_operands = 6 : i64, tpu.core_type = #tpu.core_type<sc_vector_subcore>, window_params = [{transform_indices = #map}, {transform_indices = #map}, {transform_indices = #map}, {transform_indices = #map}, {transform_indices = #map1}]} {
    %mul3A = arith.constant 16 : i32
    %mul3A_0 = arith.muli %arg0, %mul3A : i32
    %add3A = arith.addi %mul3A_0, %arg1 : i32
    %mul3A_1 = arith.constant 632 : i32
    %mul3A_2 = arith.muli %arg1, %mul3A_1 : i32
    %mul3A_3 = arith.constant 80 : i32
    %mul3A_4 = arith.muli %add3A, %mul3A_3 : i32
    %add3A_5 = arith.constant 0 : i32
    %add3A_6 = arith.addi %mul3A_4, %add3A_5 : i32
    "tpu.region"() ({
      %run_scoped3A = tpu.sem_alloc : memref<!tpu.dma_semaphore, #tpu.memory_space<semaphore_mem>>
      %dma_start3A_117 = arith.constant 0 : i32
      %dma_start3A_118 = tpu.memref_slice %arg3[%add3A_6, %dma_start3A_117] : memref<2560x128xi32, #tpu.memory_space<hbm>> -> memref<40x128xi32, #tpu.memory_space<hbm>>
      %dma_start3A_119 = arith.constant 0 : i32
      %dma_start3A_120 = tpu.memref_slice %arg3[%add3A_6, %dma_start3A_119] : memref<2560x128xi32, #tpu.memory_space<hbm>> -> memref<40x128xi32, #tpu.memory_space<hbm>>
      tpu.enqueue_dma source(%dma_start3A_120 : memref<40x128xi32, #tpu.memory_space<hbm>>) target(%arg7 : memref<40x128xi32, #tpu.memory_space<vmem>>) target_semaphore(%run_scoped3A : memref<!tpu.dma_semaphore, #tpu.memory_space<semaphore_mem>>)
      %dma_wait3A_121 = arith.constant 0 : i32
      %dma_wait3A_122 = tpu.memref_slice %arg3[%add3A_6, %dma_wait3A_121] : memref<2560x128xi32, #tpu.memory_space<hbm>> -> memref<40x128xi32, #tpu.memory_space<hbm>>
      %dma_wait3A_123 = arith.constant 0 : i32
      %dma_wait3A_124 = tpu.memref_slice %arg3[%add3A_6, %dma_wait3A_123] : memref<2560x128xi32, #tpu.memory_space<hbm>> -> memref<40x128xi32, #tpu.memory_space<hbm>>
      tpu.wait_dma2 semaphore(%run_scoped3A : memref<!tpu.dma_semaphore, #tpu.memory_space<semaphore_mem>>) src(%dma_wait3A_124 : memref<40x128xi32, #tpu.memory_space<hbm>>) dst(%arg7 : memref<40x128xi32, #tpu.memory_space<vmem>>)
      tpu.yield
    }) : () -> ()
    "tpu.region"() ({
      %run_scoped3A = tpu.sem_alloc : memref<!tpu.dma_semaphore, #tpu.memory_space<semaphore_mem>>
      %dma_start3A_117 = arith.constant 0 : i32
      %dma_start3A_118 = tpu.memref_slice %arg4[%add3A_6, %dma_start3A_117] : memref<2560x128xi32, #tpu.memory_space<hbm>> -> memref<40x128xi32, #tpu.memory_space<hbm>>
      %dma_start3A_119 = arith.constant 0 : i32
      %dma_start3A_120 = tpu.memref_slice %arg4[%add3A_6, %dma_start3A_119] : memref<2560x128xi32, #tpu.memory_space<hbm>> -> memref<40x128xi32, #tpu.memory_space<hbm>>
      tpu.enqueue_dma source(%dma_start3A_120 : memref<40x128xi32, #tpu.memory_space<hbm>>) target(%arg8 : memref<40x128xi32, #tpu.memory_space<vmem>>) target_semaphore(%run_scoped3A : memref<!tpu.dma_semaphore, #tpu.memory_space<semaphore_mem>>)
      %dma_wait3A_121 = arith.constant 0 : i32
      %dma_wait3A_122 = tpu.memref_slice %arg4[%add3A_6, %dma_wait3A_121] : memref<2560x128xi32, #tpu.memory_space<hbm>> -> memref<40x128xi32, #tpu.memory_space<hbm>>
      %dma_wait3A_123 = arith.constant 0 : i32
      %dma_wait3A_124 = tpu.memref_slice %arg4[%add3A_6, %dma_wait3A_123] : memref<2560x128xi32, #tpu.memory_space<hbm>> -> memref<40x128xi32, #tpu.memory_space<hbm>>
      tpu.wait_dma2 semaphore(%run_scoped3A : memref<!tpu.dma_semaphore, #tpu.memory_space<semaphore_mem>>) src(%dma_wait3A_124 : memref<40x128xi32, #tpu.memory_space<hbm>>) dst(%arg8 : memref<40x128xi32, #tpu.memory_space<vmem>>)
      tpu.yield
    }) : () -> ()
    %dma_start3A = arith.constant 0 : i32
    %dma_start3A_7 = arith.constant 0 : i32
    %dma_start3A_8 = arith.constant 0 : i32
    %dma_start3A_9 = arith.constant 0 : i32
    %dma_start3A_10 = tpu.memref_slice %arg9[%dma_start3A_7, %dma_start3A_8, %dma_start3A_9] : memref<2x128x128xf32, #tpu.memory_space<vmem>> -> memref<1x128x128xf32, #tpu.memory_space<vmem>>
    %dma_start3A_11 = tpu.memref_squeeze %dma_start3A_10 : memref<1x128x128xf32, #tpu.memory_space<vmem>> -> memref<128x128xf32, #tpu.memory_space<vmem>>
    %dma_start3A_12 = arith.constant 0 : i32
    %dma_start3A_13 = tpu.memref_slice %arg7[%dma_start3A, %dma_start3A_12] : memref<40x128xi32, #tpu.memory_space<vmem>> -> memref<1x128xi32, #tpu.memory_space<vmem>>
    %dma_start3A_14 = tpu.memref_squeeze %dma_start3A_13 : memref<1x128xi32, #tpu.memory_space<vmem>> -> memref<128xi32, #tpu.memory_space<vmem>>
    %dma_start3A_15 = arith.constant 0 : i32
    %dma_start3A_16 = arith.constant 0 : i32
    %dma_start3A_17 = tpu.memref_slice %arg2[%dma_start3A_15, %dma_start3A_16] : memref<10000x128xf32, #tpu.memory_space<hbm>> -> memref<10000x128xf32, #tpu.memory_space<hbm>>
    tpu.enqueue_indirect_dma source(%dma_start3A_17 : memref<10000x128xf32, #tpu.memory_space<hbm>>) target(%dma_start3A_11 : memref<128x128xf32, #tpu.memory_space<vmem>>) offsets(%dma_start3A_14 : memref<128xi32, #tpu.memory_space<vmem>>) semaphore(%arg11 : memref<!tpu.dma_semaphore, #tpu.memory_space<semaphore_mem>>)
    %dma_start3A_18 = arith.constant 1 : i32
    %dma_start3A_19 = arith.constant 1 : i32
    %dma_start3A_20 = arith.constant 0 : i32
    %dma_start3A_21 = arith.constant 0 : i32
    %dma_start3A_22 = tpu.memref_slice %arg9[%dma_start3A_19, %dma_start3A_20, %dma_start3A_21] : memref<2x128x128xf32, #tpu.memory_space<vmem>> -> memref<1x128x128xf32, #tpu.memory_space<vmem>>
    %dma_start3A_23 = tpu.memref_squeeze %dma_start3A_22 : memref<1x128x128xf32, #tpu.memory_space<vmem>> -> memref<128x128xf32, #tpu.memory_space<vmem>>
    %dma_start3A_24 = arith.constant 0 : i32
    %dma_start3A_25 = tpu.memref_slice %arg7[%dma_start3A_18, %dma_start3A_24] : memref<40x128xi32, #tpu.memory_space<vmem>> -> memref<1x128xi32, #tpu.memory_space<vmem>>
    %dma_start3A_26 = tpu.memref_squeeze %dma_start3A_25 : memref<1x128xi32, #tpu.memory_space<vmem>> -> memref<128xi32, #tpu.memory_space<vmem>>
    %dma_start3A_27 = arith.constant 0 : i32
    %dma_start3A_28 = arith.constant 0 : i32
    %dma_start3A_29 = tpu.memref_slice %arg2[%dma_start3A_27, %dma_start3A_28] : memref<10000x128xf32, #tpu.memory_space<hbm>> -> memref<10000x128xf32, #tpu.memory_space<hbm>>
    tpu.enqueue_indirect_dma source(%dma_start3A_29 : memref<10000x128xf32, #tpu.memory_space<hbm>>) target(%dma_start3A_23 : memref<128x128xf32, #tpu.memory_space<vmem>>) offsets(%dma_start3A_26 : memref<128xi32, #tpu.memory_space<vmem>>) semaphore(%arg11 : memref<!tpu.dma_semaphore, #tpu.memory_space<semaphore_mem>>)
    "tpu.region"() ({
      %run_scoped3A = tpu.sem_alloc : memref<!tpu.dma_semaphore, #tpu.memory_space<semaphore_mem>>
      %dma_start3A_117 = arith.constant 0 : i32
      %dma_start3A_118 = tpu.memref_slice %arg10[%mul3A_2, %dma_start3A_117] : memref<10112x128xf32, #tpu.memory_space<vmem_shared>> -> memref<632x128xf32, #tpu.memory_space<vmem_shared>>
      %dma_start3A_119 = arith.constant 0 : i32
      %dma_start3A_120 = tpu.memref_slice %arg5[%mul3A_2, %dma_start3A_119] : memref<10112x128xf32, #tpu.memory_space<hbm>> -> memref<632x128xf32, #tpu.memory_space<hbm>>
      tpu.enqueue_dma source(%dma_start3A_120 : memref<632x128xf32, #tpu.memory_space<hbm>>) target(%dma_start3A_118 : memref<632x128xf32, #tpu.memory_space<vmem_shared>>) target_semaphore(%run_scoped3A : memref<!tpu.dma_semaphore, #tpu.memory_space<semaphore_mem>>)
      %dma_wait3A_121 = arith.constant 0 : i32
      %dma_wait3A_122 = tpu.memref_slice %arg10[%mul3A_2, %dma_wait3A_121] : memref<10112x128xf32, #tpu.memory_space<vmem_shared>> -> memref<632x128xf32, #tpu.memory_space<vmem_shared>>
      %dma_wait3A_123 = arith.constant 0 : i32
      %dma_wait3A_124 = tpu.memref_slice %arg5[%mul3A_2, %dma_wait3A_123] : memref<10112x128xf32, #tpu.memory_space<hbm>> -> memref<632x128xf32, #tpu.memory_space<hbm>>
      tpu.wait_dma2 semaphore(%run_scoped3A : memref<!tpu.dma_semaphore, #tpu.memory_space<semaphore_mem>>) src(%dma_wait3A_124 : memref<632x128xf32, #tpu.memory_space<hbm>>) dst(%dma_wait3A_122 : memref<632x128xf32, #tpu.memory_space<vmem_shared>>)
      tpu.yield
    }) : () -> ()
    %barrier3A = arith.constant 0 : index
    tpu.barrier barrier_id(%barrier3A)
    %scan3A = arith.constant 0 : i32
    %scan3A_30 = arith.constant 0 : i32
    %scan3A_31 = arith.constant 20 : i32
    %scan3A_32 = arith.addi %scan3A_30, %scan3A_31 : i32
    %scan3A_33 = arith.constant 1 : i32
    scf.for %scan3A_117 = %scan3A_30 to %scan3A_32 step %scan3A_33  : i32 {
      %mul3A_118 = arith.constant 2 : i32
      %mul3A_119 = arith.muli %mul3A_118, %scan3A_117 : i32
      %mul3A_120 = arith.constant 2 : i32
      %mul3A_121 = arith.muli %mul3A_120, %scan3A_117 : i32
      %add3A_122 = arith.constant 1 : i32
      %add3A_123 = arith.addi %mul3A_121, %add3A_122 : i32
      %add3A_124 = arith.constant 2 : i32
      %add3A_125 = arith.addi %mul3A_119, %add3A_124 : i32
      %rem3A = arith.constant 40 : i32
      %rem3A_126 = arith.remsi %add3A_125, %rem3A : i32
      %add3A_127 = arith.constant 2 : i32
      %add3A_128 = arith.addi %add3A_123, %add3A_127 : i32
      %rem3A_129 = arith.constant 40 : i32
      %rem3A_130 = arith.remsi %add3A_128, %rem3A_129 : i32
      %dma_wait3A_131 = arith.constant 0 : i32
      %dma_wait3A_132 = arith.constant 0 : i32
      %dma_wait3A_133 = arith.constant 0 : i32
      %dma_wait3A_134 = arith.constant 0 : i32
      %dma_wait3A_135 = tpu.memref_slice %arg9[%dma_wait3A_132, %dma_wait3A_133, %dma_wait3A_134] : memref<2x128x128xf32, #tpu.memory_space<vmem>> -> memref<1x128x128xf32, #tpu.memory_space<vmem>>
      %dma_wait3A_136 = tpu.memref_squeeze %dma_wait3A_135 : memref<1x128x128xf32, #tpu.memory_space<vmem>> -> memref<128x128xf32, #tpu.memory_space<vmem>>
      %dma_wait3A_137 = arith.constant 0 : i32
      %dma_wait3A_138 = tpu.memref_slice %arg7[%dma_wait3A_131, %dma_wait3A_137] : memref<40x128xi32, #tpu.memory_space<vmem>> -> memref<1x128xi32, #tpu.memory_space<vmem>>
      %dma_wait3A_139 = tpu.memref_squeeze %dma_wait3A_138 : memref<1x128xi32, #tpu.memory_space<vmem>> -> memref<128xi32, #tpu.memory_space<vmem>>
      %dma_wait3A_140 = arith.constant 0 : i32
      %dma_wait3A_141 = arith.constant 0 : i32
      %dma_wait3A_142 = tpu.memref_slice %arg2[%dma_wait3A_140, %dma_wait3A_141] : memref<10000x128xf32, #tpu.memory_space<hbm>> -> memref<10000x128xf32, #tpu.memory_space<hbm>>
      tpu.wait_indirect_dma semaphore(%arg11 : memref<!tpu.dma_semaphore, #tpu.memory_space<semaphore_mem>>) src(%dma_wait3A_142 : memref<10000x128xf32, #tpu.memory_space<hbm>>) dst(%dma_wait3A_136 : memref<128x128xf32, #tpu.memory_space<vmem>>)
      %dma_start3A_143 = arith.constant 0 : i32
      %dma_start3A_144 = arith.constant 0 : i32
      %dma_start3A_145 = arith.constant 0 : i32
      %dma_start3A_146 = tpu.memref_slice %arg9[%dma_start3A_143, %dma_start3A_144, %dma_start3A_145] : memref<2x128x128xf32, #tpu.memory_space<vmem>> -> memref<1x128x128xf32, #tpu.memory_space<vmem>>
      %dma_start3A_147 = tpu.memref_squeeze %dma_start3A_146 : memref<1x128x128xf32, #tpu.memory_space<vmem>> -> memref<128x128xf32, #tpu.memory_space<vmem>>
      %dma_start3A_148 = arith.constant 0 : i32
      %dma_start3A_149 = tpu.memref_slice %arg8[%mul3A_119, %dma_start3A_148] : memref<40x128xi32, #tpu.memory_space<vmem>> -> memref<1x128xi32, #tpu.memory_space<vmem>>
      %dma_start3A_150 = tpu.memref_squeeze %dma_start3A_149 : memref<1x128xi32, #tpu.memory_space<vmem>> -> memref<128xi32, #tpu.memory_space<vmem>>
      %dma_start3A_151 = arith.constant 0 : i32
      %dma_start3A_152 = arith.constant 0 : i32
      %dma_start3A_153 = tpu.memref_slice %arg10[%dma_start3A_151, %dma_start3A_152] : memref<10112x128xf32, #tpu.memory_space<vmem_shared>> -> memref<10112x128xf32, #tpu.memory_space<vmem_shared>>
      tpu.enqueue_indirect_dma source(%dma_start3A_147 : memref<128x128xf32, #tpu.memory_space<vmem>>) target(%dma_start3A_153 : memref<10112x128xf32, #tpu.memory_space<vmem_shared>>) offsets(%dma_start3A_150 : memref<128xi32, #tpu.memory_space<vmem>>) semaphore(%arg12 : memref<!tpu.dma_semaphore, #tpu.memory_space<semaphore_mem>>) {add = true}
      %dma_wait3A_154 = arith.constant 0 : i32
      %dma_wait3A_155 = arith.constant 1 : i32
      %dma_wait3A_156 = arith.constant 0 : i32
      %dma_wait3A_157 = arith.constant 0 : i32
      %dma_wait3A_158 = tpu.memref_slice %arg9[%dma_wait3A_155, %dma_wait3A_156, %dma_wait3A_157] : memref<2x128x128xf32, #tpu.memory_space<vmem>> -> memref<1x128x128xf32, #tpu.memory_space<vmem>>
      %dma_wait3A_159 = tpu.memref_squeeze %dma_wait3A_158 : memref<1x128x128xf32, #tpu.memory_space<vmem>> -> memref<128x128xf32, #tpu.memory_space<vmem>>
      %dma_wait3A_160 = arith.constant 0 : i32
      %dma_wait3A_161 = tpu.memref_slice %arg7[%dma_wait3A_154, %dma_wait3A_160] : memref<40x128xi32, #tpu.memory_space<vmem>> -> memref<1x128xi32, #tpu.memory_space<vmem>>
      %dma_wait3A_162 = tpu.memref_squeeze %dma_wait3A_161 : memref<1x128xi32, #tpu.memory_space<vmem>> -> memref<128xi32, #tpu.memory_space<vmem>>
      %dma_wait3A_163 = arith.constant 0 : i32
      %dma_wait3A_164 = arith.constant 0 : i32
      %dma_wait3A_165 = tpu.memref_slice %arg2[%dma_wait3A_163, %dma_wait3A_164] : memref<10000x128xf32, #tpu.memory_space<hbm>> -> memref<10000x128xf32, #tpu.memory_space<hbm>>
      tpu.wait_indirect_dma semaphore(%arg11 : memref<!tpu.dma_semaphore, #tpu.memory_space<semaphore_mem>>) src(%dma_wait3A_165 : memref<10000x128xf32, #tpu.memory_space<hbm>>) dst(%dma_wait3A_159 : memref<128x128xf32, #tpu.memory_space<vmem>>)
      %dma_start3A_166 = arith.constant 1 : i32
      %dma_start3A_167 = arith.constant 0 : i32
      %dma_start3A_168 = arith.constant 0 : i32
      %dma_start3A_169 = tpu.memref_slice %arg9[%dma_start3A_166, %dma_start3A_167, %dma_start3A_168] : memref<2x128x128xf32, #tpu.memory_space<vmem>> -> memref<1x128x128xf32, #tpu.memory_space<vmem>>
      %dma_start3A_170 = tpu.memref_squeeze %dma_start3A_169 : memref<1x128x128xf32, #tpu.memory_space<vmem>> -> memref<128x128xf32, #tpu.memory_space<vmem>>
      %dma_start3A_171 = arith.constant 0 : i32
      %dma_start3A_172 = tpu.memref_slice %arg8[%add3A_123, %dma_start3A_171] : memref<40x128xi32, #tpu.memory_space<vmem>> -> memref<1x128xi32, #tpu.memory_space<vmem>>
      %dma_start3A_173 = tpu.memref_squeeze %dma_start3A_172 : memref<1x128xi32, #tpu.memory_space<vmem>> -> memref<128xi32, #tpu.memory_space<vmem>>
      %dma_start3A_174 = arith.constant 0 : i32
      %dma_start3A_175 = arith.constant 0 : i32
      %dma_start3A_176 = tpu.memref_slice %arg10[%dma_start3A_174, %dma_start3A_175] : memref<10112x128xf32, #tpu.memory_space<vmem_shared>> -> memref<10112x128xf32, #tpu.memory_space<vmem_shared>>
      tpu.enqueue_indirect_dma source(%dma_start3A_170 : memref<128x128xf32, #tpu.memory_space<vmem>>) target(%dma_start3A_176 : memref<10112x128xf32, #tpu.memory_space<vmem_shared>>) offsets(%dma_start3A_173 : memref<128xi32, #tpu.memory_space<vmem>>) semaphore(%arg12 : memref<!tpu.dma_semaphore, #tpu.memory_space<semaphore_mem>>) {add = true}
      %dma_wait3A_177 = arith.constant 0 : i32
      %dma_wait3A_178 = arith.constant 0 : i32
      %dma_wait3A_179 = arith.constant 0 : i32
      %dma_wait3A_180 = tpu.memref_slice %arg9[%dma_wait3A_177, %dma_wait3A_178, %dma_wait3A_179] : memref<2x128x128xf32, #tpu.memory_space<vmem>> -> memref<1x128x128xf32, #tpu.memory_space<vmem>>
      %dma_wait3A_181 = tpu.memref_squeeze %dma_wait3A_180 : memref<1x128x128xf32, #tpu.memory_space<vmem>> -> memref<128x128xf32, #tpu.memory_space<vmem>>
      %dma_wait3A_182 = arith.constant 0 : i32
      %dma_wait3A_183 = tpu.memref_slice %arg8[%mul3A_119, %dma_wait3A_182] : memref<40x128xi32, #tpu.memory_space<vmem>> -> memref<1x128xi32, #tpu.memory_space<vmem>>
      %dma_wait3A_184 = tpu.memref_squeeze %dma_wait3A_183 : memref<1x128xi32, #tpu.memory_space<vmem>> -> memref<128xi32, #tpu.memory_space<vmem>>
      %dma_wait3A_185 = arith.constant 0 : i32
      %dma_wait3A_186 = arith.constant 0 : i32
      %dma_wait3A_187 = tpu.memref_slice %arg10[%dma_wait3A_185, %dma_wait3A_186] : memref<10112x128xf32, #tpu.memory_space<vmem_shared>> -> memref<10112x128xf32, #tpu.memory_space<vmem_shared>>
      tpu.wait_indirect_dma semaphore(%arg12 : memref<!tpu.dma_semaphore, #tpu.memory_space<semaphore_mem>>) src(%dma_wait3A_181 : memref<128x128xf32, #tpu.memory_space<vmem>>) dst(%dma_wait3A_187 : memref<10112x128xf32, #tpu.memory_space<vmem_shared>>)
      %dma_start3A_188 = arith.constant 0 : i32
      %dma_start3A_189 = arith.constant 0 : i32
      %dma_start3A_190 = arith.constant 0 : i32
      %dma_start3A_191 = tpu.memref_slice %arg9[%dma_start3A_188, %dma_start3A_189, %dma_start3A_190] : memref<2x128x128xf32, #tpu.memory_space<vmem>> -> memref<1x128x128xf32, #tpu.memory_space<vmem>>
      %dma_start3A_192 = tpu.memref_squeeze %dma_start3A_191 : memref<1x128x128xf32, #tpu.memory_space<vmem>> -> memref<128x128xf32, #tpu.memory_space<vmem>>
      %dma_start3A_193 = arith.constant 0 : i32
      %dma_start3A_194 = tpu.memref_slice %arg7[%rem3A_126, %dma_start3A_193] : memref<40x128xi32, #tpu.memory_space<vmem>> -> memref<1x128xi32, #tpu.memory_space<vmem>>
      %dma_start3A_195 = tpu.memref_squeeze %dma_start3A_194 : memref<1x128xi32, #tpu.memory_space<vmem>> -> memref<128xi32, #tpu.memory_space<vmem>>
      %dma_start3A_196 = arith.constant 0 : i32
      %dma_start3A_197 = arith.constant 0 : i32
      %dma_start3A_198 = tpu.memref_slice %arg2[%dma_start3A_196, %dma_start3A_197] : memref<10000x128xf32, #tpu.memory_space<hbm>> -> memref<10000x128xf32, #tpu.memory_space<hbm>>
      tpu.enqueue_indirect_dma source(%dma_start3A_198 : memref<10000x128xf32, #tpu.memory_space<hbm>>) target(%dma_start3A_192 : memref<128x128xf32, #tpu.memory_space<vmem>>) offsets(%dma_start3A_195 : memref<128xi32, #tpu.memory_space<vmem>>) semaphore(%arg11 : memref<!tpu.dma_semaphore, #tpu.memory_space<semaphore_mem>>)
      %dma_wait3A_199 = arith.constant 1 : i32
      %dma_wait3A_200 = arith.constant 0 : i32
      %dma_wait3A_201 = arith.constant 0 : i32
      %dma_wait3A_202 = tpu.memref_slice %arg9[%dma_wait3A_199, %dma_wait3A_200, %dma_wait3A_201] : memref<2x128x128xf32, #tpu.memory_space<vmem>> -> memref<1x128x128xf32, #tpu.memory_space<vmem>>
      %dma_wait3A_203 = tpu.memref_squeeze %dma_wait3A_202 : memref<1x128x128xf32, #tpu.memory_space<vmem>> -> memref<128x128xf32, #tpu.memory_space<vmem>>
      %dma_wait3A_204 = arith.constant 0 : i32
      %dma_wait3A_205 = tpu.memref_slice %arg8[%add3A_123, %dma_wait3A_204] : memref<40x128xi32, #tpu.memory_space<vmem>> -> memref<1x128xi32, #tpu.memory_space<vmem>>
      %dma_wait3A_206 = tpu.memref_squeeze %dma_wait3A_205 : memref<1x128xi32, #tpu.memory_space<vmem>> -> memref<128xi32, #tpu.memory_space<vmem>>
      %dma_wait3A_207 = arith.constant 0 : i32
      %dma_wait3A_208 = arith.constant 0 : i32
      %dma_wait3A_209 = tpu.memref_slice %arg10[%dma_wait3A_207, %dma_wait3A_208] : memref<10112x128xf32, #tpu.memory_space<vmem_shared>> -> memref<10112x128xf32, #tpu.memory_space<vmem_shared>>
      tpu.wait_indirect_dma semaphore(%arg12 : memref<!tpu.dma_semaphore, #tpu.memory_space<semaphore_mem>>) src(%dma_wait3A_203 : memref<128x128xf32, #tpu.memory_space<vmem>>) dst(%dma_wait3A_209 : memref<10112x128xf32, #tpu.memory_space<vmem_shared>>)
      %dma_start3A_210 = arith.constant 1 : i32
      %dma_start3A_211 = arith.constant 0 : i32
      %dma_start3A_212 = arith.constant 0 : i32
      %dma_start3A_213 = tpu.memref_slice %arg9[%dma_start3A_210, %dma_start3A_211, %dma_start3A_212] : memref<2x128x128xf32, #tpu.memory_space<vmem>> -> memref<1x128x128xf32, #tpu.memory_space<vmem>>
      %dma_start3A_214 = tpu.memref_squeeze %dma_start3A_213 : memref<1x128x128xf32, #tpu.memory_space<vmem>> -> memref<128x128xf32, #tpu.memory_space<vmem>>
      %dma_start3A_215 = arith.constant 0 : i32
      %dma_start3A_216 = tpu.memref_slice %arg7[%rem3A_130, %dma_start3A_215] : memref<40x128xi32, #tpu.memory_space<vmem>> -> memref<1x128xi32, #tpu.memory_space<vmem>>
      %dma_start3A_217 = tpu.memref_squeeze %dma_start3A_216 : memref<1x128xi32, #tpu.memory_space<vmem>> -> memref<128xi32, #tpu.memory_space<vmem>>
      %dma_start3A_218 = arith.constant 0 : i32
      %dma_start3A_219 = arith.constant 0 : i32
      %dma_start3A_220 = tpu.memref_slice %arg2[%dma_start3A_218, %dma_start3A_219] : memref<10000x128xf32, #tpu.memory_space<hbm>> -> memref<10000x128xf32, #tpu.memory_space<hbm>>
      tpu.enqueue_indirect_dma source(%dma_start3A_220 : memref<10000x128xf32, #tpu.memory_space<hbm>>) target(%dma_start3A_214 : memref<128x128xf32, #tpu.memory_space<vmem>>) offsets(%dma_start3A_217 : memref<128xi32, #tpu.memory_space<vmem>>) semaphore(%arg11 : memref<!tpu.dma_semaphore, #tpu.memory_space<semaphore_mem>>)
    }
    %scan3A_34 = arith.constant 20 : i32
    %dma_wait3A = arith.constant 0 : i32
    %dma_wait3A_35 = arith.constant 0 : i32
    %dma_wait3A_36 = arith.constant 0 : i32
    %dma_wait3A_37 = arith.constant 0 : i32
    %dma_wait3A_38 = tpu.memref_slice %arg9[%dma_wait3A_35, %dma_wait3A_36, %dma_wait3A_37] : memref<2x128x128xf32, #tpu.memory_space<vmem>> -> memref<1x128x128xf32, #tpu.memory_space<vmem>>
    %dma_wait3A_39 = tpu.memref_squeeze %dma_wait3A_38 : memref<1x128x128xf32, #tpu.memory_space<vmem>> -> memref<128x128xf32, #tpu.memory_space<vmem>>
    %dma_wait3A_40 = arith.constant 0 : i32
    %dma_wait3A_41 = tpu.memref_slice %arg7[%dma_wait3A, %dma_wait3A_40] : memref<40x128xi32, #tpu.memory_space<vmem>> -> memref<1x128xi32, #tpu.memory_space<vmem>>
    %dma_wait3A_42 = tpu.memref_squeeze %dma_wait3A_41 : memref<1x128xi32, #tpu.memory_space<vmem>> -> memref<128xi32, #tpu.memory_space<vmem>>
    %dma_wait3A_43 = arith.constant 0 : i32
    %dma_wait3A_44 = arith.constant 0 : i32
    %dma_wait3A_45 = tpu.memref_slice %arg2[%dma_wait3A_43, %dma_wait3A_44] : memref<10000x128xf32, #tpu.memory_space<hbm>> -> memref<10000x128xf32, #tpu.memory_space<hbm>>
    tpu.wait_indirect_dma semaphore(%arg11 : memref<!tpu.dma_semaphore, #tpu.memory_space<semaphore_mem>>) src(%dma_wait3A_45 : memref<10000x128xf32, #tpu.memory_space<hbm>>) dst(%dma_wait3A_39 : memref<128x128xf32, #tpu.memory_space<vmem>>)
    %dma_wait3A_46 = arith.constant 0 : i32
    %dma_wait3A_47 = arith.constant 1 : i32
    %dma_wait3A_48 = arith.constant 0 : i32
    %dma_wait3A_49 = arith.constant 0 : i32
    %dma_wait3A_50 = tpu.memref_slice %arg9[%dma_wait3A_47, %dma_wait3A_48, %dma_wait3A_49] : memref<2x128x128xf32, #tpu.memory_space<vmem>> -> memref<1x128x128xf32, #tpu.memory_space<vmem>>
    %dma_wait3A_51 = tpu.memref_squeeze %dma_wait3A_50 : memref<1x128x128xf32, #tpu.memory_space<vmem>> -> memref<128x128xf32, #tpu.memory_space<vmem>>
    %dma_wait3A_52 = arith.constant 0 : i32
    %dma_wait3A_53 = tpu.memref_slice %arg7[%dma_wait3A_46, %dma_wait3A_52] : memref<40x128xi32, #tpu.memory_space<vmem>> -> memref<1x128xi32, #tpu.memory_space<vmem>>
    %dma_wait3A_54 = tpu.memref_squeeze %dma_wait3A_53 : memref<1x128xi32, #tpu.memory_space<vmem>> -> memref<128xi32, #tpu.memory_space<vmem>>
    %dma_wait3A_55 = arith.constant 0 : i32
    %dma_wait3A_56 = arith.constant 0 : i32
    %dma_wait3A_57 = tpu.memref_slice %arg2[%dma_wait3A_55, %dma_wait3A_56] : memref<10000x128xf32, #tpu.memory_space<hbm>> -> memref<10000x128xf32, #tpu.memory_space<hbm>>
    tpu.wait_indirect_dma semaphore(%arg11 : memref<!tpu.dma_semaphore, #tpu.memory_space<semaphore_mem>>) src(%dma_wait3A_57 : memref<10000x128xf32, #tpu.memory_space<hbm>>) dst(%dma_wait3A_51 : memref<128x128xf32, #tpu.memory_space<vmem>>)
    %mul3A_58 = arith.constant 80 : i32
    %mul3A_59 = arith.muli %add3A, %mul3A_58 : i32
    %add3A_60 = arith.constant 40 : i32
    %add3A_61 = arith.addi %mul3A_59, %add3A_60 : i32
    "tpu.region"() ({
      %run_scoped3A = tpu.sem_alloc : memref<!tpu.dma_semaphore, #tpu.memory_space<semaphore_mem>>
      %dma_start3A_117 = arith.constant 0 : i32
      %dma_start3A_118 = tpu.memref_slice %arg3[%add3A_61, %dma_start3A_117] : memref<2560x128xi32, #tpu.memory_space<hbm>> -> memref<40x128xi32, #tpu.memory_space<hbm>>
      %dma_start3A_119 = arith.constant 0 : i32
      %dma_start3A_120 = tpu.memref_slice %arg3[%add3A_61, %dma_start3A_119] : memref<2560x128xi32, #tpu.memory_space<hbm>> -> memref<40x128xi32, #tpu.memory_space<hbm>>
      tpu.enqueue_dma source(%dma_start3A_120 : memref<40x128xi32, #tpu.memory_space<hbm>>) target(%arg7 : memref<40x128xi32, #tpu.memory_space<vmem>>) target_semaphore(%run_scoped3A : memref<!tpu.dma_semaphore, #tpu.memory_space<semaphore_mem>>)
      %dma_wait3A_121 = arith.constant 0 : i32
      %dma_wait3A_122 = tpu.memref_slice %arg3[%add3A_61, %dma_wait3A_121] : memref<2560x128xi32, #tpu.memory_space<hbm>> -> memref<40x128xi32, #tpu.memory_space<hbm>>
      %dma_wait3A_123 = arith.constant 0 : i32
      %dma_wait3A_124 = tpu.memref_slice %arg3[%add3A_61, %dma_wait3A_123] : memref<2560x128xi32, #tpu.memory_space<hbm>> -> memref<40x128xi32, #tpu.memory_space<hbm>>
      tpu.wait_dma2 semaphore(%run_scoped3A : memref<!tpu.dma_semaphore, #tpu.memory_space<semaphore_mem>>) src(%dma_wait3A_124 : memref<40x128xi32, #tpu.memory_space<hbm>>) dst(%arg7 : memref<40x128xi32, #tpu.memory_space<vmem>>)
      tpu.yield
    }) : () -> ()
    "tpu.region"() ({
      %run_scoped3A = tpu.sem_alloc : memref<!tpu.dma_semaphore, #tpu.memory_space<semaphore_mem>>
      %dma_start3A_117 = arith.constant 0 : i32
      %dma_start3A_118 = tpu.memref_slice %arg4[%add3A_61, %dma_start3A_117] : memref<2560x128xi32, #tpu.memory_space<hbm>> -> memref<40x128xi32, #tpu.memory_space<hbm>>
      %dma_start3A_119 = arith.constant 0 : i32
      %dma_start3A_120 = tpu.memref_slice %arg4[%add3A_61, %dma_start3A_119] : memref<2560x128xi32, #tpu.memory_space<hbm>> -> memref<40x128xi32, #tpu.memory_space<hbm>>
      tpu.enqueue_dma source(%dma_start3A_120 : memref<40x128xi32, #tpu.memory_space<hbm>>) target(%arg8 : memref<40x128xi32, #tpu.memory_space<vmem>>) target_semaphore(%run_scoped3A : memref<!tpu.dma_semaphore, #tpu.memory_space<semaphore_mem>>)
      %dma_wait3A_121 = arith.constant 0 : i32
      %dma_wait3A_122 = tpu.memref_slice %arg4[%add3A_61, %dma_wait3A_121] : memref<2560x128xi32, #tpu.memory_space<hbm>> -> memref<40x128xi32, #tpu.memory_space<hbm>>
      %dma_wait3A_123 = arith.constant 0 : i32
      %dma_wait3A_124 = tpu.memref_slice %arg4[%add3A_61, %dma_wait3A_123] : memref<2560x128xi32, #tpu.memory_space<hbm>> -> memref<40x128xi32, #tpu.memory_space<hbm>>
      tpu.wait_dma2 semaphore(%run_scoped3A : memref<!tpu.dma_semaphore, #tpu.memory_space<semaphore_mem>>) src(%dma_wait3A_124 : memref<40x128xi32, #tpu.memory_space<hbm>>) dst(%arg8 : memref<40x128xi32, #tpu.memory_space<vmem>>)
      tpu.yield
    }) : () -> ()
    %dma_start3A_62 = arith.constant 0 : i32
    %dma_start3A_63 = arith.constant 0 : i32
    %dma_start3A_64 = arith.constant 0 : i32
    %dma_start3A_65 = arith.constant 0 : i32
    %dma_start3A_66 = tpu.memref_slice %arg9[%dma_start3A_63, %dma_start3A_64, %dma_start3A_65] : memref<2x128x128xf32, #tpu.memory_space<vmem>> -> memref<1x128x128xf32, #tpu.memory_space<vmem>>
    %dma_start3A_67 = tpu.memref_squeeze %dma_start3A_66 : memref<1x128x128xf32, #tpu.memory_space<vmem>> -> memref<128x128xf32, #tpu.memory_space<vmem>>
    %dma_start3A_68 = arith.constant 0 : i32
    %dma_start3A_69 = tpu.memref_slice %arg7[%dma_start3A_62, %dma_start3A_68] : memref<40x128xi32, #tpu.memory_space<vmem>> -> memref<1x128xi32, #tpu.memory_space<vmem>>
    %dma_start3A_70 = tpu.memref_squeeze %dma_start3A_69 : memref<1x128xi32, #tpu.memory_space<vmem>> -> memref<128xi32, #tpu.memory_space<vmem>>
    %dma_start3A_71 = arith.constant 0 : i32
    %dma_start3A_72 = arith.constant 0 : i32
    %dma_start3A_73 = tpu.memref_slice %arg2[%dma_start3A_71, %dma_start3A_72] : memref<10000x128xf32, #tpu.memory_space<hbm>> -> memref<10000x128xf32, #tpu.memory_space<hbm>>
    tpu.enqueue_indirect_dma source(%dma_start3A_73 : memref<10000x128xf32, #tpu.memory_space<hbm>>) target(%dma_start3A_67 : memref<128x128xf32, #tpu.memory_space<vmem>>) offsets(%dma_start3A_70 : memref<128xi32, #tpu.memory_space<vmem>>) semaphore(%arg11 : memref<!tpu.dma_semaphore, #tpu.memory_space<semaphore_mem>>)
    %dma_start3A_74 = arith.constant 1 : i32
    %dma_start3A_75 = arith.constant 1 : i32
    %dma_start3A_76 = arith.constant 0 : i32
    %dma_start3A_77 = arith.constant 0 : i32
    %dma_start3A_78 = tpu.memref_slice %arg9[%dma_start3A_75, %dma_start3A_76, %dma_start3A_77] : memref<2x128x128xf32, #tpu.memory_space<vmem>> -> memref<1x128x128xf32, #tpu.memory_space<vmem>>
    %dma_start3A_79 = tpu.memref_squeeze %dma_start3A_78 : memref<1x128x128xf32, #tpu.memory_space<vmem>> -> memref<128x128xf32, #tpu.memory_space<vmem>>
    %dma_start3A_80 = arith.constant 0 : i32
    %dma_start3A_81 = tpu.memref_slice %arg7[%dma_start3A_74, %dma_start3A_80] : memref<40x128xi32, #tpu.memory_space<vmem>> -> memref<1x128xi32, #tpu.memory_space<vmem>>
    %dma_start3A_82 = tpu.memref_squeeze %dma_start3A_81 : memref<1x128xi32, #tpu.memory_space<vmem>> -> memref<128xi32, #tpu.memory_space<vmem>>
    %dma_start3A_83 = arith.constant 0 : i32
    %dma_start3A_84 = arith.constant 0 : i32
    %dma_start3A_85 = tpu.memref_slice %arg2[%dma_start3A_83, %dma_start3A_84] : memref<10000x128xf32, #tpu.memory_space<hbm>> -> memref<10000x128xf32, #tpu.memory_space<hbm>>
    tpu.enqueue_indirect_dma source(%dma_start3A_85 : memref<10000x128xf32, #tpu.memory_space<hbm>>) target(%dma_start3A_79 : memref<128x128xf32, #tpu.memory_space<vmem>>) offsets(%dma_start3A_82 : memref<128xi32, #tpu.memory_space<vmem>>) semaphore(%arg11 : memref<!tpu.dma_semaphore, #tpu.memory_space<semaphore_mem>>)
    %scan3A_86 = arith.constant 0 : i32
    %scan3A_87 = arith.constant 0 : i32
    %scan3A_88 = arith.constant 20 : i32
    %scan3A_89 = arith.addi %scan3A_87, %scan3A_88 : i32
    %scan3A_90 = arith.constant 1 : i32
    scf.for %scan3A_117 = %scan3A_87 to %scan3A_89 step %scan3A_90  : i32 {
      %mul3A_118 = arith.constant 2 : i32
      %mul3A_119 = arith.muli %mul3A_118, %scan3A_117 : i32
      %mul3A_120 = arith.constant 2 : i32
      %mul3A_121 = arith.muli %mul3A_120, %scan3A_117 : i32
      %add3A_122 = arith.constant 1 : i32
      %add3A_123 = arith.addi %mul3A_121, %add3A_122 : i32
      %add3A_124 = arith.constant 2 : i32
      %add3A_125 = arith.addi %mul3A_119, %add3A_124 : i32
      %rem3A = arith.constant 40 : i32
      %rem3A_126 = arith.remsi %add3A_125, %rem3A : i32
      %add3A_127 = arith.constant 2 : i32
      %add3A_128 = arith.addi %add3A_123, %add3A_127 : i32
      %rem3A_129 = arith.constant 40 : i32
      %rem3A_130 = arith.remsi %add3A_128, %rem3A_129 : i32
      %dma_wait3A_131 = arith.constant 0 : i32
      %dma_wait3A_132 = arith.constant 0 : i32
      %dma_wait3A_133 = arith.constant 0 : i32
      %dma_wait3A_134 = arith.constant 0 : i32
      %dma_wait3A_135 = tpu.memref_slice %arg9[%dma_wait3A_132, %dma_wait3A_133, %dma_wait3A_134] : memref<2x128x128xf32, #tpu.memory_space<vmem>> -> memref<1x128x128xf32, #tpu.memory_space<vmem>>
      %dma_wait3A_136 = tpu.memref_squeeze %dma_wait3A_135 : memref<1x128x128xf32, #tpu.memory_space<vmem>> -> memref<128x128xf32, #tpu.memory_space<vmem>>
      %dma_wait3A_137 = arith.constant 0 : i32
      %dma_wait3A_138 = tpu.memref_slice %arg7[%dma_wait3A_131, %dma_wait3A_137] : memref<40x128xi32, #tpu.memory_space<vmem>> -> memref<1x128xi32, #tpu.memory_space<vmem>>
      %dma_wait3A_139 = tpu.memref_squeeze %dma_wait3A_138 : memref<1x128xi32, #tpu.memory_space<vmem>> -> memref<128xi32, #tpu.memory_space<vmem>>
      %dma_wait3A_140 = arith.constant 0 : i32
      %dma_wait3A_141 = arith.constant 0 : i32
      %dma_wait3A_142 = tpu.memref_slice %arg2[%dma_wait3A_140, %dma_wait3A_141] : memref<10000x128xf32, #tpu.memory_space<hbm>> -> memref<10000x128xf32, #tpu.memory_space<hbm>>
      tpu.wait_indirect_dma semaphore(%arg11 : memref<!tpu.dma_semaphore, #tpu.memory_space<semaphore_mem>>) src(%dma_wait3A_142 : memref<10000x128xf32, #tpu.memory_space<hbm>>) dst(%dma_wait3A_136 : memref<128x128xf32, #tpu.memory_space<vmem>>)
      %dma_start3A_143 = arith.constant 0 : i32
      %dma_start3A_144 = arith.constant 0 : i32
      %dma_start3A_145 = arith.constant 0 : i32
      %dma_start3A_146 = tpu.memref_slice %arg9[%dma_start3A_143, %dma_start3A_144, %dma_start3A_145] : memref<2x128x128xf32, #tpu.memory_space<vmem>> -> memref<1x128x128xf32, #tpu.memory_space<vmem>>
      %dma_start3A_147 = tpu.memref_squeeze %dma_start3A_146 : memref<1x128x128xf32, #tpu.memory_space<vmem>> -> memref<128x128xf32, #tpu.memory_space<vmem>>
      %dma_start3A_148 = arith.constant 0 : i32
      %dma_start3A_149 = tpu.memref_slice %arg8[%mul3A_119, %dma_start3A_148] : memref<40x128xi32, #tpu.memory_space<vmem>> -> memref<1x128xi32, #tpu.memory_space<vmem>>
      %dma_start3A_150 = tpu.memref_squeeze %dma_start3A_149 : memref<1x128xi32, #tpu.memory_space<vmem>> -> memref<128xi32, #tpu.memory_space<vmem>>
      %dma_start3A_151 = arith.constant 0 : i32
      %dma_start3A_152 = arith.constant 0 : i32
      %dma_start3A_153 = tpu.memref_slice %arg10[%dma_start3A_151, %dma_start3A_152] : memref<10112x128xf32, #tpu.memory_space<vmem_shared>> -> memref<10112x128xf32, #tpu.memory_space<vmem_shared>>
      tpu.enqueue_indirect_dma source(%dma_start3A_147 : memref<128x128xf32, #tpu.memory_space<vmem>>) target(%dma_start3A_153 : memref<10112x128xf32, #tpu.memory_space<vmem_shared>>) offsets(%dma_start3A_150 : memref<128xi32, #tpu.memory_space<vmem>>) semaphore(%arg12 : memref<!tpu.dma_semaphore, #tpu.memory_space<semaphore_mem>>) {add = true}
      %dma_wait3A_154 = arith.constant 0 : i32
      %dma_wait3A_155 = arith.constant 1 : i32
      %dma_wait3A_156 = arith.constant 0 : i32
      %dma_wait3A_157 = arith.constant 0 : i32
      %dma_wait3A_158 = tpu.memref_slice %arg9[%dma_wait3A_155, %dma_wait3A_156, %dma_wait3A_157] : memref<2x128x128xf32, #tpu.memory_space<vmem>> -> memref<1x128x128xf32, #tpu.memory_space<vmem>>
      %dma_wait3A_159 = tpu.memref_squeeze %dma_wait3A_158 : memref<1x128x128xf32, #tpu.memory_space<vmem>> -> memref<128x128xf32, #tpu.memory_space<vmem>>
      %dma_wait3A_160 = arith.constant 0 : i32
      %dma_wait3A_161 = tpu.memref_slice %arg7[%dma_wait3A_154, %dma_wait3A_160] : memref<40x128xi32, #tpu.memory_space<vmem>> -> memref<1x128xi32, #tpu.memory_space<vmem>>
      %dma_wait3A_162 = tpu.memref_squeeze %dma_wait3A_161 : memref<1x128xi32, #tpu.memory_space<vmem>> -> memref<128xi32, #tpu.memory_space<vmem>>
      %dma_wait3A_163 = arith.constant 0 : i32
      %dma_wait3A_164 = arith.constant 0 : i32
      %dma_wait3A_165 = tpu.memref_slice %arg2[%dma_wait3A_163, %dma_wait3A_164] : memref<10000x128xf32, #tpu.memory_space<hbm>> -> memref<10000x128xf32, #tpu.memory_space<hbm>>
      tpu.wait_indirect_dma semaphore(%arg11 : memref<!tpu.dma_semaphore, #tpu.memory_space<semaphore_mem>>) src(%dma_wait3A_165 : memref<10000x128xf32, #tpu.memory_space<hbm>>) dst(%dma_wait3A_159 : memref<128x128xf32, #tpu.memory_space<vmem>>)
      %dma_start3A_166 = arith.constant 1 : i32
      %dma_start3A_167 = arith.constant 0 : i32
      %dma_start3A_168 = arith.constant 0 : i32
      %dma_start3A_169 = tpu.memref_slice %arg9[%dma_start3A_166, %dma_start3A_167, %dma_start3A_168] : memref<2x128x128xf32, #tpu.memory_space<vmem>> -> memref<1x128x128xf32, #tpu.memory_space<vmem>>
      %dma_start3A_170 = tpu.memref_squeeze %dma_start3A_169 : memref<1x128x128xf32, #tpu.memory_space<vmem>> -> memref<128x128xf32, #tpu.memory_space<vmem>>
      %dma_start3A_171 = arith.constant 0 : i32
      %dma_start3A_172 = tpu.memref_slice %arg8[%add3A_123, %dma_start3A_171] : memref<40x128xi32, #tpu.memory_space<vmem>> -> memref<1x128xi32, #tpu.memory_space<vmem>>
      %dma_start3A_173 = tpu.memref_squeeze %dma_start3A_172 : memref<1x128xi32, #tpu.memory_space<vmem>> -> memref<128xi32, #tpu.memory_space<vmem>>
      %dma_start3A_174 = arith.constant 0 : i32
      %dma_start3A_175 = arith.constant 0 : i32
      %dma_start3A_176 = tpu.memref_slice %arg10[%dma_start3A_174, %dma_start3A_175] : memref<10112x128xf32, #tpu.memory_space<vmem_shared>> -> memref<10112x128xf32, #tpu.memory_space<vmem_shared>>
      tpu.enqueue_indirect_dma source(%dma_start3A_170 : memref<128x128xf32, #tpu.memory_space<vmem>>) target(%dma_start3A_176 : memref<10112x128xf32, #tpu.memory_space<vmem_shared>>) offsets(%dma_start3A_173 : memref<128xi32, #tpu.memory_space<vmem>>) semaphore(%arg12 : memref<!tpu.dma_semaphore, #tpu.memory_space<semaphore_mem>>) {add = true}
      %dma_wait3A_177 = arith.constant 0 : i32
      %dma_wait3A_178 = arith.constant 0 : i32
      %dma_wait3A_179 = arith.constant 0 : i32
      %dma_wait3A_180 = tpu.memref_slice %arg9[%dma_wait3A_177, %dma_wait3A_178, %dma_wait3A_179] : memref<2x128x128xf32, #tpu.memory_space<vmem>> -> memref<1x128x128xf32, #tpu.memory_space<vmem>>
      %dma_wait3A_181 = tpu.memref_squeeze %dma_wait3A_180 : memref<1x128x128xf32, #tpu.memory_space<vmem>> -> memref<128x128xf32, #tpu.memory_space<vmem>>
      %dma_wait3A_182 = arith.constant 0 : i32
      %dma_wait3A_183 = tpu.memref_slice %arg8[%mul3A_119, %dma_wait3A_182] : memref<40x128xi32, #tpu.memory_space<vmem>> -> memref<1x128xi32, #tpu.memory_space<vmem>>
      %dma_wait3A_184 = tpu.memref_squeeze %dma_wait3A_183 : memref<1x128xi32, #tpu.memory_space<vmem>> -> memref<128xi32, #tpu.memory_space<vmem>>
      %dma_wait3A_185 = arith.constant 0 : i32
      %dma_wait3A_186 = arith.constant 0 : i32
      %dma_wait3A_187 = tpu.memref_slice %arg10[%dma_wait3A_185, %dma_wait3A_186] : memref<10112x128xf32, #tpu.memory_space<vmem_shared>> -> memref<10112x128xf32, #tpu.memory_space<vmem_shared>>
      tpu.wait_indirect_dma semaphore(%arg12 : memref<!tpu.dma_semaphore, #tpu.memory_space<semaphore_mem>>) src(%dma_wait3A_181 : memref<128x128xf32, #tpu.memory_space<vmem>>) dst(%dma_wait3A_187 : memref<10112x128xf32, #tpu.memory_space<vmem_shared>>)
      %dma_start3A_188 = arith.constant 0 : i32
      %dma_start3A_189 = arith.constant 0 : i32
      %dma_start3A_190 = arith.constant 0 : i32
      %dma_start3A_191 = tpu.memref_slice %arg9[%dma_start3A_188, %dma_start3A_189, %dma_start3A_190] : memref<2x128x128xf32, #tpu.memory_space<vmem>> -> memref<1x128x128xf32, #tpu.memory_space<vmem>>
      %dma_start3A_192 = tpu.memref_squeeze %dma_start3A_191 : memref<1x128x128xf32, #tpu.memory_space<vmem>> -> memref<128x128xf32, #tpu.memory_space<vmem>>
      %dma_start3A_193 = arith.constant 0 : i32
      %dma_start3A_194 = tpu.memref_slice %arg7[%rem3A_126, %dma_start3A_193] : memref<40x128xi32, #tpu.memory_space<vmem>> -> memref<1x128xi32, #tpu.memory_space<vmem>>
      %dma_start3A_195 = tpu.memref_squeeze %dma_start3A_194 : memref<1x128xi32, #tpu.memory_space<vmem>> -> memref<128xi32, #tpu.memory_space<vmem>>
      %dma_start3A_196 = arith.constant 0 : i32
      %dma_start3A_197 = arith.constant 0 : i32
      %dma_start3A_198 = tpu.memref_slice %arg2[%dma_start3A_196, %dma_start3A_197] : memref<10000x128xf32, #tpu.memory_space<hbm>> -> memref<10000x128xf32, #tpu.memory_space<hbm>>
      tpu.enqueue_indirect_dma source(%dma_start3A_198 : memref<10000x128xf32, #tpu.memory_space<hbm>>) target(%dma_start3A_192 : memref<128x128xf32, #tpu.memory_space<vmem>>) offsets(%dma_start3A_195 : memref<128xi32, #tpu.memory_space<vmem>>) semaphore(%arg11 : memref<!tpu.dma_semaphore, #tpu.memory_space<semaphore_mem>>)
      %dma_wait3A_199 = arith.constant 1 : i32
      %dma_wait3A_200 = arith.constant 0 : i32
      %dma_wait3A_201 = arith.constant 0 : i32
      %dma_wait3A_202 = tpu.memref_slice %arg9[%dma_wait3A_199, %dma_wait3A_200, %dma_wait3A_201] : memref<2x128x128xf32, #tpu.memory_space<vmem>> -> memref<1x128x128xf32, #tpu.memory_space<vmem>>
      %dma_wait3A_203 = tpu.memref_squeeze %dma_wait3A_202 : memref<1x128x128xf32, #tpu.memory_space<vmem>> -> memref<128x128xf32, #tpu.memory_space<vmem>>
      %dma_wait3A_204 = arith.constant 0 : i32
      %dma_wait3A_205 = tpu.memref_slice %arg8[%add3A_123, %dma_wait3A_204] : memref<40x128xi32, #tpu.memory_space<vmem>> -> memref<1x128xi32, #tpu.memory_space<vmem>>
      %dma_wait3A_206 = tpu.memref_squeeze %dma_wait3A_205 : memref<1x128xi32, #tpu.memory_space<vmem>> -> memref<128xi32, #tpu.memory_space<vmem>>
      %dma_wait3A_207 = arith.constant 0 : i32
      %dma_wait3A_208 = arith.constant 0 : i32
      %dma_wait3A_209 = tpu.memref_slice %arg10[%dma_wait3A_207, %dma_wait3A_208] : memref<10112x128xf32, #tpu.memory_space<vmem_shared>> -> memref<10112x128xf32, #tpu.memory_space<vmem_shared>>
      tpu.wait_indirect_dma semaphore(%arg12 : memref<!tpu.dma_semaphore, #tpu.memory_space<semaphore_mem>>) src(%dma_wait3A_203 : memref<128x128xf32, #tpu.memory_space<vmem>>) dst(%dma_wait3A_209 : memref<10112x128xf32, #tpu.memory_space<vmem_shared>>)
      %dma_start3A_210 = arith.constant 1 : i32
      %dma_start3A_211 = arith.constant 0 : i32
      %dma_start3A_212 = arith.constant 0 : i32
      %dma_start3A_213 = tpu.memref_slice %arg9[%dma_start3A_210, %dma_start3A_211, %dma_start3A_212] : memref<2x128x128xf32, #tpu.memory_space<vmem>> -> memref<1x128x128xf32, #tpu.memory_space<vmem>>
      %dma_start3A_214 = tpu.memref_squeeze %dma_start3A_213 : memref<1x128x128xf32, #tpu.memory_space<vmem>> -> memref<128x128xf32, #tpu.memory_space<vmem>>
      %dma_start3A_215 = arith.constant 0 : i32
      %dma_start3A_216 = tpu.memref_slice %arg7[%rem3A_130, %dma_start3A_215] : memref<40x128xi32, #tpu.memory_space<vmem>> -> memref<1x128xi32, #tpu.memory_space<vmem>>
      %dma_start3A_217 = tpu.memref_squeeze %dma_start3A_216 : memref<1x128xi32, #tpu.memory_space<vmem>> -> memref<128xi32, #tpu.memory_space<vmem>>
      %dma_start3A_218 = arith.constant 0 : i32
      %dma_start3A_219 = arith.constant 0 : i32
      %dma_start3A_220 = tpu.memref_slice %arg2[%dma_start3A_218, %dma_start3A_219] : memref<10000x128xf32, #tpu.memory_space<hbm>> -> memref<10000x128xf32, #tpu.memory_space<hbm>>
      tpu.enqueue_indirect_dma source(%dma_start3A_220 : memref<10000x128xf32, #tpu.memory_space<hbm>>) target(%dma_start3A_214 : memref<128x128xf32, #tpu.memory_space<vmem>>) offsets(%dma_start3A_217 : memref<128xi32, #tpu.memory_space<vmem>>) semaphore(%arg11 : memref<!tpu.dma_semaphore, #tpu.memory_space<semaphore_mem>>)
    }
    %scan3A_91 = arith.constant 20 : i32
    %dma_wait3A_92 = arith.constant 0 : i32
    %dma_wait3A_93 = arith.constant 0 : i32
    %dma_wait3A_94 = arith.constant 0 : i32
    %dma_wait3A_95 = arith.constant 0 : i32
    %dma_wait3A_96 = tpu.memref_slice %arg9[%dma_wait3A_93, %dma_wait3A_94, %dma_wait3A_95] : memref<2x128x128xf32, #tpu.memory_space<vmem>> -> memref<1x128x128xf32, #tpu.memory_space<vmem>>
    %dma_wait3A_97 = tpu.memref_squeeze %dma_wait3A_96 : memref<1x128x128xf32, #tpu.memory_space<vmem>> -> memref<128x128xf32, #tpu.memory_space<vmem>>
    %dma_wait3A_98 = arith.constant 0 : i32
    %dma_wait3A_99 = tpu.memref_slice %arg7[%dma_wait3A_92, %dma_wait3A_98] : memref<40x128xi32, #tpu.memory_space<vmem>> -> memref<1x128xi32, #tpu.memory_space<vmem>>
    %dma_wait3A_100 = tpu.memref_squeeze %dma_wait3A_99 : memref<1x128xi32, #tpu.memory_space<vmem>> -> memref<128xi32, #tpu.memory_space<vmem>>
    %dma_wait3A_101 = arith.constant 0 : i32
    %dma_wait3A_102 = arith.constant 0 : i32
    %dma_wait3A_103 = tpu.memref_slice %arg2[%dma_wait3A_101, %dma_wait3A_102] : memref<10000x128xf32, #tpu.memory_space<hbm>> -> memref<10000x128xf32, #tpu.memory_space<hbm>>
    tpu.wait_indirect_dma semaphore(%arg11 : memref<!tpu.dma_semaphore, #tpu.memory_space<semaphore_mem>>) src(%dma_wait3A_103 : memref<10000x128xf32, #tpu.memory_space<hbm>>) dst(%dma_wait3A_97 : memref<128x128xf32, #tpu.memory_space<vmem>>)
    %dma_wait3A_104 = arith.constant 0 : i32
    %dma_wait3A_105 = arith.constant 1 : i32
    %dma_wait3A_106 = arith.constant 0 : i32
    %dma_wait3A_107 = arith.constant 0 : i32
    %dma_wait3A_108 = tpu.memref_slice %arg9[%dma_wait3A_105, %dma_wait3A_106, %dma_wait3A_107] : memref<2x128x128xf32, #tpu.memory_space<vmem>> -> memref<1x128x128xf32, #tpu.memory_space<vmem>>
    %dma_wait3A_109 = tpu.memref_squeeze %dma_wait3A_108 : memref<1x128x128xf32, #tpu.memory_space<vmem>> -> memref<128x128xf32, #tpu.memory_space<vmem>>
    %dma_wait3A_110 = arith.constant 0 : i32
    %dma_wait3A_111 = tpu.memref_slice %arg7[%dma_wait3A_104, %dma_wait3A_110] : memref<40x128xi32, #tpu.memory_space<vmem>> -> memref<1x128xi32, #tpu.memory_space<vmem>>
    %dma_wait3A_112 = tpu.memref_squeeze %dma_wait3A_111 : memref<1x128xi32, #tpu.memory_space<vmem>> -> memref<128xi32, #tpu.memory_space<vmem>>
    %dma_wait3A_113 = arith.constant 0 : i32
    %dma_wait3A_114 = arith.constant 0 : i32
    %dma_wait3A_115 = tpu.memref_slice %arg2[%dma_wait3A_113, %dma_wait3A_114] : memref<10000x128xf32, #tpu.memory_space<hbm>> -> memref<10000x128xf32, #tpu.memory_space<hbm>>
    tpu.wait_indirect_dma semaphore(%arg11 : memref<!tpu.dma_semaphore, #tpu.memory_space<semaphore_mem>>) src(%dma_wait3A_115 : memref<10000x128xf32, #tpu.memory_space<hbm>>) dst(%dma_wait3A_109 : memref<128x128xf32, #tpu.memory_space<vmem>>)
    %barrier3A_116 = arith.constant 0 : index
    tpu.barrier barrier_id(%barrier3A_116)
    "tpu.region"() ({
      %run_scoped3A = tpu.sem_alloc : memref<!tpu.dma_semaphore, #tpu.memory_space<semaphore_mem>>
      %dma_start3A_117 = arith.constant 0 : i32
      %dma_start3A_118 = tpu.memref_slice %arg6[%arg0, %mul3A_2, %dma_start3A_117] : memref<2x10112x128xf32, #tpu.memory_space<hbm>> -> memref<1x632x128xf32, #tpu.memory_space<hbm>>
      %dma_start3A_119 = tpu.memref_squeeze %dma_start3A_118 : memref<1x632x128xf32, #tpu.memory_space<hbm>> -> memref<632x128xf32, #tpu.memory_space<hbm>>
      %dma_start3A_120 = arith.constant 0 : i32
      %dma_start3A_121 = tpu.memref_slice %arg10[%mul3A_2, %dma_start3A_120] : memref<10112x128xf32, #tpu.memory_space<vmem_shared>> -> memref<632x128xf32, #tpu.memory_space<vmem_shared>>
      tpu.enqueue_dma source(%dma_start3A_121 : memref<632x128xf32, #tpu.memory_space<vmem_shared>>) target(%dma_start3A_119 : memref<632x128xf32, #tpu.memory_space<hbm>>) target_semaphore(%run_scoped3A : memref<!tpu.dma_semaphore, #tpu.memory_space<semaphore_mem>>)
      %dma_wait3A_122 = arith.constant 0 : i32
      %dma_wait3A_123 = tpu.memref_slice %arg6[%arg0, %mul3A_2, %dma_wait3A_122] : memref<2x10112x128xf32, #tpu.memory_space<hbm>> -> memref<1x632x128xf32, #tpu.memory_space<hbm>>
      %dma_wait3A_124 = tpu.memref_squeeze %dma_wait3A_123 : memref<1x632x128xf32, #tpu.memory_space<hbm>> -> memref<632x128xf32, #tpu.memory_space<hbm>>
      %dma_wait3A_125 = arith.constant 0 : i32
      %dma_wait3A_126 = tpu.memref_slice %arg10[%mul3A_2, %dma_wait3A_125] : memref<10112x128xf32, #tpu.memory_space<vmem_shared>> -> memref<632x128xf32, #tpu.memory_space<vmem_shared>>
      tpu.wait_dma2 semaphore(%run_scoped3A : memref<!tpu.dma_semaphore, #tpu.memory_space<semaphore_mem>>) src(%dma_wait3A_126 : memref<632x128xf32, #tpu.memory_space<vmem_shared>>) dst(%dma_wait3A_124 : memref<632x128xf32, #tpu.memory_space<hbm>>)
      tpu.yield
    }) : () -> ()
    return
  }
}

#map = affine_map<(d0, d1) -> (0, 0)>
#map1 = affine_map<(d0, d1) -> (0, 0, 0)>
module attributes {stable_mosaic.version = 14 : i64} {
  func.func @body(%arg0: i32, %arg1: i32, %arg2: memref<10000x128xf32, #tpu.memory_space<hbm>>, %arg3: memref<2560x128xi32, #tpu.memory_space<hbm>>, %arg4: memref<2560x128xi32, #tpu.memory_space<hbm>>, %arg5: memref<10112x128xf32, #tpu.memory_space<hbm>>, %arg6: memref<2x10112x128xf32, #tpu.memory_space<hbm>>, %arg7: memref<40x128xi32, #tpu.memory_space<vmem>>, %arg8: memref<40x128xi32, #tpu.memory_space<vmem>>, %arg9: memref<2x128x128xf32, #tpu.memory_space<vmem>>, %arg10: memref<10112x128xf32, #tpu.memory_space<vmem_shared>>, %arg11: memref<!tpu.dma_semaphore, #tpu.memory_space<semaphore_mem>>, %arg12: memref<!tpu.dma_semaphore, #tpu.memory_space<semaphore_mem>>) attributes {dimension_semantics = [#tpu.dimension_semantics<core_parallel>, #tpu.dimension_semantics<subcore_parallel>], iteration_bounds = array<i64: 2, 16>, scalar_prefetch = 0 : i64, scratch_operands = 6 : i64, tpu.core_type = #tpu.core_type<sc_vector_subcore>, window_params = [{transform_indices = #map}, {transform_indices = #map}, {transform_indices = #map}, {transform_indices = #map}, {transform_indices = #map1}]} {
    %mul3A = arith.constant 16 : i32
    %mul3A_0 = arith.muli %arg0, %mul3A : i32
    %add3A = arith.addi %mul3A_0, %arg1 : i32
    %mul3A_1 = arith.constant 632 : i32
    %mul3A_2 = arith.muli %arg1, %mul3A_1 : i32
    %mul3A_3 = arith.constant 80 : i32
    %mul3A_4 = arith.muli %add3A, %mul3A_3 : i32
    %add3A_5 = arith.constant 0 : i32
    %add3A_6 = arith.addi %mul3A_4, %add3A_5 : i32
    "tpu.region"() ({
      %run_scoped3A = tpu.sem_alloc : memref<!tpu.dma_semaphore, #tpu.memory_space<semaphore_mem>>
      %dma_start3A_117 = arith.constant 0 : i32
      %dma_start3A_118 = tpu.memref_slice %arg3[%add3A_6, %dma_start3A_117] : memref<2560x128xi32, #tpu.memory_space<hbm>> -> memref<40x128xi32, #tpu.memory_space<hbm>>
      %dma_start3A_119 = arith.constant 0 : i32
      %dma_start3A_120 = tpu.memref_slice %arg3[%add3A_6, %dma_start3A_119] : memref<2560x128xi32, #tpu.memory_space<hbm>> -> memref<40x128xi32, #tpu.memory_space<hbm>>
      tpu.enqueue_dma source(%dma_start3A_120 : memref<40x128xi32, #tpu.memory_space<hbm>>) target(%arg7 : memref<40x128xi32, #tpu.memory_space<vmem>>) target_semaphore(%run_scoped3A : memref<!tpu.dma_semaphore, #tpu.memory_space<semaphore_mem>>)
      %dma_wait3A_121 = arith.constant 0 : i32
      %dma_wait3A_122 = tpu.memref_slice %arg3[%add3A_6, %dma_wait3A_121] : memref<2560x128xi32, #tpu.memory_space<hbm>> -> memref<40x128xi32, #tpu.memory_space<hbm>>
      %dma_wait3A_123 = arith.constant 0 : i32
      %dma_wait3A_124 = tpu.memref_slice %arg3[%add3A_6, %dma_wait3A_123] : memref<2560x128xi32, #tpu.memory_space<hbm>> -> memref<40x128xi32, #tpu.memory_space<hbm>>
      tpu.wait_dma2 semaphore(%run_scoped3A : memref<!tpu.dma_semaphore, #tpu.memory_space<semaphore_mem>>) src(%dma_wait3A_124 : memref<40x128xi32, #tpu.memory_space<hbm>>) dst(%arg7 : memref<40x128xi32, #tpu.memory_space<vmem>>)
      tpu.yield
    }) : () -> ()
    "tpu.region"() ({
      %run_scoped3A = tpu.sem_alloc : memref<!tpu.dma_semaphore, #tpu.memory_space<semaphore_mem>>
      %dma_start3A_117 = arith.constant 0 : i32
      %dma_start3A_118 = tpu.memref_slice %arg4[%add3A_6, %dma_start3A_117] : memref<2560x128xi32, #tpu.memory_space<hbm>> -> memref<40x128xi32, #tpu.memory_space<hbm>>
      %dma_start3A_119 = arith.constant 0 : i32
      %dma_start3A_120 = tpu.memref_slice %arg4[%add3A_6, %dma_start3A_119] : memref<2560x128xi32, #tpu.memory_space<hbm>> -> memref<40x128xi32, #tpu.memory_space<hbm>>
      tpu.enqueue_dma source(%dma_start3A_120 : memref<40x128xi32, #tpu.memory_space<hbm>>) target(%arg8 : memref<40x128xi32, #tpu.memory_space<vmem>>) target_semaphore(%run_scoped3A : memref<!tpu.dma_semaphore, #tpu.memory_space<semaphore_mem>>)
      %dma_wait3A_121 = arith.constant 0 : i32
      %dma_wait3A_122 = tpu.memref_slice %arg4[%add3A_6, %dma_wait3A_121] : memref<2560x128xi32, #tpu.memory_space<hbm>> -> memref<40x128xi32, #tpu.memory_space<hbm>>
      %dma_wait3A_123 = arith.constant 0 : i32
      %dma_wait3A_124 = tpu.memref_slice %arg4[%add3A_6, %dma_wait3A_123] : memref<2560x128xi32, #tpu.memory_space<hbm>> -> memref<40x128xi32, #tpu.memory_space<hbm>>
      tpu.wait_dma2 semaphore(%run_scoped3A : memref<!tpu.dma_semaphore, #tpu.memory_space<semaphore_mem>>) src(%dma_wait3A_124 : memref<40x128xi32, #tpu.memory_space<hbm>>) dst(%arg8 : memref<40x128xi32, #tpu.memory_space<vmem>>)
      tpu.yield
    }) : () -> ()
    %dma_start3A = arith.constant 0 : i32
    %dma_start3A_7 = arith.constant 0 : i32
    %dma_start3A_8 = arith.constant 0 : i32
    %dma_start3A_9 = arith.constant 0 : i32
    %dma_start3A_10 = tpu.memref_slice %arg9[%dma_start3A_7, %dma_start3A_8, %dma_start3A_9] : memref<2x128x128xf32, #tpu.memory_space<vmem>> -> memref<1x128x128xf32, #tpu.memory_space<vmem>>
    %dma_start3A_11 = tpu.memref_squeeze %dma_start3A_10 : memref<1x128x128xf32, #tpu.memory_space<vmem>> -> memref<128x128xf32, #tpu.memory_space<vmem>>
    %dma_start3A_12 = arith.constant 0 : i32
    %dma_start3A_13 = tpu.memref_slice %arg7[%dma_start3A, %dma_start3A_12] : memref<40x128xi32, #tpu.memory_space<vmem>> -> memref<1x128xi32, #tpu.memory_space<vmem>>
    %dma_start3A_14 = tpu.memref_squeeze %dma_start3A_13 : memref<1x128xi32, #tpu.memory_space<vmem>> -> memref<128xi32, #tpu.memory_space<vmem>>
    %dma_start3A_15 = arith.constant 0 : i32
    %dma_start3A_16 = arith.constant 0 : i32
    %dma_start3A_17 = tpu.memref_slice %arg2[%dma_start3A_15, %dma_start3A_16] : memref<10000x128xf32, #tpu.memory_space<hbm>> -> memref<10000x128xf32, #tpu.memory_space<hbm>>
    tpu.enqueue_indirect_dma source(%dma_start3A_17 : memref<10000x128xf32, #tpu.memory_space<hbm>>) target(%dma_start3A_11 : memref<128x128xf32, #tpu.memory_space<vmem>>) offsets(%dma_start3A_14 : memref<128xi32, #tpu.memory_space<vmem>>) semaphore(%arg11 : memref<!tpu.dma_semaphore, #tpu.memory_space<semaphore_mem>>)
    %dma_start3A_18 = arith.constant 1 : i32
    %dma_start3A_19 = arith.constant 1 : i32
    %dma_start3A_20 = arith.constant 0 : i32
    %dma_start3A_21 = arith.constant 0 : i32
    %dma_start3A_22 = tpu.memref_slice %arg9[%dma_start3A_19, %dma_start3A_20, %dma_start3A_21] : memref<2x128x128xf32, #tpu.memory_space<vmem>> -> memref<1x128x128xf32, #tpu.memory_space<vmem>>
    %dma_start3A_23 = tpu.memref_squeeze %dma_start3A_22 : memref<1x128x128xf32, #tpu.memory_space<vmem>> -> memref<128x128xf32, #tpu.memory_space<vmem>>
    %dma_start3A_24 = arith.constant 0 : i32
    %dma_start3A_25 = tpu.memref_slice %arg7[%dma_start3A_18, %dma_start3A_24] : memref<40x128xi32, #tpu.memory_space<vmem>> -> memref<1x128xi32, #tpu.memory_space<vmem>>
    %dma_start3A_26 = tpu.memref_squeeze %dma_start3A_25 : memref<1x128xi32, #tpu.memory_space<vmem>> -> memref<128xi32, #tpu.memory_space<vmem>>
    %dma_start3A_27 = arith.constant 0 : i32
    %dma_start3A_28 = arith.constant 0 : i32
    %dma_start3A_29 = tpu.memref_slice %arg2[%dma_start3A_27, %dma_start3A_28] : memref<10000x128xf32, #tpu.memory_space<hbm>> -> memref<10000x128xf32, #tpu.memory_space<hbm>>
    tpu.enqueue_indirect_dma source(%dma_start3A_29 : memref<10000x128xf32, #tpu.memory_space<hbm>>) target(%dma_start3A_23 : memref<128x128xf32, #tpu.memory_space<vmem>>) offsets(%dma_start3A_26 : memref<128xi32, #tpu.memory_space<vmem>>) semaphore(%arg11 : memref<!tpu.dma_semaphore, #tpu.memory_space<semaphore_mem>>)
    "tpu.region"() ({
      %run_scoped3A = tpu.sem_alloc : memref<!tpu.dma_semaphore, #tpu.memory_space<semaphore_mem>>
      %dma_start3A_117 = arith.constant 0 : i32
      %dma_start3A_118 = tpu.memref_slice %arg10[%mul3A_2, %dma_start3A_117] : memref<10112x128xf32, #tpu.memory_space<vmem_shared>> -> memref<632x128xf32, #tpu.memory_space<vmem_shared>>
      %dma_start3A_119 = arith.constant 0 : i32
      %dma_start3A_120 = tpu.memref_slice %arg5[%mul3A_2, %dma_start3A_119] : memref<10112x128xf32, #tpu.memory_space<hbm>> -> memref<632x128xf32, #tpu.memory_space<hbm>>
      tpu.enqueue_dma source(%dma_start3A_120 : memref<632x128xf32, #tpu.memory_space<hbm>>) target(%dma_start3A_118 : memref<632x128xf32, #tpu.memory_space<vmem_shared>>) target_semaphore(%run_scoped3A : memref<!tpu.dma_semaphore, #tpu.memory_space<semaphore_mem>>)
      %dma_wait3A_121 = arith.constant 0 : i32
      %dma_wait3A_122 = tpu.memref_slice %arg10[%mul3A_2, %dma_wait3A_121] : memref<10112x128xf32, #tpu.memory_space<vmem_shared>> -> memref<632x128xf32, #tpu.memory_space<vmem_shared>>
      %dma_wait3A_123 = arith.constant 0 : i32
      %dma_wait3A_124 = tpu.memref_slice %arg5[%mul3A_2, %dma_wait3A_123] : memref<10112x128xf32, #tpu.memory_space<hbm>> -> memref<632x128xf32, #tpu.memory_space<hbm>>
      tpu.wait_dma2 semaphore(%run_scoped3A : memref<!tpu.dma_semaphore, #tpu.memory_space<semaphore_mem>>) src(%dma_wait3A_124 : memref<632x128xf32, #tpu.memory_space<hbm>>) dst(%dma_wait3A_122 : memref<632x128xf32, #tpu.memory_space<vmem_shared>>)
      tpu.yield
    }) : () -> ()
    %barrier3A = arith.constant 0 : index
    tpu.barrier barrier_id(%barrier3A)
    %scan3A = arith.constant 0 : i32
    %scan3A_30 = arith.constant 0 : i32
    %scan3A_31 = arith.constant 20 : i32
    %scan3A_32 = arith.addi %scan3A_30, %scan3A_31 : i32
    %scan3A_33 = arith.constant 1 : i32
    scf.for %scan3A_117 = %scan3A_30 to %scan3A_32 step %scan3A_33  : i32 {
      %mul3A_118 = arith.constant 2 : i32
      %mul3A_119 = arith.muli %mul3A_118, %scan3A_117 : i32
      %mul3A_120 = arith.constant 2 : i32
      %mul3A_121 = arith.muli %mul3A_120, %scan3A_117 : i32
      %add3A_122 = arith.constant 1 : i32
      %add3A_123 = arith.addi %mul3A_121, %add3A_122 : i32
      %add3A_124 = arith.constant 2 : i32
      %add3A_125 = arith.addi %mul3A_119, %add3A_124 : i32
      %rem3A = arith.constant 40 : i32
      %rem3A_126 = arith.remsi %add3A_125, %rem3A : i32
      %add3A_127 = arith.constant 2 : i32
      %add3A_128 = arith.addi %add3A_123, %add3A_127 : i32
      %rem3A_129 = arith.constant 40 : i32
      %rem3A_130 = arith.remsi %add3A_128, %rem3A_129 : i32
      %dma_wait3A_131 = arith.constant 0 : i32
      %dma_wait3A_132 = arith.constant 0 : i32
      %dma_wait3A_133 = arith.constant 0 : i32
      %dma_wait3A_134 = arith.constant 0 : i32
      %dma_wait3A_135 = tpu.memref_slice %arg9[%dma_wait3A_132, %dma_wait3A_133, %dma_wait3A_134] : memref<2x128x128xf32, #tpu.memory_space<vmem>> -> memref<1x128x128xf32, #tpu.memory_space<vmem>>
      %dma_wait3A_136 = tpu.memref_squeeze %dma_wait3A_135 : memref<1x128x128xf32, #tpu.memory_space<vmem>> -> memref<128x128xf32, #tpu.memory_space<vmem>>
      %dma_wait3A_137 = arith.constant 0 : i32
      %dma_wait3A_138 = tpu.memref_slice %arg7[%dma_wait3A_131, %dma_wait3A_137] : memref<40x128xi32, #tpu.memory_space<vmem>> -> memref<1x128xi32, #tpu.memory_space<vmem>>
      %dma_wait3A_139 = tpu.memref_squeeze %dma_wait3A_138 : memref<1x128xi32, #tpu.memory_space<vmem>> -> memref<128xi32, #tpu.memory_space<vmem>>
      %dma_wait3A_140 = arith.constant 0 : i32
      %dma_wait3A_141 = arith.constant 0 : i32
      %dma_wait3A_142 = tpu.memref_slice %arg2[%dma_wait3A_140, %dma_wait3A_141] : memref<10000x128xf32, #tpu.memory_space<hbm>> -> memref<10000x128xf32, #tpu.memory_space<hbm>>
      tpu.wait_indirect_dma semaphore(%arg11 : memref<!tpu.dma_semaphore, #tpu.memory_space<semaphore_mem>>) src(%dma_wait3A_142 : memref<10000x128xf32, #tpu.memory_space<hbm>>) dst(%dma_wait3A_136 : memref<128x128xf32, #tpu.memory_space<vmem>>)
      %dma_start3A_143 = arith.constant 0 : i32
      %dma_start3A_144 = arith.constant 0 : i32
      %dma_start3A_145 = arith.constant 0 : i32
      %dma_start3A_146 = tpu.memref_slice %arg9[%dma_start3A_143, %dma_start3A_144, %dma_start3A_145] : memref<2x128x128xf32, #tpu.memory_space<vmem>> -> memref<1x128x128xf32, #tpu.memory_space<vmem>>
      %dma_start3A_147 = tpu.memref_squeeze %dma_start3A_146 : memref<1x128x128xf32, #tpu.memory_space<vmem>> -> memref<128x128xf32, #tpu.memory_space<vmem>>
      %dma_start3A_148 = arith.constant 0 : i32
      %dma_start3A_149 = tpu.memref_slice %arg8[%mul3A_119, %dma_start3A_148] : memref<40x128xi32, #tpu.memory_space<vmem>> -> memref<1x128xi32, #tpu.memory_space<vmem>>
      %dma_start3A_150 = tpu.memref_squeeze %dma_start3A_149 : memref<1x128xi32, #tpu.memory_space<vmem>> -> memref<128xi32, #tpu.memory_space<vmem>>
      %dma_start3A_151 = arith.constant 0 : i32
      %dma_start3A_152 = arith.constant 0 : i32
      %dma_start3A_153 = tpu.memref_slice %arg10[%dma_start3A_151, %dma_start3A_152] : memref<10112x128xf32, #tpu.memory_space<vmem_shared>> -> memref<10112x128xf32, #tpu.memory_space<vmem_shared>>
      tpu.enqueue_indirect_dma source(%dma_start3A_147 : memref<128x128xf32, #tpu.memory_space<vmem>>) target(%dma_start3A_153 : memref<10112x128xf32, #tpu.memory_space<vmem_shared>>) offsets(%dma_start3A_150 : memref<128xi32, #tpu.memory_space<vmem>>) semaphore(%arg12 : memref<!tpu.dma_semaphore, #tpu.memory_space<semaphore_mem>>) {add = true}
      %dma_wait3A_154 = arith.constant 0 : i32
      %dma_wait3A_155 = arith.constant 1 : i32
      %dma_wait3A_156 = arith.constant 0 : i32
      %dma_wait3A_157 = arith.constant 0 : i32
      %dma_wait3A_158 = tpu.memref_slice %arg9[%dma_wait3A_155, %dma_wait3A_156, %dma_wait3A_157] : memref<2x128x128xf32, #tpu.memory_space<vmem>> -> memref<1x128x128xf32, #tpu.memory_space<vmem>>
      %dma_wait3A_159 = tpu.memref_squeeze %dma_wait3A_158 : memref<1x128x128xf32, #tpu.memory_space<vmem>> -> memref<128x128xf32, #tpu.memory_space<vmem>>
      %dma_wait3A_160 = arith.constant 0 : i32
      %dma_wait3A_161 = tpu.memref_slice %arg7[%dma_wait3A_154, %dma_wait3A_160] : memref<40x128xi32, #tpu.memory_space<vmem>> -> memref<1x128xi32, #tpu.memory_space<vmem>>
      %dma_wait3A_162 = tpu.memref_squeeze %dma_wait3A_161 : memref<1x128xi32, #tpu.memory_space<vmem>> -> memref<128xi32, #tpu.memory_space<vmem>>
      %dma_wait3A_163 = arith.constant 0 : i32
      %dma_wait3A_164 = arith.constant 0 : i32
      %dma_wait3A_165 = tpu.memref_slice %arg2[%dma_wait3A_163, %dma_wait3A_164] : memref<10000x128xf32, #tpu.memory_space<hbm>> -> memref<10000x128xf32, #tpu.memory_space<hbm>>
      tpu.wait_indirect_dma semaphore(%arg11 : memref<!tpu.dma_semaphore, #tpu.memory_space<semaphore_mem>>) src(%dma_wait3A_165 : memref<10000x128xf32, #tpu.memory_space<hbm>>) dst(%dma_wait3A_159 : memref<128x128xf32, #tpu.memory_space<vmem>>)
      %dma_start3A_166 = arith.constant 1 : i32
      %dma_start3A_167 = arith.constant 0 : i32
      %dma_start3A_168 = arith.constant 0 : i32
      %dma_start3A_169 = tpu.memref_slice %arg9[%dma_start3A_166, %dma_start3A_167, %dma_start3A_168] : memref<2x128x128xf32, #tpu.memory_space<vmem>> -> memref<1x128x128xf32, #tpu.memory_space<vmem>>
      %dma_start3A_170 = tpu.memref_squeeze %dma_start3A_169 : memref<1x128x128xf32, #tpu.memory_space<vmem>> -> memref<128x128xf32, #tpu.memory_space<vmem>>
      %dma_start3A_171 = arith.constant 0 : i32
      %dma_start3A_172 = tpu.memref_slice %arg8[%add3A_123, %dma_start3A_171] : memref<40x128xi32, #tpu.memory_space<vmem>> -> memref<1x128xi32, #tpu.memory_space<vmem>>
      %dma_start3A_173 = tpu.memref_squeeze %dma_start3A_172 : memref<1x128xi32, #tpu.memory_space<vmem>> -> memref<128xi32, #tpu.memory_space<vmem>>
      %dma_start3A_174 = arith.constant 0 : i32
      %dma_start3A_175 = arith.constant 0 : i32
      %dma_start3A_176 = tpu.memref_slice %arg10[%dma_start3A_174, %dma_start3A_175] : memref<10112x128xf32, #tpu.memory_space<vmem_shared>> -> memref<10112x128xf32, #tpu.memory_space<vmem_shared>>
      tpu.enqueue_indirect_dma source(%dma_start3A_170 : memref<128x128xf32, #tpu.memory_space<vmem>>) target(%dma_start3A_176 : memref<10112x128xf32, #tpu.memory_space<vmem_shared>>) offsets(%dma_start3A_173 : memref<128xi32, #tpu.memory_space<vmem>>) semaphore(%arg12 : memref<!tpu.dma_semaphore, #tpu.memory_space<semaphore_mem>>) {add = true}
      %dma_wait3A_177 = arith.constant 0 : i32
      %dma_wait3A_178 = arith.constant 0 : i32
      %dma_wait3A_179 = arith.constant 0 : i32
      %dma_wait3A_180 = tpu.memref_slice %arg9[%dma_wait3A_177, %dma_wait3A_178, %dma_wait3A_179] : memref<2x128x128xf32, #tpu.memory_space<vmem>> -> memref<1x128x128xf32, #tpu.memory_space<vmem>>
      %dma_wait3A_181 = tpu.memref_squeeze %dma_wait3A_180 : memref<1x128x128xf32, #tpu.memory_space<vmem>> -> memref<128x128xf32, #tpu.memory_space<vmem>>
      %dma_wait3A_182 = arith.constant 0 : i32
      %dma_wait3A_183 = tpu.memref_slice %arg8[%mul3A_119, %dma_wait3A_182] : memref<40x128xi32, #tpu.memory_space<vmem>> -> memref<1x128xi32, #tpu.memory_space<vmem>>
      %dma_wait3A_184 = tpu.memref_squeeze %dma_wait3A_183 : memref<1x128xi32, #tpu.memory_space<vmem>> -> memref<128xi32, #tpu.memory_space<vmem>>
      %dma_wait3A_185 = arith.constant 0 : i32
      %dma_wait3A_186 = arith.constant 0 : i32
      %dma_wait3A_187 = tpu.memref_slice %arg10[%dma_wait3A_185, %dma_wait3A_186] : memref<10112x128xf32, #tpu.memory_space<vmem_shared>> -> memref<10112x128xf32, #tpu.memory_space<vmem_shared>>
      tpu.wait_indirect_dma semaphore(%arg12 : memref<!tpu.dma_semaphore, #tpu.memory_space<semaphore_mem>>) src(%dma_wait3A_181 : memref<128x128xf32, #tpu.memory_space<vmem>>) dst(%dma_wait3A_187 : memref<10112x128xf32, #tpu.memory_space<vmem_shared>>)
      %dma_start3A_188 = arith.constant 0 : i32
      %dma_start3A_189 = arith.constant 0 : i32
      %dma_start3A_190 = arith.constant 0 : i32
      %dma_start3A_191 = tpu.memref_slice %arg9[%dma_start3A_188, %dma_start3A_189, %dma_start3A_190] : memref<2x128x128xf32, #tpu.memory_space<vmem>> -> memref<1x128x128xf32, #tpu.memory_space<vmem>>
      %dma_start3A_192 = tpu.memref_squeeze %dma_start3A_191 : memref<1x128x128xf32, #tpu.memory_space<vmem>> -> memref<128x128xf32, #tpu.memory_space<vmem>>
      %dma_start3A_193 = arith.constant 0 : i32
      %dma_start3A_194 = tpu.memref_slice %arg7[%rem3A_126, %dma_start3A_193] : memref<40x128xi32, #tpu.memory_space<vmem>> -> memref<1x128xi32, #tpu.memory_space<vmem>>
      %dma_start3A_195 = tpu.memref_squeeze %dma_start3A_194 : memref<1x128xi32, #tpu.memory_space<vmem>> -> memref<128xi32, #tpu.memory_space<vmem>>
      %dma_start3A_196 = arith.constant 0 : i32
      %dma_start3A_197 = arith.constant 0 : i32
      %dma_start3A_198 = tpu.memref_slice %arg2[%dma_start3A_196, %dma_start3A_197] : memref<10000x128xf32, #tpu.memory_space<hbm>> -> memref<10000x128xf32, #tpu.memory_space<hbm>>
      tpu.enqueue_indirect_dma source(%dma_start3A_198 : memref<10000x128xf32, #tpu.memory_space<hbm>>) target(%dma_start3A_192 : memref<128x128xf32, #tpu.memory_space<vmem>>) offsets(%dma_start3A_195 : memref<128xi32, #tpu.memory_space<vmem>>) semaphore(%arg11 : memref<!tpu.dma_semaphore, #tpu.memory_space<semaphore_mem>>)
      %dma_wait3A_199 = arith.constant 1 : i32
      %dma_wait3A_200 = arith.constant 0 : i32
      %dma_wait3A_201 = arith.constant 0 : i32
      %dma_wait3A_202 = tpu.memref_slice %arg9[%dma_wait3A_199, %dma_wait3A_200, %dma_wait3A_201] : memref<2x128x128xf32, #tpu.memory_space<vmem>> -> memref<1x128x128xf32, #tpu.memory_space<vmem>>
      %dma_wait3A_203 = tpu.memref_squeeze %dma_wait3A_202 : memref<1x128x128xf32, #tpu.memory_space<vmem>> -> memref<128x128xf32, #tpu.memory_space<vmem>>
      %dma_wait3A_204 = arith.constant 0 : i32
      %dma_wait3A_205 = tpu.memref_slice %arg8[%add3A_123, %dma_wait3A_204] : memref<40x128xi32, #tpu.memory_space<vmem>> -> memref<1x128xi32, #tpu.memory_space<vmem>>
      %dma_wait3A_206 = tpu.memref_squeeze %dma_wait3A_205 : memref<1x128xi32, #tpu.memory_space<vmem>> -> memref<128xi32, #tpu.memory_space<vmem>>
      %dma_wait3A_207 = arith.constant 0 : i32
      %dma_wait3A_208 = arith.constant 0 : i32
      %dma_wait3A_209 = tpu.memref_slice %arg10[%dma_wait3A_207, %dma_wait3A_208] : memref<10112x128xf32, #tpu.memory_space<vmem_shared>> -> memref<10112x128xf32, #tpu.memory_space<vmem_shared>>
      tpu.wait_indirect_dma semaphore(%arg12 : memref<!tpu.dma_semaphore, #tpu.memory_space<semaphore_mem>>) src(%dma_wait3A_203 : memref<128x128xf32, #tpu.memory_space<vmem>>) dst(%dma_wait3A_209 : memref<10112x128xf32, #tpu.memory_space<vmem_shared>>)
      %dma_start3A_210 = arith.constant 1 : i32
      %dma_start3A_211 = arith.constant 0 : i32
      %dma_start3A_212 = arith.constant 0 : i32
      %dma_start3A_213 = tpu.memref_slice %arg9[%dma_start3A_210, %dma_start3A_211, %dma_start3A_212] : memref<2x128x128xf32, #tpu.memory_space<vmem>> -> memref<1x128x128xf32, #tpu.memory_space<vmem>>
      %dma_start3A_214 = tpu.memref_squeeze %dma_start3A_213 : memref<1x128x128xf32, #tpu.memory_space<vmem>> -> memref<128x128xf32, #tpu.memory_space<vmem>>
      %dma_start3A_215 = arith.constant 0 : i32
      %dma_start3A_216 = tpu.memref_slice %arg7[%rem3A_130, %dma_start3A_215] : memref<40x128xi32, #tpu.memory_space<vmem>> -> memref<1x128xi32, #tpu.memory_space<vmem>>
      %dma_start3A_217 = tpu.memref_squeeze %dma_start3A_216 : memref<1x128xi32, #tpu.memory_space<vmem>> -> memref<128xi32, #tpu.memory_space<vmem>>
      %dma_start3A_218 = arith.constant 0 : i32
      %dma_start3A_219 = arith.constant 0 : i32
      %dma_start3A_220 = tpu.memref_slice %arg2[%dma_start3A_218, %dma_start3A_219] : memref<10000x128xf32, #tpu.memory_space<hbm>> -> memref<10000x128xf32, #tpu.memory_space<hbm>>
      tpu.enqueue_indirect_dma source(%dma_start3A_220 : memref<10000x128xf32, #tpu.memory_space<hbm>>) target(%dma_start3A_214 : memref<128x128xf32, #tpu.memory_space<vmem>>) offsets(%dma_start3A_217 : memref<128xi32, #tpu.memory_space<vmem>>) semaphore(%arg11 : memref<!tpu.dma_semaphore, #tpu.memory_space<semaphore_mem>>)
    }
    %scan3A_34 = arith.constant 20 : i32
    %dma_wait3A = arith.constant 0 : i32
    %dma_wait3A_35 = arith.constant 0 : i32
    %dma_wait3A_36 = arith.constant 0 : i32
    %dma_wait3A_37 = arith.constant 0 : i32
    %dma_wait3A_38 = tpu.memref_slice %arg9[%dma_wait3A_35, %dma_wait3A_36, %dma_wait3A_37] : memref<2x128x128xf32, #tpu.memory_space<vmem>> -> memref<1x128x128xf32, #tpu.memory_space<vmem>>
    %dma_wait3A_39 = tpu.memref_squeeze %dma_wait3A_38 : memref<1x128x128xf32, #tpu.memory_space<vmem>> -> memref<128x128xf32, #tpu.memory_space<vmem>>
    %dma_wait3A_40 = arith.constant 0 : i32
    %dma_wait3A_41 = tpu.memref_slice %arg7[%dma_wait3A, %dma_wait3A_40] : memref<40x128xi32, #tpu.memory_space<vmem>> -> memref<1x128xi32, #tpu.memory_space<vmem>>
    %dma_wait3A_42 = tpu.memref_squeeze %dma_wait3A_41 : memref<1x128xi32, #tpu.memory_space<vmem>> -> memref<128xi32, #tpu.memory_space<vmem>>
    %dma_wait3A_43 = arith.constant 0 : i32
    %dma_wait3A_44 = arith.constant 0 : i32
    %dma_wait3A_45 = tpu.memref_slice %arg2[%dma_wait3A_43, %dma_wait3A_44] : memref<10000x128xf32, #tpu.memory_space<hbm>> -> memref<10000x128xf32, #tpu.memory_space<hbm>>
    tpu.wait_indirect_dma semaphore(%arg11 : memref<!tpu.dma_semaphore, #tpu.memory_space<semaphore_mem>>) src(%dma_wait3A_45 : memref<10000x128xf32, #tpu.memory_space<hbm>>) dst(%dma_wait3A_39 : memref<128x128xf32, #tpu.memory_space<vmem>>)
    %dma_wait3A_46 = arith.constant 0 : i32
    %dma_wait3A_47 = arith.constant 1 : i32
    %dma_wait3A_48 = arith.constant 0 : i32
    %dma_wait3A_49 = arith.constant 0 : i32
    %dma_wait3A_50 = tpu.memref_slice %arg9[%dma_wait3A_47, %dma_wait3A_48, %dma_wait3A_49] : memref<2x128x128xf32, #tpu.memory_space<vmem>> -> memref<1x128x128xf32, #tpu.memory_space<vmem>>
    %dma_wait3A_51 = tpu.memref_squeeze %dma_wait3A_50 : memref<1x128x128xf32, #tpu.memory_space<vmem>> -> memref<128x128xf32, #tpu.memory_space<vmem>>
    %dma_wait3A_52 = arith.constant 0 : i32
    %dma_wait3A_53 = tpu.memref_slice %arg7[%dma_wait3A_46, %dma_wait3A_52] : memref<40x128xi32, #tpu.memory_space<vmem>> -> memref<1x128xi32, #tpu.memory_space<vmem>>
    %dma_wait3A_54 = tpu.memref_squeeze %dma_wait3A_53 : memref<1x128xi32, #tpu.memory_space<vmem>> -> memref<128xi32, #tpu.memory_space<vmem>>
    %dma_wait3A_55 = arith.constant 0 : i32
    %dma_wait3A_56 = arith.constant 0 : i32
    %dma_wait3A_57 = tpu.memref_slice %arg2[%dma_wait3A_55, %dma_wait3A_56] : memref<10000x128xf32, #tpu.memory_space<hbm>> -> memref<10000x128xf32, #tpu.memory_space<hbm>>
    tpu.wait_indirect_dma semaphore(%arg11 : memref<!tpu.dma_semaphore, #tpu.memory_space<semaphore_mem>>) src(%dma_wait3A_57 : memref<10000x128xf32, #tpu.memory_space<hbm>>) dst(%dma_wait3A_51 : memref<128x128xf32, #tpu.memory_space<vmem>>)
    %mul3A_58 = arith.constant 80 : i32
    %mul3A_59 = arith.muli %add3A, %mul3A_58 : i32
    %add3A_60 = arith.constant 40 : i32
    %add3A_61 = arith.addi %mul3A_59, %add3A_60 : i32
    "tpu.region"() ({
      %run_scoped3A = tpu.sem_alloc : memref<!tpu.dma_semaphore, #tpu.memory_space<semaphore_mem>>
      %dma_start3A_117 = arith.constant 0 : i32
      %dma_start3A_118 = tpu.memref_slice %arg3[%add3A_61, %dma_start3A_117] : memref<2560x128xi32, #tpu.memory_space<hbm>> -> memref<40x128xi32, #tpu.memory_space<hbm>>
      %dma_start3A_119 = arith.constant 0 : i32
      %dma_start3A_120 = tpu.memref_slice %arg3[%add3A_61, %dma_start3A_119] : memref<2560x128xi32, #tpu.memory_space<hbm>> -> memref<40x128xi32, #tpu.memory_space<hbm>>
      tpu.enqueue_dma source(%dma_start3A_120 : memref<40x128xi32, #tpu.memory_space<hbm>>) target(%arg7 : memref<40x128xi32, #tpu.memory_space<vmem>>) target_semaphore(%run_scoped3A : memref<!tpu.dma_semaphore, #tpu.memory_space<semaphore_mem>>)
      %dma_wait3A_121 = arith.constant 0 : i32
      %dma_wait3A_122 = tpu.memref_slice %arg3[%add3A_61, %dma_wait3A_121] : memref<2560x128xi32, #tpu.memory_space<hbm>> -> memref<40x128xi32, #tpu.memory_space<hbm>>
      %dma_wait3A_123 = arith.constant 0 : i32
      %dma_wait3A_124 = tpu.memref_slice %arg3[%add3A_61, %dma_wait3A_123] : memref<2560x128xi32, #tpu.memory_space<hbm>> -> memref<40x128xi32, #tpu.memory_space<hbm>>
      tpu.wait_dma2 semaphore(%run_scoped3A : memref<!tpu.dma_semaphore, #tpu.memory_space<semaphore_mem>>) src(%dma_wait3A_124 : memref<40x128xi32, #tpu.memory_space<hbm>>) dst(%arg7 : memref<40x128xi32, #tpu.memory_space<vmem>>)
      tpu.yield
    }) : () -> ()
    "tpu.region"() ({
      %run_scoped3A = tpu.sem_alloc : memref<!tpu.dma_semaphore, #tpu.memory_space<semaphore_mem>>
      %dma_start3A_117 = arith.constant 0 : i32
      %dma_start3A_118 = tpu.memref_slice %arg4[%add3A_61, %dma_start3A_117] : memref<2560x128xi32, #tpu.memory_space<hbm>> -> memref<40x128xi32, #tpu.memory_space<hbm>>
      %dma_start3A_119 = arith.constant 0 : i32
      %dma_start3A_120 = tpu.memref_slice %arg4[%add3A_61, %dma_start3A_119] : memref<2560x128xi32, #tpu.memory_space<hbm>> -> memref<40x128xi32, #tpu.memory_space<hbm>>
      tpu.enqueue_dma source(%dma_start3A_120 : memref<40x128xi32, #tpu.memory_space<hbm>>) target(%arg8 : memref<40x128xi32, #tpu.memory_space<vmem>>) target_semaphore(%run_scoped3A : memref<!tpu.dma_semaphore, #tpu.memory_space<semaphore_mem>>)
      %dma_wait3A_121 = arith.constant 0 : i32
      %dma_wait3A_122 = tpu.memref_slice %arg4[%add3A_61, %dma_wait3A_121] : memref<2560x128xi32, #tpu.memory_space<hbm>> -> memref<40x128xi32, #tpu.memory_space<hbm>>
      %dma_wait3A_123 = arith.constant 0 : i32
      %dma_wait3A_124 = tpu.memref_slice %arg4[%add3A_61, %dma_wait3A_123] : memref<2560x128xi32, #tpu.memory_space<hbm>> -> memref<40x128xi32, #tpu.memory_space<hbm>>
      tpu.wait_dma2 semaphore(%run_scoped3A : memref<!tpu.dma_semaphore, #tpu.memory_space<semaphore_mem>>) src(%dma_wait3A_124 : memref<40x128xi32, #tpu.memory_space<hbm>>) dst(%arg8 : memref<40x128xi32, #tpu.memory_space<vmem>>)
      tpu.yield
    }) : () -> ()
    %dma_start3A_62 = arith.constant 0 : i32
    %dma_start3A_63 = arith.constant 0 : i32
    %dma_start3A_64 = arith.constant 0 : i32
    %dma_start3A_65 = arith.constant 0 : i32
    %dma_start3A_66 = tpu.memref_slice %arg9[%dma_start3A_63, %dma_start3A_64, %dma_start3A_65] : memref<2x128x128xf32, #tpu.memory_space<vmem>> -> memref<1x128x128xf32, #tpu.memory_space<vmem>>
    %dma_start3A_67 = tpu.memref_squeeze %dma_start3A_66 : memref<1x128x128xf32, #tpu.memory_space<vmem>> -> memref<128x128xf32, #tpu.memory_space<vmem>>
    %dma_start3A_68 = arith.constant 0 : i32
    %dma_start3A_69 = tpu.memref_slice %arg7[%dma_start3A_62, %dma_start3A_68] : memref<40x128xi32, #tpu.memory_space<vmem>> -> memref<1x128xi32, #tpu.memory_space<vmem>>
    %dma_start3A_70 = tpu.memref_squeeze %dma_start3A_69 : memref<1x128xi32, #tpu.memory_space<vmem>> -> memref<128xi32, #tpu.memory_space<vmem>>
    %dma_start3A_71 = arith.constant 0 : i32
    %dma_start3A_72 = arith.constant 0 : i32
    %dma_start3A_73 = tpu.memref_slice %arg2[%dma_start3A_71, %dma_start3A_72] : memref<10000x128xf32, #tpu.memory_space<hbm>> -> memref<10000x128xf32, #tpu.memory_space<hbm>>
    tpu.enqueue_indirect_dma source(%dma_start3A_73 : memref<10000x128xf32, #tpu.memory_space<hbm>>) target(%dma_start3A_67 : memref<128x128xf32, #tpu.memory_space<vmem>>) offsets(%dma_start3A_70 : memref<128xi32, #tpu.memory_space<vmem>>) semaphore(%arg11 : memref<!tpu.dma_semaphore, #tpu.memory_space<semaphore_mem>>)
    %dma_start3A_74 = arith.constant 1 : i32
    %dma_start3A_75 = arith.constant 1 : i32
    %dma_start3A_76 = arith.constant 0 : i32
    %dma_start3A_77 = arith.constant 0 : i32
    %dma_start3A_78 = tpu.memref_slice %arg9[%dma_start3A_75, %dma_start3A_76, %dma_start3A_77] : memref<2x128x128xf32, #tpu.memory_space<vmem>> -> memref<1x128x128xf32, #tpu.memory_space<vmem>>
    %dma_start3A_79 = tpu.memref_squeeze %dma_start3A_78 : memref<1x128x128xf32, #tpu.memory_space<vmem>> -> memref<128x128xf32, #tpu.memory_space<vmem>>
    %dma_start3A_80 = arith.constant 0 : i32
    %dma_start3A_81 = tpu.memref_slice %arg7[%dma_start3A_74, %dma_start3A_80] : memref<40x128xi32, #tpu.memory_space<vmem>> -> memref<1x128xi32, #tpu.memory_space<vmem>>
    %dma_start3A_82 = tpu.memref_squeeze %dma_start3A_81 : memref<1x128xi32, #tpu.memory_space<vmem>> -> memref<128xi32, #tpu.memory_space<vmem>>
    %dma_start3A_83 = arith.constant 0 : i32
    %dma_start3A_84 = arith.constant 0 : i32
    %dma_start3A_85 = tpu.memref_slice %arg2[%dma_start3A_83, %dma_start3A_84] : memref<10000x128xf32, #tpu.memory_space<hbm>> -> memref<10000x128xf32, #tpu.memory_space<hbm>>
    tpu.enqueue_indirect_dma source(%dma_start3A_85 : memref<10000x128xf32, #tpu.memory_space<hbm>>) target(%dma_start3A_79 : memref<128x128xf32, #tpu.memory_space<vmem>>) offsets(%dma_start3A_82 : memref<128xi32, #tpu.memory_space<vmem>>) semaphore(%arg11 : memref<!tpu.dma_semaphore, #tpu.memory_space<semaphore_mem>>)
    %scan3A_86 = arith.constant 0 : i32
    %scan3A_87 = arith.constant 0 : i32
    %scan3A_88 = arith.constant 20 : i32
    %scan3A_89 = arith.addi %scan3A_87, %scan3A_88 : i32
    %scan3A_90 = arith.constant 1 : i32
    scf.for %scan3A_117 = %scan3A_87 to %scan3A_89 step %scan3A_90  : i32 {
      %mul3A_118 = arith.constant 2 : i32
      %mul3A_119 = arith.muli %mul3A_118, %scan3A_117 : i32
      %mul3A_120 = arith.constant 2 : i32
      %mul3A_121 = arith.muli %mul3A_120, %scan3A_117 : i32
      %add3A_122 = arith.constant 1 : i32
      %add3A_123 = arith.addi %mul3A_121, %add3A_122 : i32
      %add3A_124 = arith.constant 2 : i32
      %add3A_125 = arith.addi %mul3A_119, %add3A_124 : i32
      %rem3A = arith.constant 40 : i32
      %rem3A_126 = arith.remsi %add3A_125, %rem3A : i32
      %add3A_127 = arith.constant 2 : i32
      %add3A_128 = arith.addi %add3A_123, %add3A_127 : i32
      %rem3A_129 = arith.constant 40 : i32
      %rem3A_130 = arith.remsi %add3A_128, %rem3A_129 : i32
      %dma_wait3A_131 = arith.constant 0 : i32
      %dma_wait3A_132 = arith.constant 0 : i32
      %dma_wait3A_133 = arith.constant 0 : i32
      %dma_wait3A_134 = arith.constant 0 : i32
      %dma_wait3A_135 = tpu.memref_slice %arg9[%dma_wait3A_132, %dma_wait3A_133, %dma_wait3A_134] : memref<2x128x128xf32, #tpu.memory_space<vmem>> -> memref<1x128x128xf32, #tpu.memory_space<vmem>>
      %dma_wait3A_136 = tpu.memref_squeeze %dma_wait3A_135 : memref<1x128x128xf32, #tpu.memory_space<vmem>> -> memref<128x128xf32, #tpu.memory_space<vmem>>
      %dma_wait3A_137 = arith.constant 0 : i32
      %dma_wait3A_138 = tpu.memref_slice %arg7[%dma_wait3A_131, %dma_wait3A_137] : memref<40x128xi32, #tpu.memory_space<vmem>> -> memref<1x128xi32, #tpu.memory_space<vmem>>
      %dma_wait3A_139 = tpu.memref_squeeze %dma_wait3A_138 : memref<1x128xi32, #tpu.memory_space<vmem>> -> memref<128xi32, #tpu.memory_space<vmem>>
      %dma_wait3A_140 = arith.constant 0 : i32
      %dma_wait3A_141 = arith.constant 0 : i32
      %dma_wait3A_142 = tpu.memref_slice %arg2[%dma_wait3A_140, %dma_wait3A_141] : memref<10000x128xf32, #tpu.memory_space<hbm>> -> memref<10000x128xf32, #tpu.memory_space<hbm>>
      tpu.wait_indirect_dma semaphore(%arg11 : memref<!tpu.dma_semaphore, #tpu.memory_space<semaphore_mem>>) src(%dma_wait3A_142 : memref<10000x128xf32, #tpu.memory_space<hbm>>) dst(%dma_wait3A_136 : memref<128x128xf32, #tpu.memory_space<vmem>>)
      %dma_start3A_143 = arith.constant 0 : i32
      %dma_start3A_144 = arith.constant 0 : i32
      %dma_start3A_145 = arith.constant 0 : i32
      %dma_start3A_146 = tpu.memref_slice %arg9[%dma_start3A_143, %dma_start3A_144, %dma_start3A_145] : memref<2x128x128xf32, #tpu.memory_space<vmem>> -> memref<1x128x128xf32, #tpu.memory_space<vmem>>
      %dma_start3A_147 = tpu.memref_squeeze %dma_start3A_146 : memref<1x128x128xf32, #tpu.memory_space<vmem>> -> memref<128x128xf32, #tpu.memory_space<vmem>>
      %dma_start3A_148 = arith.constant 0 : i32
      %dma_start3A_149 = tpu.memref_slice %arg8[%mul3A_119, %dma_start3A_148] : memref<40x128xi32, #tpu.memory_space<vmem>> -> memref<1x128xi32, #tpu.memory_space<vmem>>
      %dma_start3A_150 = tpu.memref_squeeze %dma_start3A_149 : memref<1x128xi32, #tpu.memory_space<vmem>> -> memref<128xi32, #tpu.memory_space<vmem>>
      %dma_start3A_151 = arith.constant 0 : i32
      %dma_start3A_152 = arith.constant 0 : i32
      %dma_start3A_153 = tpu.memref_slice %arg10[%dma_start3A_151, %dma_start3A_152] : memref<10112x128xf32, #tpu.memory_space<vmem_shared>> -> memref<10112x128xf32, #tpu.memory_space<vmem_shared>>
      tpu.enqueue_indirect_dma source(%dma_start3A_147 : memref<128x128xf32, #tpu.memory_space<vmem>>) target(%dma_start3A_153 : memref<10112x128xf32, #tpu.memory_space<vmem_shared>>) offsets(%dma_start3A_150 : memref<128xi32, #tpu.memory_space<vmem>>) semaphore(%arg12 : memref<!tpu.dma_semaphore, #tpu.memory_space<semaphore_mem>>) {add = true}
      %dma_wait3A_154 = arith.constant 0 : i32
      %dma_wait3A_155 = arith.constant 1 : i32
      %dma_wait3A_156 = arith.constant 0 : i32
      %dma_wait3A_157 = arith.constant 0 : i32
      %dma_wait3A_158 = tpu.memref_slice %arg9[%dma_wait3A_155, %dma_wait3A_156, %dma_wait3A_157] : memref<2x128x128xf32, #tpu.memory_space<vmem>> -> memref<1x128x128xf32, #tpu.memory_space<vmem>>
      %dma_wait3A_159 = tpu.memref_squeeze %dma_wait3A_158 : memref<1x128x128xf32, #tpu.memory_space<vmem>> -> memref<128x128xf32, #tpu.memory_space<vmem>>
      %dma_wait3A_160 = arith.constant 0 : i32
      %dma_wait3A_161 = tpu.memref_slice %arg7[%dma_wait3A_154, %dma_wait3A_160] : memref<40x128xi32, #tpu.memory_space<vmem>> -> memref<1x128xi32, #tpu.memory_space<vmem>>
      %dma_wait3A_162 = tpu.memref_squeeze %dma_wait3A_161 : memref<1x128xi32, #tpu.memory_space<vmem>> -> memref<128xi32, #tpu.memory_space<vmem>>
      %dma_wait3A_163 = arith.constant 0 : i32
      %dma_wait3A_164 = arith.constant 0 : i32
      %dma_wait3A_165 = tpu.memref_slice %arg2[%dma_wait3A_163, %dma_wait3A_164] : memref<10000x128xf32, #tpu.memory_space<hbm>> -> memref<10000x128xf32, #tpu.memory_space<hbm>>
      tpu.wait_indirect_dma semaphore(%arg11 : memref<!tpu.dma_semaphore, #tpu.memory_space<semaphore_mem>>) src(%dma_wait3A_165 : memref<10000x128xf32, #tpu.memory_space<hbm>>) dst(%dma_wait3A_159 : memref<128x128xf32, #tpu.memory_space<vmem>>)
      %dma_start3A_166 = arith.constant 1 : i32
      %dma_start3A_167 = arith.constant 0 : i32
      %dma_start3A_168 = arith.constant 0 : i32
      %dma_start3A_169 = tpu.memref_slice %arg9[%dma_start3A_166, %dma_start3A_167, %dma_start3A_168] : memref<2x128x128xf32, #tpu.memory_space<vmem>> -> memref<1x128x128xf32, #tpu.memory_space<vmem>>
      %dma_start3A_170 = tpu.memref_squeeze %dma_start3A_169 : memref<1x128x128xf32, #tpu.memory_space<vmem>> -> memref<128x128xf32, #tpu.memory_space<vmem>>
      %dma_start3A_171 = arith.constant 0 : i32
      %dma_start3A_172 = tpu.memref_slice %arg8[%add3A_123, %dma_start3A_171] : memref<40x128xi32, #tpu.memory_space<vmem>> -> memref<1x128xi32, #tpu.memory_space<vmem>>
      %dma_start3A_173 = tpu.memref_squeeze %dma_start3A_172 : memref<1x128xi32, #tpu.memory_space<vmem>> -> memref<128xi32, #tpu.memory_space<vmem>>
      %dma_start3A_174 = arith.constant 0 : i32
      %dma_start3A_175 = arith.constant 0 : i32
      %dma_start3A_176 = tpu.memref_slice %arg10[%dma_start3A_174, %dma_start3A_175] : memref<10112x128xf32, #tpu.memory_space<vmem_shared>> -> memref<10112x128xf32, #tpu.memory_space<vmem_shared>>
      tpu.enqueue_indirect_dma source(%dma_start3A_170 : memref<128x128xf32, #tpu.memory_space<vmem>>) target(%dma_start3A_176 : memref<10112x128xf32, #tpu.memory_space<vmem_shared>>) offsets(%dma_start3A_173 : memref<128xi32, #tpu.memory_space<vmem>>) semaphore(%arg12 : memref<!tpu.dma_semaphore, #tpu.memory_space<semaphore_mem>>) {add = true}
      %dma_wait3A_177 = arith.constant 0 : i32
      %dma_wait3A_178 = arith.constant 0 : i32
      %dma_wait3A_179 = arith.constant 0 : i32
      %dma_wait3A_180 = tpu.memref_slice %arg9[%dma_wait3A_177, %dma_wait3A_178, %dma_wait3A_179] : memref<2x128x128xf32, #tpu.memory_space<vmem>> -> memref<1x128x128xf32, #tpu.memory_space<vmem>>
      %dma_wait3A_181 = tpu.memref_squeeze %dma_wait3A_180 : memref<1x128x128xf32, #tpu.memory_space<vmem>> -> memref<128x128xf32, #tpu.memory_space<vmem>>
      %dma_wait3A_182 = arith.constant 0 : i32
      %dma_wait3A_183 = tpu.memref_slice %arg8[%mul3A_119, %dma_wait3A_182] : memref<40x128xi32, #tpu.memory_space<vmem>> -> memref<1x128xi32, #tpu.memory_space<vmem>>
      %dma_wait3A_184 = tpu.memref_squeeze %dma_wait3A_183 : memref<1x128xi32, #tpu.memory_space<vmem>> -> memref<128xi32, #tpu.memory_space<vmem>>
      %dma_wait3A_185 = arith.constant 0 : i32
      %dma_wait3A_186 = arith.constant 0 : i32
      %dma_wait3A_187 = tpu.memref_slice %arg10[%dma_wait3A_185, %dma_wait3A_186] : memref<10112x128xf32, #tpu.memory_space<vmem_shared>> -> memref<10112x128xf32, #tpu.memory_space<vmem_shared>>
      tpu.wait_indirect_dma semaphore(%arg12 : memref<!tpu.dma_semaphore, #tpu.memory_space<semaphore_mem>>) src(%dma_wait3A_181 : memref<128x128xf32, #tpu.memory_space<vmem>>) dst(%dma_wait3A_187 : memref<10112x128xf32, #tpu.memory_space<vmem_shared>>)
      %dma_start3A_188 = arith.constant 0 : i32
      %dma_start3A_189 = arith.constant 0 : i32
      %dma_start3A_190 = arith.constant 0 : i32
      %dma_start3A_191 = tpu.memref_slice %arg9[%dma_start3A_188, %dma_start3A_189, %dma_start3A_190] : memref<2x128x128xf32, #tpu.memory_space<vmem>> -> memref<1x128x128xf32, #tpu.memory_space<vmem>>
      %dma_start3A_192 = tpu.memref_squeeze %dma_start3A_191 : memref<1x128x128xf32, #tpu.memory_space<vmem>> -> memref<128x128xf32, #tpu.memory_space<vmem>>
      %dma_start3A_193 = arith.constant 0 : i32
      %dma_start3A_194 = tpu.memref_slice %arg7[%rem3A_126, %dma_start3A_193] : memref<40x128xi32, #tpu.memory_space<vmem>> -> memref<1x128xi32, #tpu.memory_space<vmem>>
      %dma_start3A_195 = tpu.memref_squeeze %dma_start3A_194 : memref<1x128xi32, #tpu.memory_space<vmem>> -> memref<128xi32, #tpu.memory_space<vmem>>
      %dma_start3A_196 = arith.constant 0 : i32
      %dma_start3A_197 = arith.constant 0 : i32
      %dma_start3A_198 = tpu.memref_slice %arg2[%dma_start3A_196, %dma_start3A_197] : memref<10000x128xf32, #tpu.memory_space<hbm>> -> memref<10000x128xf32, #tpu.memory_space<hbm>>
      tpu.enqueue_indirect_dma source(%dma_start3A_198 : memref<10000x128xf32, #tpu.memory_space<hbm>>) target(%dma_start3A_192 : memref<128x128xf32, #tpu.memory_space<vmem>>) offsets(%dma_start3A_195 : memref<128xi32, #tpu.memory_space<vmem>>) semaphore(%arg11 : memref<!tpu.dma_semaphore, #tpu.memory_space<semaphore_mem>>)
      %dma_wait3A_199 = arith.constant 1 : i32
      %dma_wait3A_200 = arith.constant 0 : i32
      %dma_wait3A_201 = arith.constant 0 : i32
      %dma_wait3A_202 = tpu.memref_slice %arg9[%dma_wait3A_199, %dma_wait3A_200, %dma_wait3A_201] : memref<2x128x128xf32, #tpu.memory_space<vmem>> -> memref<1x128x128xf32, #tpu.memory_space<vmem>>
      %dma_wait3A_203 = tpu.memref_squeeze %dma_wait3A_202 : memref<1x128x128xf32, #tpu.memory_space<vmem>> -> memref<128x128xf32, #tpu.memory_space<vmem>>
      %dma_wait3A_204 = arith.constant 0 : i32
      %dma_wait3A_205 = tpu.memref_slice %arg8[%add3A_123, %dma_wait3A_204] : memref<40x128xi32, #tpu.memory_space<vmem>> -> memref<1x128xi32, #tpu.memory_space<vmem>>
      %dma_wait3A_206 = tpu.memref_squeeze %dma_wait3A_205 : memref<1x128xi32, #tpu.memory_space<vmem>> -> memref<128xi32, #tpu.memory_space<vmem>>
      %dma_wait3A_207 = arith.constant 0 : i32
      %dma_wait3A_208 = arith.constant 0 : i32
      %dma_wait3A_209 = tpu.memref_slice %arg10[%dma_wait3A_207, %dma_wait3A_208] : memref<10112x128xf32, #tpu.memory_space<vmem_shared>> -> memref<10112x128xf32, #tpu.memory_space<vmem_shared>>
      tpu.wait_indirect_dma semaphore(%arg12 : memref<!tpu.dma_semaphore, #tpu.memory_space<semaphore_mem>>) src(%dma_wait3A_203 : memref<128x128xf32, #tpu.memory_space<vmem>>) dst(%dma_wait3A_209 : memref<10112x128xf32, #tpu.memory_space<vmem_shared>>)
      %dma_start3A_210 = arith.constant 1 : i32
      %dma_start3A_211 = arith.constant 0 : i32
      %dma_start3A_212 = arith.constant 0 : i32
      %dma_start3A_213 = tpu.memref_slice %arg9[%dma_start3A_210, %dma_start3A_211, %dma_start3A_212] : memref<2x128x128xf32, #tpu.memory_space<vmem>> -> memref<1x128x128xf32, #tpu.memory_space<vmem>>
      %dma_start3A_214 = tpu.memref_squeeze %dma_start3A_213 : memref<1x128x128xf32, #tpu.memory_space<vmem>> -> memref<128x128xf32, #tpu.memory_space<vmem>>
      %dma_start3A_215 = arith.constant 0 : i32
      %dma_start3A_216 = tpu.memref_slice %arg7[%rem3A_130, %dma_start3A_215] : memref<40x128xi32, #tpu.memory_space<vmem>> -> memref<1x128xi32, #tpu.memory_space<vmem>>
      %dma_start3A_217 = tpu.memref_squeeze %dma_start3A_216 : memref<1x128xi32, #tpu.memory_space<vmem>> -> memref<128xi32, #tpu.memory_space<vmem>>
      %dma_start3A_218 = arith.constant 0 : i32
      %dma_start3A_219 = arith.constant 0 : i32
      %dma_start3A_220 = tpu.memref_slice %arg2[%dma_start3A_218, %dma_start3A_219] : memref<10000x128xf32, #tpu.memory_space<hbm>> -> memref<10000x128xf32, #tpu.memory_space<hbm>>
      tpu.enqueue_indirect_dma source(%dma_start3A_220 : memref<10000x128xf32, #tpu.memory_space<hbm>>) target(%dma_start3A_214 : memref<128x128xf32, #tpu.memory_space<vmem>>) offsets(%dma_start3A_217 : memref<128xi32, #tpu.memory_space<vmem>>) semaphore(%arg11 : memref<!tpu.dma_semaphore, #tpu.memory_space<semaphore_mem>>)
    }
    %scan3A_91 = arith.constant 20 : i32
    %dma_wait3A_92 = arith.constant 0 : i32
    %dma_wait3A_93 = arith.constant 0 : i32
    %dma_wait3A_94 = arith.constant 0 : i32
    %dma_wait3A_95 = arith.constant 0 : i32
    %dma_wait3A_96 = tpu.memref_slice %arg9[%dma_wait3A_93, %dma_wait3A_94, %dma_wait3A_95] : memref<2x128x128xf32, #tpu.memory_space<vmem>> -> memref<1x128x128xf32, #tpu.memory_space<vmem>>
    %dma_wait3A_97 = tpu.memref_squeeze %dma_wait3A_96 : memref<1x128x128xf32, #tpu.memory_space<vmem>> -> memref<128x128xf32, #tpu.memory_space<vmem>>
    %dma_wait3A_98 = arith.constant 0 : i32
    %dma_wait3A_99 = tpu.memref_slice %arg7[%dma_wait3A_92, %dma_wait3A_98] : memref<40x128xi32, #tpu.memory_space<vmem>> -> memref<1x128xi32, #tpu.memory_space<vmem>>
    %dma_wait3A_100 = tpu.memref_squeeze %dma_wait3A_99 : memref<1x128xi32, #tpu.memory_space<vmem>> -> memref<128xi32, #tpu.memory_space<vmem>>
    %dma_wait3A_101 = arith.constant 0 : i32
    %dma_wait3A_102 = arith.constant 0 : i32
    %dma_wait3A_103 = tpu.memref_slice %arg2[%dma_wait3A_101, %dma_wait3A_102] : memref<10000x128xf32, #tpu.memory_space<hbm>> -> memref<10000x128xf32, #tpu.memory_space<hbm>>
    tpu.wait_indirect_dma semaphore(%arg11 : memref<!tpu.dma_semaphore, #tpu.memory_space<semaphore_mem>>) src(%dma_wait3A_103 : memref<10000x128xf32, #tpu.memory_space<hbm>>) dst(%dma_wait3A_97 : memref<128x128xf32, #tpu.memory_space<vmem>>)
    %dma_wait3A_104 = arith.constant 0 : i32
    %dma_wait3A_105 = arith.constant 1 : i32
    %dma_wait3A_106 = arith.constant 0 : i32
    %dma_wait3A_107 = arith.constant 0 : i32
    %dma_wait3A_108 = tpu.memref_slice %arg9[%dma_wait3A_105, %dma_wait3A_106, %dma_wait3A_107] : memref<2x128x128xf32, #tpu.memory_space<vmem>> -> memref<1x128x128xf32, #tpu.memory_space<vmem>>
    %dma_wait3A_109 = tpu.memref_squeeze %dma_wait3A_108 : memref<1x128x128xf32, #tpu.memory_space<vmem>> -> memref<128x128xf32, #tpu.memory_space<vmem>>
    %dma_wait3A_110 = arith.constant 0 : i32
    %dma_wait3A_111 = tpu.memref_slice %arg7[%dma_wait3A_104, %dma_wait3A_110] : memref<40x128xi32, #tpu.memory_space<vmem>> -> memref<1x128xi32, #tpu.memory_space<vmem>>
    %dma_wait3A_112 = tpu.memref_squeeze %dma_wait3A_111 : memref<1x128xi32, #tpu.memory_space<vmem>> -> memref<128xi32, #tpu.memory_space<vmem>>
    %dma_wait3A_113 = arith.constant 0 : i32
    %dma_wait3A_114 = arith.constant 0 : i32
    %dma_wait3A_115 = tpu.memref_slice %arg2[%dma_wait3A_113, %dma_wait3A_114] : memref<10000x128xf32, #tpu.memory_space<hbm>> -> memref<10000x128xf32, #tpu.memory_space<hbm>>
    tpu.wait_indirect_dma semaphore(%arg11 : memref<!tpu.dma_semaphore, #tpu.memory_space<semaphore_mem>>) src(%dma_wait3A_115 : memref<10000x128xf32, #tpu.memory_space<hbm>>) dst(%dma_wait3A_109 : memref<128x128xf32, #tpu.memory_space<vmem>>)
    %barrier3A_116 = arith.constant 0 : index
    tpu.barrier barrier_id(%barrier3A_116)
    "tpu.region"() ({
      %run_scoped3A = tpu.sem_alloc : memref<!tpu.dma_semaphore, #tpu.memory_space<semaphore_mem>>
      %dma_start3A_117 = arith.constant 0 : i32
      %dma_start3A_118 = tpu.memref_slice %arg6[%arg0, %mul3A_2, %dma_start3A_117] : memref<2x10112x128xf32, #tpu.memory_space<hbm>> -> memref<1x632x128xf32, #tpu.memory_space<hbm>>
      %dma_start3A_119 = tpu.memref_squeeze %dma_start3A_118 : memref<1x632x128xf32, #tpu.memory_space<hbm>> -> memref<632x128xf32, #tpu.memory_space<hbm>>
      %dma_start3A_120 = arith.constant 0 : i32
      %dma_start3A_121 = tpu.memref_slice %arg10[%mul3A_2, %dma_start3A_120] : memref<10112x128xf32, #tpu.memory_space<vmem_shared>> -> memref<632x128xf32, #tpu.memory_space<vmem_shared>>
      tpu.enqueue_dma source(%dma_start3A_121 : memref<632x128xf32, #tpu.memory_space<vmem_shared>>) target(%dma_start3A_119 : memref<632x128xf32, #tpu.memory_space<hbm>>) target_semaphore(%run_scoped3A : memref<!tpu.dma_semaphore, #tpu.memory_space<semaphore_mem>>)
      %dma_wait3A_122 = arith.constant 0 : i32
      %dma_wait3A_123 = tpu.memref_slice %arg6[%arg0, %mul3A_2, %dma_wait3A_122] : memref<2x10112x128xf32, #tpu.memory_space<hbm>> -> memref<1x632x128xf32, #tpu.memory_space<hbm>>
      %dma_wait3A_124 = tpu.memref_squeeze %dma_wait3A_123 : memref<1x632x128xf32, #tpu.memory_space<hbm>> -> memref<632x128xf32, #tpu.memory_space<hbm>>
      %dma_wait3A_125 = arith.constant 0 : i32
      %dma_wait3A_126 = tpu.memref_slice %arg10[%mul3A_2, %dma_wait3A_125] : memref<10112x128xf32, #tpu.memory_space<vmem_shared>> -> memref<632x128xf32, #tpu.memory_space<vmem_shared>>
      tpu.wait_dma2 semaphore(%run_scoped3A : memref<!tpu.dma_semaphore, #tpu.memory_space<semaphore_mem>>) src(%dma_wait3A_126 : memref<632x128xf32, #tpu.memory_space<vmem_shared>>) dst(%dma_wait3A_124 : memref<632x128xf32, #tpu.memory_space<hbm>>)
      tpu.yield
    }) : () -> ()
    return
  }
}

#map = affine_map<(d0, d1) -> (0, 0)>
#map1 = affine_map<(d0, d1) -> (0, 0, 0)>
module attributes {stable_mosaic.version = 14 : i64} {
  func.func @body(%arg0: i32, %arg1: i32, %arg2: memref<2560x128xi32, #tpu.memory_space<hbm>>, %arg3: memref<10112x128xf32, #tpu.memory_space<hbm>>, %arg4: memref<128x128xf32, #tpu.memory_space<hbm>>, %arg5: memref<2x10112x128xf32, #tpu.memory_space<hbm>>, %arg6: memref<80x128xi32, #tpu.memory_space<vmem>>, %arg7: memref<128x128xf32, #tpu.memory_space<vmem>>, %arg8: memref<10112x128xf32, #tpu.memory_space<vmem_shared>>, %arg9: memref<!tpu.dma_semaphore, #tpu.memory_space<semaphore_mem>>) attributes {dimension_semantics = [#tpu.dimension_semantics<core_parallel>, #tpu.dimension_semantics<subcore_parallel>], iteration_bounds = array<i64: 2, 16>, scalar_prefetch = 0 : i64, scratch_operands = 4 : i64, tpu.core_type = #tpu.core_type<sc_vector_subcore>, window_params = [{transform_indices = #map}, {transform_indices = #map}, {transform_indices = #map}, {transform_indices = #map1}]} {
    %mul3A = arith.constant 16 : i32
    %mul3A_0 = arith.muli %arg0, %mul3A : i32
    %add3A = arith.addi %mul3A_0, %arg1 : i32
    %mul3A_1 = arith.constant 632 : i32
    %mul3A_2 = arith.muli %arg1, %mul3A_1 : i32
    "tpu.region"() ({
      %run_scoped3A = tpu.sem_alloc : memref<!tpu.dma_semaphore, #tpu.memory_space<semaphore_mem>>
      %dma_start3A = arith.constant 0 : i32
      %dma_start3A_11 = tpu.memref_slice %arg8[%mul3A_2, %dma_start3A] : memref<10112x128xf32, #tpu.memory_space<vmem_shared>> -> memref<632x128xf32, #tpu.memory_space<vmem_shared>>
      %dma_start3A_12 = arith.constant 0 : i32
      %dma_start3A_13 = tpu.memref_slice %arg3[%mul3A_2, %dma_start3A_12] : memref<10112x128xf32, #tpu.memory_space<hbm>> -> memref<632x128xf32, #tpu.memory_space<hbm>>
      tpu.enqueue_dma source(%dma_start3A_13 : memref<632x128xf32, #tpu.memory_space<hbm>>) target(%dma_start3A_11 : memref<632x128xf32, #tpu.memory_space<vmem_shared>>) target_semaphore(%run_scoped3A : memref<!tpu.dma_semaphore, #tpu.memory_space<semaphore_mem>>)
      %dma_wait3A = arith.constant 0 : i32
      %dma_wait3A_14 = tpu.memref_slice %arg8[%mul3A_2, %dma_wait3A] : memref<10112x128xf32, #tpu.memory_space<vmem_shared>> -> memref<632x128xf32, #tpu.memory_space<vmem_shared>>
      %dma_wait3A_15 = arith.constant 0 : i32
      %dma_wait3A_16 = tpu.memref_slice %arg3[%mul3A_2, %dma_wait3A_15] : memref<10112x128xf32, #tpu.memory_space<hbm>> -> memref<632x128xf32, #tpu.memory_space<hbm>>
      tpu.wait_dma2 semaphore(%run_scoped3A : memref<!tpu.dma_semaphore, #tpu.memory_space<semaphore_mem>>) src(%dma_wait3A_16 : memref<632x128xf32, #tpu.memory_space<hbm>>) dst(%dma_wait3A_14 : memref<632x128xf32, #tpu.memory_space<vmem_shared>>)
      tpu.yield
    }) : () -> ()
    "tpu.region"() ({
      %run_scoped3A = tpu.sem_alloc : memref<!tpu.dma_semaphore, #tpu.memory_space<semaphore_mem>>
      tpu.enqueue_dma source(%arg4 : memref<128x128xf32, #tpu.memory_space<hbm>>) target(%arg7 : memref<128x128xf32, #tpu.memory_space<vmem>>) target_semaphore(%run_scoped3A : memref<!tpu.dma_semaphore, #tpu.memory_space<semaphore_mem>>)
      tpu.wait_dma2 semaphore(%run_scoped3A : memref<!tpu.dma_semaphore, #tpu.memory_space<semaphore_mem>>) src(%arg4 : memref<128x128xf32, #tpu.memory_space<hbm>>) dst(%arg7 : memref<128x128xf32, #tpu.memory_space<vmem>>)
      tpu.yield
    }) : () -> ()
    %mul3A_3 = arith.constant 80 : i32
    %mul3A_4 = arith.muli %add3A, %mul3A_3 : i32
    "tpu.region"() ({
      %run_scoped3A = tpu.sem_alloc : memref<!tpu.dma_semaphore, #tpu.memory_space<semaphore_mem>>
      %dma_start3A = arith.constant 0 : i32
      %dma_start3A_11 = tpu.memref_slice %arg2[%mul3A_4, %dma_start3A] : memref<2560x128xi32, #tpu.memory_space<hbm>> -> memref<80x128xi32, #tpu.memory_space<hbm>>
      %dma_start3A_12 = arith.constant 0 : i32
      %dma_start3A_13 = tpu.memref_slice %arg2[%mul3A_4, %dma_start3A_12] : memref<2560x128xi32, #tpu.memory_space<hbm>> -> memref<80x128xi32, #tpu.memory_space<hbm>>
      tpu.enqueue_dma source(%dma_start3A_13 : memref<80x128xi32, #tpu.memory_space<hbm>>) target(%arg6 : memref<80x128xi32, #tpu.memory_space<vmem>>) target_semaphore(%run_scoped3A : memref<!tpu.dma_semaphore, #tpu.memory_space<semaphore_mem>>)
      %dma_wait3A = arith.constant 0 : i32
      %dma_wait3A_14 = tpu.memref_slice %arg2[%mul3A_4, %dma_wait3A] : memref<2560x128xi32, #tpu.memory_space<hbm>> -> memref<80x128xi32, #tpu.memory_space<hbm>>
      %dma_wait3A_15 = arith.constant 0 : i32
      %dma_wait3A_16 = tpu.memref_slice %arg2[%mul3A_4, %dma_wait3A_15] : memref<2560x128xi32, #tpu.memory_space<hbm>> -> memref<80x128xi32, #tpu.memory_space<hbm>>
      tpu.wait_dma2 semaphore(%run_scoped3A : memref<!tpu.dma_semaphore, #tpu.memory_space<semaphore_mem>>) src(%dma_wait3A_16 : memref<80x128xi32, #tpu.memory_space<hbm>>) dst(%arg6 : memref<80x128xi32, #tpu.memory_space<vmem>>)
      tpu.yield
    }) : () -> ()
    %barrier3A = arith.constant 0 : index
    tpu.barrier barrier_id(%barrier3A)
    %scan3A = arith.constant 0 : i32
    %scan3A_5 = arith.constant 0 : i32
    %scan3A_6 = arith.constant 10 : i32
    %scan3A_7 = arith.addi %scan3A_5, %scan3A_6 : i32
    %scan3A_8 = arith.constant 1 : i32
    scf.for %scan3A_11 = %scan3A_5 to %scan3A_7 step %scan3A_8  : i32 {
      %mul3A_12 = arith.constant 8 : i32
      %mul3A_13 = arith.muli %scan3A_11, %mul3A_12 : i32
      %add3A_14 = arith.constant 0 : i32
      %add3A_15 = arith.addi %mul3A_13, %add3A_14 : i32
      %dma_start3A = arith.constant 0 : i32
      %dma_start3A_16 = tpu.memref_slice %arg6[%add3A_15, %dma_start3A] : memref<80x128xi32, #tpu.memory_space<vmem>> -> memref<1x128xi32, #tpu.memory_space<vmem>>
      %dma_start3A_17 = tpu.memref_squeeze %dma_start3A_16 : memref<1x128xi32, #tpu.memory_space<vmem>> -> memref<128xi32, #tpu.memory_space<vmem>>
      %dma_start3A_18 = arith.constant 0 : i32
      %dma_start3A_19 = arith.constant 0 : i32
      %dma_start3A_20 = tpu.memref_slice %arg8[%dma_start3A_18, %dma_start3A_19] : memref<10112x128xf32, #tpu.memory_space<vmem_shared>> -> memref<10112x128xf32, #tpu.memory_space<vmem_shared>>
      tpu.enqueue_indirect_dma source(%arg7 : memref<128x128xf32, #tpu.memory_space<vmem>>) target(%dma_start3A_20 : memref<10112x128xf32, #tpu.memory_space<vmem_shared>>) offsets(%dma_start3A_17 : memref<128xi32, #tpu.memory_space<vmem>>) semaphore(%arg9 : memref<!tpu.dma_semaphore, #tpu.memory_space<semaphore_mem>>) {add = true}
      %mul3A_21 = arith.constant 8 : i32
      %mul3A_22 = arith.muli %scan3A_11, %mul3A_21 : i32
      %add3A_23 = arith.constant 1 : i32
      %add3A_24 = arith.addi %mul3A_22, %add3A_23 : i32
      %dma_start3A_25 = arith.constant 0 : i32
      %dma_start3A_26 = tpu.memref_slice %arg6[%add3A_24, %dma_start3A_25] : memref<80x128xi32, #tpu.memory_space<vmem>> -> memref<1x128xi32, #tpu.memory_space<vmem>>
      %dma_start3A_27 = tpu.memref_squeeze %dma_start3A_26 : memref<1x128xi32, #tpu.memory_space<vmem>> -> memref<128xi32, #tpu.memory_space<vmem>>
      %dma_start3A_28 = arith.constant 0 : i32
      %dma_start3A_29 = arith.constant 0 : i32
      %dma_start3A_30 = tpu.memref_slice %arg8[%dma_start3A_28, %dma_start3A_29] : memref<10112x128xf32, #tpu.memory_space<vmem_shared>> -> memref<10112x128xf32, #tpu.memory_space<vmem_shared>>
      tpu.enqueue_indirect_dma source(%arg7 : memref<128x128xf32, #tpu.memory_space<vmem>>) target(%dma_start3A_30 : memref<10112x128xf32, #tpu.memory_space<vmem_shared>>) offsets(%dma_start3A_27 : memref<128xi32, #tpu.memory_space<vmem>>) semaphore(%arg9 : memref<!tpu.dma_semaphore, #tpu.memory_space<semaphore_mem>>) {add = true}
      %mul3A_31 = arith.constant 8 : i32
      %mul3A_32 = arith.muli %scan3A_11, %mul3A_31 : i32
      %add3A_33 = arith.constant 2 : i32
      %add3A_34 = arith.addi %mul3A_32, %add3A_33 : i32
      %dma_start3A_35 = arith.constant 0 : i32
      %dma_start3A_36 = tpu.memref_slice %arg6[%add3A_34, %dma_start3A_35] : memref<80x128xi32, #tpu.memory_space<vmem>> -> memref<1x128xi32, #tpu.memory_space<vmem>>
      %dma_start3A_37 = tpu.memref_squeeze %dma_start3A_36 : memref<1x128xi32, #tpu.memory_space<vmem>> -> memref<128xi32, #tpu.memory_space<vmem>>
      %dma_start3A_38 = arith.constant 0 : i32
      %dma_start3A_39 = arith.constant 0 : i32
      %dma_start3A_40 = tpu.memref_slice %arg8[%dma_start3A_38, %dma_start3A_39] : memref<10112x128xf32, #tpu.memory_space<vmem_shared>> -> memref<10112x128xf32, #tpu.memory_space<vmem_shared>>
      tpu.enqueue_indirect_dma source(%arg7 : memref<128x128xf32, #tpu.memory_space<vmem>>) target(%dma_start3A_40 : memref<10112x128xf32, #tpu.memory_space<vmem_shared>>) offsets(%dma_start3A_37 : memref<128xi32, #tpu.memory_space<vmem>>) semaphore(%arg9 : memref<!tpu.dma_semaphore, #tpu.memory_space<semaphore_mem>>) {add = true}
      %mul3A_41 = arith.constant 8 : i32
      %mul3A_42 = arith.muli %scan3A_11, %mul3A_41 : i32
      %add3A_43 = arith.constant 3 : i32
      %add3A_44 = arith.addi %mul3A_42, %add3A_43 : i32
      %dma_start3A_45 = arith.constant 0 : i32
      %dma_start3A_46 = tpu.memref_slice %arg6[%add3A_44, %dma_start3A_45] : memref<80x128xi32, #tpu.memory_space<vmem>> -> memref<1x128xi32, #tpu.memory_space<vmem>>
      %dma_start3A_47 = tpu.memref_squeeze %dma_start3A_46 : memref<1x128xi32, #tpu.memory_space<vmem>> -> memref<128xi32, #tpu.memory_space<vmem>>
      %dma_start3A_48 = arith.constant 0 : i32
      %dma_start3A_49 = arith.constant 0 : i32
      %dma_start3A_50 = tpu.memref_slice %arg8[%dma_start3A_48, %dma_start3A_49] : memref<10112x128xf32, #tpu.memory_space<vmem_shared>> -> memref<10112x128xf32, #tpu.memory_space<vmem_shared>>
      tpu.enqueue_indirect_dma source(%arg7 : memref<128x128xf32, #tpu.memory_space<vmem>>) target(%dma_start3A_50 : memref<10112x128xf32, #tpu.memory_space<vmem_shared>>) offsets(%dma_start3A_47 : memref<128xi32, #tpu.memory_space<vmem>>) semaphore(%arg9 : memref<!tpu.dma_semaphore, #tpu.memory_space<semaphore_mem>>) {add = true}
      %mul3A_51 = arith.constant 8 : i32
      %mul3A_52 = arith.muli %scan3A_11, %mul3A_51 : i32
      %add3A_53 = arith.constant 4 : i32
      %add3A_54 = arith.addi %mul3A_52, %add3A_53 : i32
      %dma_start3A_55 = arith.constant 0 : i32
      %dma_start3A_56 = tpu.memref_slice %arg6[%add3A_54, %dma_start3A_55] : memref<80x128xi32, #tpu.memory_space<vmem>> -> memref<1x128xi32, #tpu.memory_space<vmem>>
      %dma_start3A_57 = tpu.memref_squeeze %dma_start3A_56 : memref<1x128xi32, #tpu.memory_space<vmem>> -> memref<128xi32, #tpu.memory_space<vmem>>
      %dma_start3A_58 = arith.constant 0 : i32
      %dma_start3A_59 = arith.constant 0 : i32
      %dma_start3A_60 = tpu.memref_slice %arg8[%dma_start3A_58, %dma_start3A_59] : memref<10112x128xf32, #tpu.memory_space<vmem_shared>> -> memref<10112x128xf32, #tpu.memory_space<vmem_shared>>
      tpu.enqueue_indirect_dma source(%arg7 : memref<128x128xf32, #tpu.memory_space<vmem>>) target(%dma_start3A_60 : memref<10112x128xf32, #tpu.memory_space<vmem_shared>>) offsets(%dma_start3A_57 : memref<128xi32, #tpu.memory_space<vmem>>) semaphore(%arg9 : memref<!tpu.dma_semaphore, #tpu.memory_space<semaphore_mem>>) {add = true}
      %mul3A_61 = arith.constant 8 : i32
      %mul3A_62 = arith.muli %scan3A_11, %mul3A_61 : i32
      %add3A_63 = arith.constant 5 : i32
      %add3A_64 = arith.addi %mul3A_62, %add3A_63 : i32
      %dma_start3A_65 = arith.constant 0 : i32
      %dma_start3A_66 = tpu.memref_slice %arg6[%add3A_64, %dma_start3A_65] : memref<80x128xi32, #tpu.memory_space<vmem>> -> memref<1x128xi32, #tpu.memory_space<vmem>>
      %dma_start3A_67 = tpu.memref_squeeze %dma_start3A_66 : memref<1x128xi32, #tpu.memory_space<vmem>> -> memref<128xi32, #tpu.memory_space<vmem>>
      %dma_start3A_68 = arith.constant 0 : i32
      %dma_start3A_69 = arith.constant 0 : i32
      %dma_start3A_70 = tpu.memref_slice %arg8[%dma_start3A_68, %dma_start3A_69] : memref<10112x128xf32, #tpu.memory_space<vmem_shared>> -> memref<10112x128xf32, #tpu.memory_space<vmem_shared>>
      tpu.enqueue_indirect_dma source(%arg7 : memref<128x128xf32, #tpu.memory_space<vmem>>) target(%dma_start3A_70 : memref<10112x128xf32, #tpu.memory_space<vmem_shared>>) offsets(%dma_start3A_67 : memref<128xi32, #tpu.memory_space<vmem>>) semaphore(%arg9 : memref<!tpu.dma_semaphore, #tpu.memory_space<semaphore_mem>>) {add = true}
      %mul3A_71 = arith.constant 8 : i32
      %mul3A_72 = arith.muli %scan3A_11, %mul3A_71 : i32
      %add3A_73 = arith.constant 6 : i32
      %add3A_74 = arith.addi %mul3A_72, %add3A_73 : i32
      %dma_start3A_75 = arith.constant 0 : i32
      %dma_start3A_76 = tpu.memref_slice %arg6[%add3A_74, %dma_start3A_75] : memref<80x128xi32, #tpu.memory_space<vmem>> -> memref<1x128xi32, #tpu.memory_space<vmem>>
      %dma_start3A_77 = tpu.memref_squeeze %dma_start3A_76 : memref<1x128xi32, #tpu.memory_space<vmem>> -> memref<128xi32, #tpu.memory_space<vmem>>
      %dma_start3A_78 = arith.constant 0 : i32
      %dma_start3A_79 = arith.constant 0 : i32
      %dma_start3A_80 = tpu.memref_slice %arg8[%dma_start3A_78, %dma_start3A_79] : memref<10112x128xf32, #tpu.memory_space<vmem_shared>> -> memref<10112x128xf32, #tpu.memory_space<vmem_shared>>
      tpu.enqueue_indirect_dma source(%arg7 : memref<128x128xf32, #tpu.memory_space<vmem>>) target(%dma_start3A_80 : memref<10112x128xf32, #tpu.memory_space<vmem_shared>>) offsets(%dma_start3A_77 : memref<128xi32, #tpu.memory_space<vmem>>) semaphore(%arg9 : memref<!tpu.dma_semaphore, #tpu.memory_space<semaphore_mem>>) {add = true}
      %mul3A_81 = arith.constant 8 : i32
      %mul3A_82 = arith.muli %scan3A_11, %mul3A_81 : i32
      %add3A_83 = arith.constant 7 : i32
      %add3A_84 = arith.addi %mul3A_82, %add3A_83 : i32
      %dma_start3A_85 = arith.constant 0 : i32
      %dma_start3A_86 = tpu.memref_slice %arg6[%add3A_84, %dma_start3A_85] : memref<80x128xi32, #tpu.memory_space<vmem>> -> memref<1x128xi32, #tpu.memory_space<vmem>>
      %dma_start3A_87 = tpu.memref_squeeze %dma_start3A_86 : memref<1x128xi32, #tpu.memory_space<vmem>> -> memref<128xi32, #tpu.memory_space<vmem>>
      %dma_start3A_88 = arith.constant 0 : i32
      %dma_start3A_89 = arith.constant 0 : i32
      %dma_start3A_90 = tpu.memref_slice %arg8[%dma_start3A_88, %dma_start3A_89] : memref<10112x128xf32, #tpu.memory_space<vmem_shared>> -> memref<10112x128xf32, #tpu.memory_space<vmem_shared>>
      tpu.enqueue_indirect_dma source(%arg7 : memref<128x128xf32, #tpu.memory_space<vmem>>) target(%dma_start3A_90 : memref<10112x128xf32, #tpu.memory_space<vmem_shared>>) offsets(%dma_start3A_87 : memref<128xi32, #tpu.memory_space<vmem>>) semaphore(%arg9 : memref<!tpu.dma_semaphore, #tpu.memory_space<semaphore_mem>>) {add = true}
      %dma_wait3A = arith.constant 0 : i32
      %dma_wait3A_91 = tpu.memref_slice %arg6[%add3A_15, %dma_wait3A] : memref<80x128xi32, #tpu.memory_space<vmem>> -> memref<1x128xi32, #tpu.memory_space<vmem>>
      %dma_wait3A_92 = tpu.memref_squeeze %dma_wait3A_91 : memref<1x128xi32, #tpu.memory_space<vmem>> -> memref<128xi32, #tpu.memory_space<vmem>>
      %dma_wait3A_93 = arith.constant 0 : i32
      %dma_wait3A_94 = arith.constant 0 : i32
      %dma_wait3A_95 = tpu.memref_slice %arg8[%dma_wait3A_93, %dma_wait3A_94] : memref<10112x128xf32, #tpu.memory_space<vmem_shared>> -> memref<10112x128xf32, #tpu.memory_space<vmem_shared>>
      tpu.wait_indirect_dma semaphore(%arg9 : memref<!tpu.dma_semaphore, #tpu.memory_space<semaphore_mem>>) src(%arg7 : memref<128x128xf32, #tpu.memory_space<vmem>>) dst(%dma_wait3A_95 : memref<10112x128xf32, #tpu.memory_space<vmem_shared>>)
      %dma_wait3A_96 = arith.constant 0 : i32
      %dma_wait3A_97 = tpu.memref_slice %arg6[%add3A_24, %dma_wait3A_96] : memref<80x128xi32, #tpu.memory_space<vmem>> -> memref<1x128xi32, #tpu.memory_space<vmem>>
      %dma_wait3A_98 = tpu.memref_squeeze %dma_wait3A_97 : memref<1x128xi32, #tpu.memory_space<vmem>> -> memref<128xi32, #tpu.memory_space<vmem>>
      %dma_wait3A_99 = arith.constant 0 : i32
      %dma_wait3A_100 = arith.constant 0 : i32
      %dma_wait3A_101 = tpu.memref_slice %arg8[%dma_wait3A_99, %dma_wait3A_100] : memref<10112x128xf32, #tpu.memory_space<vmem_shared>> -> memref<10112x128xf32, #tpu.memory_space<vmem_shared>>
      tpu.wait_indirect_dma semaphore(%arg9 : memref<!tpu.dma_semaphore, #tpu.memory_space<semaphore_mem>>) src(%arg7 : memref<128x128xf32, #tpu.memory_space<vmem>>) dst(%dma_wait3A_101 : memref<10112x128xf32, #tpu.memory_space<vmem_shared>>)
      %dma_wait3A_102 = arith.constant 0 : i32
      %dma_wait3A_103 = tpu.memref_slice %arg6[%add3A_34, %dma_wait3A_102] : memref<80x128xi32, #tpu.memory_space<vmem>> -> memref<1x128xi32, #tpu.memory_space<vmem>>
      %dma_wait3A_104 = tpu.memref_squeeze %dma_wait3A_103 : memref<1x128xi32, #tpu.memory_space<vmem>> -> memref<128xi32, #tpu.memory_space<vmem>>
      %dma_wait3A_105 = arith.constant 0 : i32
      %dma_wait3A_106 = arith.constant 0 : i32
      %dma_wait3A_107 = tpu.memref_slice %arg8[%dma_wait3A_105, %dma_wait3A_106] : memref<10112x128xf32, #tpu.memory_space<vmem_shared>> -> memref<10112x128xf32, #tpu.memory_space<vmem_shared>>
      tpu.wait_indirect_dma semaphore(%arg9 : memref<!tpu.dma_semaphore, #tpu.memory_space<semaphore_mem>>) src(%arg7 : memref<128x128xf32, #tpu.memory_space<vmem>>) dst(%dma_wait3A_107 : memref<10112x128xf32, #tpu.memory_space<vmem_shared>>)
      %dma_wait3A_108 = arith.constant 0 : i32
      %dma_wait3A_109 = tpu.memref_slice %arg6[%add3A_44, %dma_wait3A_108] : memref<80x128xi32, #tpu.memory_space<vmem>> -> memref<1x128xi32, #tpu.memory_space<vmem>>
      %dma_wait3A_110 = tpu.memref_squeeze %dma_wait3A_109 : memref<1x128xi32, #tpu.memory_space<vmem>> -> memref<128xi32, #tpu.memory_space<vmem>>
      %dma_wait3A_111 = arith.constant 0 : i32
      %dma_wait3A_112 = arith.constant 0 : i32
      %dma_wait3A_113 = tpu.memref_slice %arg8[%dma_wait3A_111, %dma_wait3A_112] : memref<10112x128xf32, #tpu.memory_space<vmem_shared>> -> memref<10112x128xf32, #tpu.memory_space<vmem_shared>>
      tpu.wait_indirect_dma semaphore(%arg9 : memref<!tpu.dma_semaphore, #tpu.memory_space<semaphore_mem>>) src(%arg7 : memref<128x128xf32, #tpu.memory_space<vmem>>) dst(%dma_wait3A_113 : memref<10112x128xf32, #tpu.memory_space<vmem_shared>>)
      %dma_wait3A_114 = arith.constant 0 : i32
      %dma_wait3A_115 = tpu.memref_slice %arg6[%add3A_54, %dma_wait3A_114] : memref<80x128xi32, #tpu.memory_space<vmem>> -> memref<1x128xi32, #tpu.memory_space<vmem>>
      %dma_wait3A_116 = tpu.memref_squeeze %dma_wait3A_115 : memref<1x128xi32, #tpu.memory_space<vmem>> -> memref<128xi32, #tpu.memory_space<vmem>>
      %dma_wait3A_117 = arith.constant 0 : i32
      %dma_wait3A_118 = arith.constant 0 : i32
      %dma_wait3A_119 = tpu.memref_slice %arg8[%dma_wait3A_117, %dma_wait3A_118] : memref<10112x128xf32, #tpu.memory_space<vmem_shared>> -> memref<10112x128xf32, #tpu.memory_space<vmem_shared>>
      tpu.wait_indirect_dma semaphore(%arg9 : memref<!tpu.dma_semaphore, #tpu.memory_space<semaphore_mem>>) src(%arg7 : memref<128x128xf32, #tpu.memory_space<vmem>>) dst(%dma_wait3A_119 : memref<10112x128xf32, #tpu.memory_space<vmem_shared>>)
      %dma_wait3A_120 = arith.constant 0 : i32
      %dma_wait3A_121 = tpu.memref_slice %arg6[%add3A_64, %dma_wait3A_120] : memref<80x128xi32, #tpu.memory_space<vmem>> -> memref<1x128xi32, #tpu.memory_space<vmem>>
      %dma_wait3A_122 = tpu.memref_squeeze %dma_wait3A_121 : memref<1x128xi32, #tpu.memory_space<vmem>> -> memref<128xi32, #tpu.memory_space<vmem>>
      %dma_wait3A_123 = arith.constant 0 : i32
      %dma_wait3A_124 = arith.constant 0 : i32
      %dma_wait3A_125 = tpu.memref_slice %arg8[%dma_wait3A_123, %dma_wait3A_124] : memref<10112x128xf32, #tpu.memory_space<vmem_shared>> -> memref<10112x128xf32, #tpu.memory_space<vmem_shared>>
      tpu.wait_indirect_dma semaphore(%arg9 : memref<!tpu.dma_semaphore, #tpu.memory_space<semaphore_mem>>) src(%arg7 : memref<128x128xf32, #tpu.memory_space<vmem>>) dst(%dma_wait3A_125 : memref<10112x128xf32, #tpu.memory_space<vmem_shared>>)
      %dma_wait3A_126 = arith.constant 0 : i32
      %dma_wait3A_127 = tpu.memref_slice %arg6[%add3A_74, %dma_wait3A_126] : memref<80x128xi32, #tpu.memory_space<vmem>> -> memref<1x128xi32, #tpu.memory_space<vmem>>
      %dma_wait3A_128 = tpu.memref_squeeze %dma_wait3A_127 : memref<1x128xi32, #tpu.memory_space<vmem>> -> memref<128xi32, #tpu.memory_space<vmem>>
      %dma_wait3A_129 = arith.constant 0 : i32
      %dma_wait3A_130 = arith.constant 0 : i32
      %dma_wait3A_131 = tpu.memref_slice %arg8[%dma_wait3A_129, %dma_wait3A_130] : memref<10112x128xf32, #tpu.memory_space<vmem_shared>> -> memref<10112x128xf32, #tpu.memory_space<vmem_shared>>
      tpu.wait_indirect_dma semaphore(%arg9 : memref<!tpu.dma_semaphore, #tpu.memory_space<semaphore_mem>>) src(%arg7 : memref<128x128xf32, #tpu.memory_space<vmem>>) dst(%dma_wait3A_131 : memref<10112x128xf32, #tpu.memory_space<vmem_shared>>)
      %dma_wait3A_132 = arith.constant 0 : i32
      %dma_wait3A_133 = tpu.memref_slice %arg6[%add3A_84, %dma_wait3A_132] : memref<80x128xi32, #tpu.memory_space<vmem>> -> memref<1x128xi32, #tpu.memory_space<vmem>>
      %dma_wait3A_134 = tpu.memref_squeeze %dma_wait3A_133 : memref<1x128xi32, #tpu.memory_space<vmem>> -> memref<128xi32, #tpu.memory_space<vmem>>
      %dma_wait3A_135 = arith.constant 0 : i32
      %dma_wait3A_136 = arith.constant 0 : i32
      %dma_wait3A_137 = tpu.memref_slice %arg8[%dma_wait3A_135, %dma_wait3A_136] : memref<10112x128xf32, #tpu.memory_space<vmem_shared>> -> memref<10112x128xf32, #tpu.memory_space<vmem_shared>>
      tpu.wait_indirect_dma semaphore(%arg9 : memref<!tpu.dma_semaphore, #tpu.memory_space<semaphore_mem>>) src(%arg7 : memref<128x128xf32, #tpu.memory_space<vmem>>) dst(%dma_wait3A_137 : memref<10112x128xf32, #tpu.memory_space<vmem_shared>>)
    }
    %scan3A_9 = arith.constant 10 : i32
    %barrier3A_10 = arith.constant 0 : index
    tpu.barrier barrier_id(%barrier3A_10)
    "tpu.region"() ({
      %run_scoped3A = tpu.sem_alloc : memref<!tpu.dma_semaphore, #tpu.memory_space<semaphore_mem>>
      %dma_start3A = arith.constant 0 : i32
      %dma_start3A_11 = tpu.memref_slice %arg5[%arg0, %mul3A_2, %dma_start3A] : memref<2x10112x128xf32, #tpu.memory_space<hbm>> -> memref<1x632x128xf32, #tpu.memory_space<hbm>>
      %dma_start3A_12 = tpu.memref_squeeze %dma_start3A_11 : memref<1x632x128xf32, #tpu.memory_space<hbm>> -> memref<632x128xf32, #tpu.memory_space<hbm>>
      %dma_start3A_13 = arith.constant 0 : i32
      %dma_start3A_14 = tpu.memref_slice %arg8[%mul3A_2, %dma_start3A_13] : memref<10112x128xf32, #tpu.memory_space<vmem_shared>> -> memref<632x128xf32, #tpu.memory_space<vmem_shared>>
      tpu.enqueue_dma source(%dma_start3A_14 : memref<632x128xf32, #tpu.memory_space<vmem_shared>>) target(%dma_start3A_12 : memref<632x128xf32, #tpu.memory_space<hbm>>) target_semaphore(%run_scoped3A : memref<!tpu.dma_semaphore, #tpu.memory_space<semaphore_mem>>)
      %dma_wait3A = arith.constant 0 : i32
      %dma_wait3A_15 = tpu.memref_slice %arg5[%arg0, %mul3A_2, %dma_wait3A] : memref<2x10112x128xf32, #tpu.memory_space<hbm>> -> memref<1x632x128xf32, #tpu.memory_space<hbm>>
      %dma_wait3A_16 = tpu.memref_squeeze %dma_wait3A_15 : memref<1x632x128xf32, #tpu.memory_space<hbm>> -> memref<632x128xf32, #tpu.memory_space<hbm>>
      %dma_wait3A_17 = arith.constant 0 : i32
      %dma_wait3A_18 = tpu.memref_slice %arg8[%mul3A_2, %dma_wait3A_17] : memref<10112x128xf32, #tpu.memory_space<vmem_shared>> -> memref<632x128xf32, #tpu.memory_space<vmem_shared>>
      tpu.wait_dma2 semaphore(%run_scoped3A : memref<!tpu.dma_semaphore, #tpu.memory_space<semaphore_mem>>) src(%dma_wait3A_18 : memref<632x128xf32, #tpu.memory_space<vmem_shared>>) dst(%dma_wait3A_16 : memref<632x128xf32, #tpu.memory_space<hbm>>)
      tpu.yield
    }) : () -> ()
    return
  }
}

module attributes {stable_mosaic.version = 14 : i64} {
  func.func @body(%arg0: i32, %arg1: memref<1x2000x128xf32, #tpu.memory_space<vmem>>, %arg2: memref<1x2000x128xf32, #tpu.memory_space<vmem>>, %arg3: memref<1x2000x128xf32, #tpu.memory_space<vmem>>, %arg4: memref<1x2000x128xf32, #tpu.memory_space<vmem>>, %arg5: memref<2000x128xf32, #tpu.memory_space<vmem>>, %arg6: memref<128x128xf32, #tpu.memory_space<vmem>>, %arg7: memref<128x128xf32, #tpu.memory_space<vmem>>, %arg8: memref<8x128xf32, #tpu.memory_space<vmem>>, %arg9: memref<2000x128xf32, #tpu.memory_space<vmem>>) attributes {dimension_semantics = [#tpu.dimension_semantics<arbitrary>], iteration_bounds = array<i64: 5>, scalar_prefetch = 0 : i64, scratch_operands = 0 : i64, tpu.core_type = #tpu.core_type<tc>, window_params = [{transform_indices = @transform_0, window_bounds = array<i64: 1, 2000, 128>}, {transform_indices = @transform_1, window_bounds = array<i64: 1, 2000, 128>}, {transform_indices = @transform_2, window_bounds = array<i64: 1, 2000, 128>}, {transform_indices = @transform_3, window_bounds = array<i64: 1, 2000, 128>}, {transform_indices = @transform_4, window_bounds = array<i64: 2000, 128>}, {pipeline_mode = #tpu.pipeline_mode<synchronous>, transform_indices = @transform_5, window_bounds = array<i64: 128, 128>}, {pipeline_mode = #tpu.pipeline_mode<synchronous>, transform_indices = @transform_6, window_bounds = array<i64: 128, 128>}, {pipeline_mode = #tpu.pipeline_mode<synchronous>, transform_indices = @transform_7, window_bounds = array<i64: 8, 128>}, {transform_indices = @transform_8, window_bounds = array<i64: 2000, 128>}]} {
    %get3A = arith.constant 0 : index
    %get3A_0 = arith.constant 0 : index
    %get3A_1 = arith.constant 0 : index
    %get3A_2 = vector.load %arg3[%get3A, %get3A_0, %get3A_1] : memref<1x2000x128xf32, #tpu.memory_space<vmem>>, vector<1x2000x1xf32>
    %get3A_3 = vector.shape_cast %get3A_2 : vector<1x2000x1xf32> to vector<2000x1xf32>
    %get3A_4 = arith.constant 0 : index
    %get3A_5 = arith.constant 0 : index
    %get3A_6 = arith.constant 0 : index
    %get3A_7 = vector.load %arg4[%get3A_4, %get3A_5, %get3A_6] : memref<1x2000x128xf32, #tpu.memory_space<vmem>>, vector<1x2000x1xf32>
    %get3A_8 = vector.shape_cast %get3A_7 : vector<1x2000x1xf32> to vector<2000x1xf32>
    %add3A = arith.addf %get3A_3, %get3A_8 : vector<2000x1xf32>
    %max3A = arith.constant 1.000000e+00 : f32
    %max3A_9 = vector.broadcast %max3A : f32 to vector<2000x1xf32>
    %max3A_10 = arith.maximumf %add3A, %max3A_9 : vector<2000x1xf32>
    %get3A_11 = arith.constant 0 : index
    %get3A_12 = arith.constant 0 : index
    %get3A_13 = arith.constant 0 : index
    %get3A_14 = vector.load %arg1[%get3A_11, %get3A_12, %get3A_13] : memref<1x2000x128xf32, #tpu.memory_space<vmem>>, vector<1x2000x128xf32>
    %get3A_15 = vector.shape_cast %get3A_14 : vector<1x2000x128xf32> to vector<2000x128xf32>
    %get3A_16 = arith.constant 0 : index
    %get3A_17 = arith.constant 0 : index
    %get3A_18 = arith.constant 0 : index
    %get3A_19 = vector.load %arg2[%get3A_16, %get3A_17, %get3A_18] : memref<1x2000x128xf32, #tpu.memory_space<vmem>>, vector<1x2000x128xf32>
    %get3A_20 = vector.shape_cast %get3A_19 : vector<1x2000x128xf32> to vector<2000x128xf32>
    %add3A_21 = arith.addf %get3A_15, %get3A_20 : vector<2000x128xf32>
    %div3A = vector.broadcast %max3A_10 : vector<2000x1xf32> to vector<2000x128xf32>
    %div3A_22 = arith.divf %add3A_21, %div3A : vector<2000x128xf32>
    %get3A_23 = arith.constant 0 : index
    %get3A_24 = arith.constant 0 : index
    %get3A_25 = vector.load %arg6[%get3A_23, %get3A_24] : memref<128x128xf32, #tpu.memory_space<vmem>>, vector<128x128xf32>
    %dot_general3A = arith.constant dense<0.000000e+00> : vector<2000x128xf32>
    %dot_general3A_26 = tpu.matmul %div3A_22, %get3A_25, %dot_general3A {dimension_numbers = #tpu.dot_dimension_numbers<[1], [1], [0], [0], [0, 0, 1, 0], [], []>, transpose_lhs_hint = false} : vector<2000x128xf32>, vector<128x128xf32>, vector<2000x128xf32> -> vector<2000x128xf32>
    %get3A_27 = arith.constant 0 : index
    %get3A_28 = arith.constant 0 : index
    %get3A_29 = vector.load %arg5[%get3A_27, %get3A_28] : memref<2000x128xf32, #tpu.memory_space<vmem>>, vector<2000x128xf32>
    %get3A_30 = arith.constant 0 : index
    %get3A_31 = arith.constant 0 : index
    %get3A_32 = vector.load %arg7[%get3A_30, %get3A_31] : memref<128x128xf32, #tpu.memory_space<vmem>>, vector<128x128xf32>
    %dot_general3A_33 = arith.constant dense<0.000000e+00> : vector<2000x128xf32>
    %dot_general3A_34 = tpu.matmul %get3A_29, %get3A_32, %dot_general3A_33 {dimension_numbers = #tpu.dot_dimension_numbers<[1], [1], [0], [0], [0, 0, 1, 0], [], []>, transpose_lhs_hint = false} : vector<2000x128xf32>, vector<128x128xf32>, vector<2000x128xf32> -> vector<2000x128xf32>
    %add3A_35 = arith.addf %dot_general3A_26, %dot_general3A_34 : vector<2000x128xf32>
    %get3A_36 = arith.constant 0 : index
    %get3A_37 = arith.constant 0 : index
    %get3A_38 = vector.load %arg8[%get3A_36, %get3A_37] : memref<8x128xf32, #tpu.memory_space<vmem>>, vector<1x128xf32>
    %add3A_39 = vector.broadcast %get3A_38 : vector<1x128xf32> to vector<2000x128xf32>
    %add3A_40 = arith.addf %add3A_35, %add3A_39 : vector<2000x128xf32>
    %max3A_41 = arith.constant 0.000000e+00 : f32
    %max3A_42 = vector.broadcast %max3A_41 : f32 to vector<2000x128xf32>
    %max3A_43 = arith.maximumf %add3A_40, %max3A_42 : vector<2000x128xf32>
    %swap3A = arith.constant 0 : index
    %swap3A_44 = arith.constant 0 : index
    %swap3A_45 = vector.load %arg9[%swap3A, %swap3A_44] : memref<2000x128xf32, #tpu.memory_space<vmem>>, vector<2000x128xf32>
    tpu.vector_store %arg9[%swap3A, %swap3A_44], %max3A_43 {strides = array<i32>} : memref<2000x128xf32, #tpu.memory_space<vmem>>, vector<2000x128xf32>,
    return
  }
  func.func @transform_0(%arg0: i32) -> (i32, i32, i32) {
    %c0_i32 = arith.constant 0 : i32
    %c0_i32_0 = arith.constant 0 : i32
    %c0_i32_1 = arith.constant 0 : i32
    return %c0_i32, %arg0, %c0_i32_0 : i32, i32, i32
  }
  func.func @transform_1(%arg0: i32) -> (i32, i32, i32) {
    %c1_i32 = arith.constant 1 : i32
    %c0_i32 = arith.constant 0 : i32
    %c0_i32_0 = arith.constant 0 : i32
    return %c1_i32, %arg0, %c0_i32 : i32, i32, i32
  }
  func.func @transform_2(%arg0: i32) -> (i32, i32, i32) {
    %c0_i32 = arith.constant 0 : i32
    %c0_i32_0 = arith.constant 0 : i32
    %c0_i32_1 = arith.constant 0 : i32
    return %c0_i32, %arg0, %c0_i32_0 : i32, i32, i32
  }
  func.func @transform_3(%arg0: i32) -> (i32, i32, i32) {
    %c1_i32 = arith.constant 1 : i32
    %c0_i32 = arith.constant 0 : i32
    %c0_i32_0 = arith.constant 0 : i32
    return %c1_i32, %arg0, %c0_i32 : i32, i32, i32
  }
  func.func @transform_4(%arg0: i32) -> (i32, i32) {
    %c0_i32 = arith.constant 0 : i32
    %c0_i32_0 = arith.constant 0 : i32
    return %arg0, %c0_i32 : i32, i32
  }
  func.func @transform_5(%arg0: i32) -> (i32, i32) {
    %c0_i32 = arith.constant 0 : i32
    %c0_i32_0 = arith.constant 0 : i32
    %c0_i32_1 = arith.constant 0 : i32
    return %c0_i32, %c0_i32_0 : i32, i32
  }
  func.func @transform_6(%arg0: i32) -> (i32, i32) {
    %c0_i32 = arith.constant 0 : i32
    %c0_i32_0 = arith.constant 0 : i32
    %c0_i32_1 = arith.constant 0 : i32
    return %c0_i32, %c0_i32_0 : i32, i32
  }
  func.func @transform_7(%arg0: i32) -> (i32, i32) {
    %c0_i32 = arith.constant 0 : i32
    %c0_i32_0 = arith.constant 0 : i32
    %c0_i32_1 = arith.constant 0 : i32
    return %c0_i32, %c0_i32_0 : i32, i32
  }
  func.func @transform_8(%arg0: i32) -> (i32, i32) {
    %c0_i32 = arith.constant 0 : i32
    %c0_i32_0 = arith.constant 0 : i32
    return %arg0, %c0_i32 : i32, i32
  }
}

module attributes {stable_mosaic.version = 14 : i64} {
  func.func @body(%arg0: i32, %arg1: memref<1x2000x128xf32, #tpu.memory_space<vmem>>, %arg2: memref<1x2000x128xf32, #tpu.memory_space<vmem>>, %arg3: memref<1x2000x128xf32, #tpu.memory_space<vmem>>, %arg4: memref<1x2000x128xf32, #tpu.memory_space<vmem>>, %arg5: memref<2000x128xf32, #tpu.memory_space<vmem>>, %arg6: memref<128x128xf32, #tpu.memory_space<vmem>>, %arg7: memref<128x128xf32, #tpu.memory_space<vmem>>, %arg8: memref<8x128xf32, #tpu.memory_space<vmem>>, %arg9: memref<2000x128xf32, #tpu.memory_space<vmem>>) attributes {dimension_semantics = [#tpu.dimension_semantics<arbitrary>], iteration_bounds = array<i64: 5>, scalar_prefetch = 0 : i64, scratch_operands = 0 : i64, tpu.core_type = #tpu.core_type<tc>, window_params = [{transform_indices = @transform_0, window_bounds = array<i64: 1, 2000, 128>}, {transform_indices = @transform_1, window_bounds = array<i64: 1, 2000, 128>}, {transform_indices = @transform_2, window_bounds = array<i64: 1, 2000, 128>}, {transform_indices = @transform_3, window_bounds = array<i64: 1, 2000, 128>}, {transform_indices = @transform_4, window_bounds = array<i64: 2000, 128>}, {pipeline_mode = #tpu.pipeline_mode<synchronous>, transform_indices = @transform_5, window_bounds = array<i64: 128, 128>}, {pipeline_mode = #tpu.pipeline_mode<synchronous>, transform_indices = @transform_6, window_bounds = array<i64: 128, 128>}, {pipeline_mode = #tpu.pipeline_mode<synchronous>, transform_indices = @transform_7, window_bounds = array<i64: 8, 128>}, {transform_indices = @transform_8, window_bounds = array<i64: 2000, 128>}]} {
    %get3A = arith.constant 0 : index
    %get3A_0 = arith.constant 0 : index
    %get3A_1 = arith.constant 0 : index
    %get3A_2 = vector.load %arg3[%get3A, %get3A_0, %get3A_1] : memref<1x2000x128xf32, #tpu.memory_space<vmem>>, vector<1x2000x1xf32>
    %get3A_3 = vector.shape_cast %get3A_2 : vector<1x2000x1xf32> to vector<2000x1xf32>
    %get3A_4 = arith.constant 0 : index
    %get3A_5 = arith.constant 0 : index
    %get3A_6 = arith.constant 0 : index
    %get3A_7 = vector.load %arg4[%get3A_4, %get3A_5, %get3A_6] : memref<1x2000x128xf32, #tpu.memory_space<vmem>>, vector<1x2000x1xf32>
    %get3A_8 = vector.shape_cast %get3A_7 : vector<1x2000x1xf32> to vector<2000x1xf32>
    %add3A = arith.addf %get3A_3, %get3A_8 : vector<2000x1xf32>
    %max3A = arith.constant 1.000000e+00 : f32
    %max3A_9 = vector.broadcast %max3A : f32 to vector<2000x1xf32>
    %max3A_10 = arith.maximumf %add3A, %max3A_9 : vector<2000x1xf32>
    %get3A_11 = arith.constant 0 : index
    %get3A_12 = arith.constant 0 : index
    %get3A_13 = arith.constant 0 : index
    %get3A_14 = vector.load %arg1[%get3A_11, %get3A_12, %get3A_13] : memref<1x2000x128xf32, #tpu.memory_space<vmem>>, vector<1x2000x128xf32>
    %get3A_15 = vector.shape_cast %get3A_14 : vector<1x2000x128xf32> to vector<2000x128xf32>
    %get3A_16 = arith.constant 0 : index
    %get3A_17 = arith.constant 0 : index
    %get3A_18 = arith.constant 0 : index
    %get3A_19 = vector.load %arg2[%get3A_16, %get3A_17, %get3A_18] : memref<1x2000x128xf32, #tpu.memory_space<vmem>>, vector<1x2000x128xf32>
    %get3A_20 = vector.shape_cast %get3A_19 : vector<1x2000x128xf32> to vector<2000x128xf32>
    %add3A_21 = arith.addf %get3A_15, %get3A_20 : vector<2000x128xf32>
    %div3A = vector.broadcast %max3A_10 : vector<2000x1xf32> to vector<2000x128xf32>
    %div3A_22 = arith.divf %add3A_21, %div3A : vector<2000x128xf32>
    %get3A_23 = arith.constant 0 : index
    %get3A_24 = arith.constant 0 : index
    %get3A_25 = vector.load %arg6[%get3A_23, %get3A_24] : memref<128x128xf32, #tpu.memory_space<vmem>>, vector<128x128xf32>
    %dot_general3A = arith.constant dense<0.000000e+00> : vector<2000x128xf32>
    %dot_general3A_26 = tpu.matmul %div3A_22, %get3A_25, %dot_general3A {dimension_numbers = #tpu.dot_dimension_numbers<[1], [1], [0], [0], [0, 0, 1, 0], [], []>, transpose_lhs_hint = false} : vector<2000x128xf32>, vector<128x128xf32>, vector<2000x128xf32> -> vector<2000x128xf32>
    %get3A_27 = arith.constant 0 : index
    %get3A_28 = arith.constant 0 : index
    %get3A_29 = vector.load %arg5[%get3A_27, %get3A_28] : memref<2000x128xf32, #tpu.memory_space<vmem>>, vector<2000x128xf32>
    %get3A_30 = arith.constant 0 : index
    %get3A_31 = arith.constant 0 : index
    %get3A_32 = vector.load %arg7[%get3A_30, %get3A_31] : memref<128x128xf32, #tpu.memory_space<vmem>>, vector<128x128xf32>
    %dot_general3A_33 = arith.constant dense<0.000000e+00> : vector<2000x128xf32>
    %dot_general3A_34 = tpu.matmul %get3A_29, %get3A_32, %dot_general3A_33 {dimension_numbers = #tpu.dot_dimension_numbers<[1], [1], [0], [0], [0, 0, 1, 0], [], []>, transpose_lhs_hint = false} : vector<2000x128xf32>, vector<128x128xf32>, vector<2000x128xf32> -> vector<2000x128xf32>
    %add3A_35 = arith.addf %dot_general3A_26, %dot_general3A_34 : vector<2000x128xf32>
    %get3A_36 = arith.constant 0 : index
    %get3A_37 = arith.constant 0 : index
    %get3A_38 = vector.load %arg8[%get3A_36, %get3A_37] : memref<8x128xf32, #tpu.memory_space<vmem>>, vector<1x128xf32>
    %add3A_39 = vector.broadcast %get3A_38 : vector<1x128xf32> to vector<2000x128xf32>
    %add3A_40 = arith.addf %add3A_35, %add3A_39 : vector<2000x128xf32>
    %swap3A = arith.constant 0 : index
    %swap3A_41 = arith.constant 0 : index
    %swap3A_42 = vector.load %arg9[%swap3A, %swap3A_41] : memref<2000x128xf32, #tpu.memory_space<vmem>>, vector<2000x128xf32>
    tpu.vector_store %arg9[%swap3A, %swap3A_41], %add3A_40 {strides = array<i32>} : memref<2000x128xf32, #tpu.memory_space<vmem>>, vector<2000x128xf32>,
    return
  }
  func.func @transform_0(%arg0: i32) -> (i32, i32, i32) {
    %c0_i32 = arith.constant 0 : i32
    %c0_i32_0 = arith.constant 0 : i32
    %c0_i32_1 = arith.constant 0 : i32
    return %c0_i32, %arg0, %c0_i32_0 : i32, i32, i32
  }
  func.func @transform_1(%arg0: i32) -> (i32, i32, i32) {
    %c1_i32 = arith.constant 1 : i32
    %c0_i32 = arith.constant 0 : i32
    %c0_i32_0 = arith.constant 0 : i32
    return %c1_i32, %arg0, %c0_i32 : i32, i32, i32
  }
  func.func @transform_2(%arg0: i32) -> (i32, i32, i32) {
    %c0_i32 = arith.constant 0 : i32
    %c0_i32_0 = arith.constant 0 : i32
    %c0_i32_1 = arith.constant 0 : i32
    return %c0_i32, %arg0, %c0_i32_0 : i32, i32, i32
  }
  func.func @transform_3(%arg0: i32) -> (i32, i32, i32) {
    %c1_i32 = arith.constant 1 : i32
    %c0_i32 = arith.constant 0 : i32
    %c0_i32_0 = arith.constant 0 : i32
    return %c1_i32, %arg0, %c0_i32 : i32, i32, i32
  }
  func.func @transform_4(%arg0: i32) -> (i32, i32) {
    %c0_i32 = arith.constant 0 : i32
    %c0_i32_0 = arith.constant 0 : i32
    return %arg0, %c0_i32 : i32, i32
  }
  func.func @transform_5(%arg0: i32) -> (i32, i32) {
    %c0_i32 = arith.constant 0 : i32
    %c0_i32_0 = arith.constant 0 : i32
    %c0_i32_1 = arith.constant 0 : i32
    return %c0_i32, %c0_i32_0 : i32, i32
  }
  func.func @transform_6(%arg0: i32) -> (i32, i32) {
    %c0_i32 = arith.constant 0 : i32
    %c0_i32_0 = arith.constant 0 : i32
    %c0_i32_1 = arith.constant 0 : i32
    return %c0_i32, %c0_i32_0 : i32, i32
  }
  func.func @transform_7(%arg0: i32) -> (i32, i32) {
    %c0_i32 = arith.constant 0 : i32
    %c0_i32_0 = arith.constant 0 : i32
    %c0_i32_1 = arith.constant 0 : i32
    return %c0_i32, %c0_i32_0 : i32, i32
  }
  func.func @transform_8(%arg0: i32) -> (i32, i32) {
    %c0_i32 = arith.constant 0 : i32
    %c0_i32_0 = arith.constant 0 : i32
    return %arg0, %c0_i32 : i32, i32
  }
}

</mosaic_0001>

<sc_bundles>
// kernel: kernel.10.cloned.1.call-start
scs
__scs_entry_jumppad:
0x0: {  	(pc) =	sbr.rel $0x88, $3  }
0x1: {  	(tag) =	ssettag $0x0;
	lr =	simm.s32 $0x1  }
0x2: {  	[smem:$0x3F99] =	sst lr;
	_ =	strace $0xD0000000  }
0x3: {  	_ = 	snop  }
0x4: {  	_ = 	snop  }
0x5: {  	_ = 	snop  }
0x6: {  	_ = 	snop  }
0x7: {  	_ = 	snop  }
__scs_overlays_trampoline_lowered:
0x8: {  	[smem:$0x3FA8] =	sst s0  }
0x9: {  	[smem:$0x3FA9] =	sst s1  }
0xa: {  	[smem:$0x3FAA] =	sst s2  }
0xb: {  	[smem:$0x3FAB] =	sst s3  }
0xc: {  	[smem:$0x3FAC] =	sst s4  }
0xd: {  	[smem:$0x3FAD] =	sst s5  }
0xe: {  	[smem:$0x3FAE] =	sst s6  }
0xf: {  	[smem:$0x3FAF] =	sst s7  }
0x10: {  	[smem:$0x3FB0] =	sst s8  }
0x11: {  	[smem:$0x3FB1] =	sst s9;
	s0 =	simm.s32 @!p0 $0x0  }
0x12: {  	s1 =	sld [smem:$0x3F97];
	s0 =	simm.s32 @p0 $0x1  }
0x13: {  	[smem:$0x3FB2] =	sst s0;
	s0 =	simm.s32 @!p1 $0x0  }
0x14: {  	s2 =	sld [smem:$0x3F96];
	s0 =	simm.s32 @p1 $0x1  }
0x15: {  	[smem:$0x3FB3] =	sst s0;
	s0 =	simm.s32 @!p2 $0x0  }
0x16: {  	s3 =	sld [smem:$0x3FDB];
	s0 =	simm.s32 @p2 $0x1  }
0x17: {  	s4 =	simm.s32 $0x1BF5;
	[smem:$0x3FB5] =	sst s0  }
0x18: {  	s0 =	sld [smem:$0x3F98];
	_ =	swait.ge [sflag:s4], $0x0  }
0x19: {  	s7 =	sld [smem:$0x3F99]  }
0x1a: {  	s8 =	sadd.s32 $0xFFFFE003, lr  }
0x1b: {  	s9 =	sadd.s32 $0xFFFFFEF7, lr;
	s5 =	simm.s32 $0xFFFFFFFF;
	p2 =	slt.u32 s8, $0xFFFFF086  }
0x1c: {  	p1 =	slt.u32 s9, $0xF7A;
	s5 =	simm.s32 @!p2 $0x0  }
0x1d: {  	s5 =	simm.s32 @p1 $0x1;
	p0 =	seq.s32 s7, s2  }
0x1e: {  	s7 =	smul.u32 @!p0 $0xF7A, s2;
	p2 =	seq.s32 @!p0 s5, $0x0  }
0x1f: {  	s9 =	smul.u32 $0xF7A, s1;
	s8 =	simm.s32 @!p0 $0x1BF5;
	p2 =	por !p2, p0  }
0x20: {  	[sflag:s8] =	ssyncset.s32 @!p0 $0xFFFFF086;
	s6 =	sadd.s32 @!p0 s3, s7;
	s7 =	simm.s32 @!p0 $0x108  }
0x21: {  	s3 =	sadd.s32 s3, s9;
	s6 =	sadd.s32 @!p0 $0x88, s6;
	s7 =	simm.s32 @p2 $0x1082  }
0x22: {  	[simem:s7], [sflag:s8] =	dma.local @!p0 [hbm:s6], $0xF7A  }
0x23: {  	s9 =	sor.u32 $0xD0000000, s2;
	s6 =	simm.s32 $0x108;
	_ =	swait.ge @!p0 [sflag:s8], $0x0  }
0x24: {  	s3 =	sadd.s32 $0x88, s3;
	s6 =	simm.s32 @!p1 $0x1082;
	[sflag:s4] =	ssyncset.s32 $0xFFFFF086  }
0x25: {  	[simem:s6], [sflag:s4] =	dma.local [hbm:s3], $0xF7A  }
0x26: {  	[smem:$0x3F99] =	sst s1;
	(tag) =	ssettag s2;
	_ =	strace s9  }
0x27: {  	s1 =	sld [smem:$0x3FA9]  }
0x28: {  	s2 =	sld [smem:$0x3FAA]  }
0x29: {  	s4 =	sld [smem:$0x3FAC]  }
0x2a: {  	p0 =	seq.s32 s5, $0x0;
	s5 =	sld [smem:$0x3FAD]  }
0x2b: {  	s6 =	sld [smem:$0x3FAE]  }
0x2c: {  	s7 =	sld [smem:$0x3FAF]  }
0x2d: {  	s3 =	simm.s32 $0x108;
	s8 =	sld [smem:$0x3FB0]  }
0x2e: {  	s3 =	simm.s32 @!p0 $0x1082;
	s9 =	sld [smem:$0x3FB1]  }
0x2f: {  	lr =	sadd.s32 s0, s3;
	s0 =	sld [smem:$0x3FA8]  }
0x30: {  	s3 =	sld [smem:$0x3FAB]  }
0x31: {  	[smem:$0x3FB4] =	sst s10  }
0x32: {  	s10 =	sld [smem:$0x3FB2];
	_ =	sdelay $0x3  }
0x33: {  	p0 =	seq.s32 s10, $0x1;
	s10 =	sld [smem:$0x3FB4];
	_ =	sdelay $0x3  }
0x34: {  	[smem:$0x3FB4] =	sst s10  }
0x35: {  	s10 =	sld [smem:$0x3FB3];
	_ =	sdelay $0x3  }
0x36: {  	p1 =	seq.s32 s10, $0x1;
	s10 =	sld [smem:$0x3FB4];
	_ =	sdelay $0x3  }
0x37: {  	[smem:$0x3FB4] =	sst s10  }
0x38: {  	s10 =	sld [smem:$0x3FB5]  }
0x39: {  	_ = 	snop;
	(pc) =	sbr.ind lr, $3  }
0x3a: {  	_ = 	snop  }
0x3b: {  	_ = 	snop  }
0x3c: {  	p2 =	seq.s32 s10, $0x1;
	s10 =	sld [smem:$0x3FB4]  }
0x3d: {  	_ =	shalt  }
0x3e: {  	_ =	shalt  }
0x3f: {  	_ =	shalt  }
0x40: {  	_ =	shalt  }
0x41: {  	_ =	shalt  }
0x42: {  	_ =	shalt  }
0x43: {  	_ =	shalt  }
0x44: {  	_ =	shalt  }
0x45: {  	_ =	shalt  }
0x46: {  	_ =	shalt  }
0x47: {  	_ =	shalt  }
0x48: {  	_ =	shalt  }
0x49: {  	_ =	shalt  }
0x4a: {  	_ =	shalt  }
0x4b: {  	_ =	shalt  }
0x4c: {  	_ =	shalt  }
0x4d: {  	_ =	shalt  }
0x4e: {  	_ =	shalt  }
0x4f: {  	_ =	shalt  }
0x50: {  	_ =	shalt  }
0x51: {  	_ =	shalt  }
0x52: {  	_ =	shalt  }
0x53: {  	_ =	shalt  }
0x54: {  	_ =	shalt  }
0x55: {  	_ =	shalt  }
0x56: {  	_ =	shalt  }
0x57: {  	_ =	shalt  }
0x58: {  	_ =	shalt  }
0x59: {  	_ =	shalt  }
0x5a: {  	_ =	shalt  }
0x5b: {  	_ =	shalt  }
0x5c: {  	_ =	shalt  }
0x5d: {  	_ =	shalt  }
0x5e: {  	_ =	shalt  }
0x5f: {  	_ =	shalt  }
0x60: {  	_ =	shalt  }
0x61: {  	_ =	shalt  }
0x62: {  	_ =	shalt  }
0x63: {  	_ =	shalt  }
0x64: {  	_ =	shalt  }
0x65: {  	_ =	shalt  }
0x66: {  	_ =	shalt  }
0x67: {  	_ =	shalt  }
0x68: {  	_ =	shalt  }
0x69: {  	_ =	shalt  }
0x6a: {  	_ =	shalt  }
0x6b: {  	_ =	shalt  }
0x6c: {  	_ =	shalt  }
0x6d: {  	_ =	shalt  }
0x6e: {  	_ =	shalt  }
0x6f: {  	_ =	shalt  }
0x70: {  	_ =	shalt  }
0x71: {  	_ =	shalt  }
0x72: {  	_ =	shalt  }
0x73: {  	_ =	shalt  }
0x74: {  	_ =	shalt  }
0x75: {  	_ =	shalt  }
0x76: {  	_ =	shalt  }
0x77: {  	_ =	shalt  }
0x78: {  	_ =	shalt  }
0x79: {  	_ =	shalt  }
0x7a: {  	_ =	shalt  }
0x7b: {  	_ =	shalt  }
0x7c: {  	_ =	shalt  }
0x7d: {  	_ =	shalt  }
0x7e: {  	_ =	shalt  }
0x7f: {  	_ =	shalt  }
0x80: {  	_ =	shalt  }
0x81: {  	_ =	shalt  }
0x82: {  	_ =	shalt  }
0x83: {  	_ =	shalt  }
0x84: {  	_ =	shalt  }
0x85: {  	_ =	shalt  }
0x86: {  	_ =	shalt  }
0x87: {  	_ =	shalt  }
.Lfunc_end0:
.L_simem_size_0:
called_computation.1_lowered:
.L_overlay_start_0:
0x88: {  	s2 =	sld [smem:$0x3FD9]  }
0x89: {  	s3 =	sld [smem:$0x3FFE];
	_ =	sdelay $0x1  }
0x8a: {  	s1 =	srdreg.scid  }
0x8b: {  	s0 =	sand.u32 $0x1, s1  }
0x8c: {  	s17 =	sshll.u32 s0, $0xA;
	s2 =	sadd.s32 s3, s2  }
0x8d: {  	s2 =	sadd.s32 s2, s17  }
0x8e: {  	[smem:$0x3FC0] =	sst s2  }
0x8f: {  	_ = 	snop  }
0x90: {  	s2 =	sld [smem:$0x3FC9];
	(tm) =	ssettm $0x1  }
0x91: {  	s18 =	sld [smem:$0x3FFB];
	_ =	sdelay $0x3  }
0x92: {  	_ =	strace s18  }
0x93: {  	s3 =	sld [smem:$0x3FFC];
	_ =	sdelay $0x3  }
0x94: {  	_ =	strace s3  }
0x95: {  	s3 =	sld [smem:$0x3FFD];
	_ =	sdelay $0x3  }
0x96: {  	_ =	strace s3  }
0x97: {  	_ =	strace $0x8FFFFFFF  }
0x98: {  	s19 =	sld [smem:$0x3FDB];
	_ =	sdelay $0x1  }
0x99: {  	s4 =	simm.s32 $_scs_section_size  }
0x9a: {  	s5 =	simm.s32 $_size__tile_overlayer_lowered;
	s6 =	simm.s32 $_tile_overlayer_lowered  }
0x9b: {  	s22 =	simm.s32 $0x1BFF;
	s21 =	sshll.u32 s6, $0x1;
	s3 =	sadd.s32 s4, s19  }
0x9c: {  	s7 =	simm.s32 $0x0;
	s20 =	sshll.u32 s5, $0x1;
	s5 =	sadd.s32 s21, s3  }
0x9d: {  	[timem:s7], [sflag:s22] =	dma.local [hbm:s5], s20  }
0x9e: {  	_ =	swait.ge [sflag:s22], s20  }
0x9f: {  	s4 =	ssub.s32 $0x0, s20;
	[sflag:s22] =	ssyncset.done $0x0  }
0xa0: {  	[sflag:s22] =	ssyncadd.s32 s4;
	_ =	sdelay $0x1  }
0xa1: {  	s23 =	simm.s32 $0x1B8B  }
0xa2: {  	_ =	swait.ge [sflag:s23], $0x1  }
0xa3: {  	[sflag:s23] =	ssyncset.done $0x0  }
0xa4: {  	s25 =	simm.s32 $0x1B8E;
	s24 =	sld [smem:$0x3FFE];
	[sflag:s23] =	ssyncadd.s32 $0xFFFFFFFF  }
0xa5: {  	s26 =	simm.s32 $execute0_lowered;
	[smem:$0x3FD2] =	sst s25  }
0xa6: {  	s5 =	sshll.u32 s26, $0x1;
	_ =	strace $0x80000046;
	[dreg:$0x1] =	wrdreg $0xFFFFFFFF  }
0xa7: {  	s28 =	simm.s32 $_size_execute0_lowered;
	s3 =	sadd.s32 s3, s5;
	[dreg:$0x0] =	wrdreg $0x0  }
0xa8: {  	s5 =	sshll.u32 s28, $0x1;
	[dreg:$0x2] =	wrdreg s3  }
0xa9: {  	[dreg:$0x3] =	wrdreg s5  }
0xaa: {  	[dreg:$0x4] =	wrdreg $0xC0  }
0xab: {  	_ =	task [dreg:s7], $0x5FFFF  }
0xac: {  	[dreg:$0x1] =	wrdreg $0xFFFFFFFF  }
0xad: {  	[dreg:$0x0] =	wrdreg $0x60  }
0xae: {  	[dreg:$0x2] =	wrdreg s2  }
0xaf: {  	[dreg:$0x3] =	wrdreg s24  }
0xb0: {  	[dreg:$0x4] =	wrdreg $0xA8000  }
0xb1: {  	[dreg:$0x5] =	wrdreg $0xA  }
0xb2: {  	_ =	task.clear_ibuf [dreg:s7], $0x6FFFF;
	_ =	strace $0x90000046  }
0xb3: {  	s29 =	simm.s32 $0xA;
	_ =	strace $0x80000048  }
0xb4: {  	_ =	swait.ge [sflag:s29], $0x1  }
0xb5: {  	[sflag:s29] =	ssyncadd.s32 $0xFFFFFFFF  }
0xb6: {  	_ =	strace $0x90000048  }
0xb7: {  	_ =	sfence  }
0xb8: {  	s30 =	sld [smem:$0x0];
	_ =	sdelay $0x2  }
0xb9: {  	s31 =	sshll.u32 s1, $0xD;
	s1 =	sshrl.u32 s1, $0x2  }
0xba: {  	s3 =	sand.u32 $0x4000, s31;
	s1 =	sadd.s32 s1, s30  }
0xbb: {  	s0 =	sor.u32 s3, s0;
	s1 =	sshll.u32 s1, $0x11  }
0xbc: {  	s0 =	sor.u32 s1, s0  }
0xbd: {  	s0 =	sadd.s32 $0x8F2B, s0  }
0xbe: {  	[sflag:s0] =	ssyncadd.remote.s32 $0x1  }
0xbf: {  	_ =	sfence.sel $0xFFFF  }
0xc0: {  	[dreg:$0x0] =	wrdreg $0xFFFFFFFF;
	(pc) =	sbr.abs _section_cstart, $3  }
0xc1: {  	[dreg:$0x1] =	wrdreg $0xFFFFFFFF  }
0xc2: {  	_ =	task.clear_ibuf [dreg:s7], $0x2FFFF;
	_ =	strace $0x9FFFFFFF  }
0xc3: {  	(tm) =	ssettm $0x7FFFFFFF  }
tec
execute0_lowered:
.L_overlay_start_1:
0x0: {  	(tag) =	ssettag $0x1  }
0x1: {  	s1 =	rddreg [dreg:$0x0]  }
0x2: {  	s5 =	rddreg [dreg:$0x1]  }
0x3: {  	s2 =	rddreg [dreg:$0x2]  }
0x4: {  	s0 =	rddreg [dreg:$0x3];
	s4 =	simm.s32 $0x0;
	s6 =	srdreg.scid  }
0x5: {  	s3 =	stileid.u32;
	s16 =	simm.s32 $0x6800;
	s19 =	simm.s32 $0x1  }
0x6: {  	s20 =	simm.s32 $0x2;
	s21 =	simm.s32 $0x2700;
	s22 =	simm.s32 $0x2780  }
0x7: {  	s23 =	simm.s32 $0x0;
	[smem:$0x7FF] =	sst s4;
	s6 =	sand.u32 $0x1, s6  }
0x8: {  	s7 =	smul.u32 $0x13C00, s3;
	s9 =	sadd.s32 $0x2200, s5;
	s11 =	sadd.s32 $0xC200, s5  }
0x9: {  	s29 =	smul.u32 $0x4F000, s3;
	s17 =	sshll.u32 s3, $0x6;
	_ =	strace $0x80000047  }
0xa: {  	s8 =	sshll.u32 s6, $0x4;
	s10 =	smul.u32 $0x13C000, s6;
	s6 =	ssub.s32 $0x2, s6  }
0xb: {  	s17 =	sor.u32 $0x1C03, s17;
	s8 =	sor.u32 s3, s8;
	s12 =	sshrl.u32 s7, $0x3  }
0xc: {  	s14 =	sshrl.u32 s6, $0x1;
	s30 =	sshrl.u32 s29, $0x2;
	s13 =	smul.u32 $0x500, s8  }
0xd: {  	s7 =	sadd.s32 s7, s10;
	s8 =	smul.u32 $0x2800, s8;
	s12 =	sadd.s32 s12, s5  }
0xe: {  	s14 =	ssub.s32 s6, s14;
	s18 =	sadd.s32 s30, s2;
	s7 =	sshrl.u32 s7, $0x3  }
0xf: {  	s18 =	sshrl.u32 s18, $0x3;
	s15 =	sadd.s32 s7, s5;
	s5 =	sadd.s32 s9, s13  }
0x10: {  	s8 =	sshrl.u32 s8, $0x3;
	s6 =	sadd.s32 s11, s13;
	s7 =	sadd.s32 $0x16200, s12  }
0x11: {  	s12 =	simm.s32 $0x3;
	s13 =	simm.s32 $0x1400;
	s31 =	sadd.s32 $0x280, s8  }
0x12: {  	s10 =	sadd.s32 $0x3DA00, s15;
	s15 =	simm.s32 $0x2800;
	s8 =	sadd.s32 s9, s31  }
0x13: {  	s9 =	sadd.s32 s11, s31;
	s11 =	smax.u32 s14, $0x1;
	s14 =	simm.s32 $0x80  }
.LBB2_1:
0x14: {  	[tilespmem:s4], [sflag:$0x3] =	stream.linear.gather [hbm4b:s5+s4], $0x1400, $0x38;
	[tilespmem:$0x1E400] =	vst v63  }
0x15: {  	_ =	swait.ge [sflag:s12], $0x1400  }
0x16: {  	[sflag:s12] =	ssyncset.done $0x0  }
0x17: {  	[sflag:s12] =	ssyncadd.s32 $0xFFFFEC00  }
0x18: {  	[tilespmem:s13], [sflag:$0x3] =	stream.linear.gather [hbm4b:s6+s4], $0x1400, $0x38;
	[tilespmem:$0x1E400] =	vst v63  }
0x19: {  	_ =	swait.ge [sflag:s12], $0x1400  }
0x1a: {  	[sflag:s12] =	ssyncset.done $0x0  }
0x1b: {  	[sflag:s12] =	ssyncadd.s32 $0xFFFFEC00  }
0x1c: {  	[tilespmem:s15], [sflag:$0x1] =	stream.indirect.gather [hbm4b:s1+s14], $0x80, s4, s14, $0xb8;
	[tilespmem:$0x1E400] =	vst v63  }
0x1d: {  	_ = 	snop  }
0x1e: {  	[tilespmem:s16], [sflag:$0x1] =	stream.indirect.gather [hbm4b:s1+s14], $0x80, s14, s14, $0xb8;
	[tilespmem:$0x1E400] =	vst v63  }
0x1f: {  	[spmem:s18], [sflag:s17] =	dma.local [hbm:s7], $0x2780  }
0x20: {  	_ =	swait.ge [sflag:s12], $0x2780  }
0x21: {  	[sflag:s12] =	ssyncset.done $0x0  }
0x22: {  	[sflag:s12] =	ssyncadd.s32 $0xFFFFD880  }
0x23: {  	[bflag:$0x0] =	sbarrier.arrive $0xFFFF  }
0x24: {  	_ =	swait.ge [sflag:s19], $0x4000  }
0x25: {  	[sflag:s19] =	ssyncset.done $0x0  }
0x26: {  	s24 =	simm.s32 $0x1400;
	[sflag:s19] =	ssyncadd.s32 $0xFFFFC000  }
0x27: {  	[spmem:s2] =	stream.indirect.scatter.add.f32 [tilespmem:s15], [sflag:$0x2], $0x80, s24, s14, $0xb8;
	[tilespmem:$0x1E400] =	vst v63  }
0x28: {  	_ =	swait.ge [sflag:s19], $0x4000  }
0x29: {  	[sflag:s19] =	ssyncset.done $0x0  }
0x2a: {  	s30 =	simm.s32 $0x1480;
	[sflag:s19] =	ssyncadd.s32 $0xFFFFC000  }
0x2b: {  	[spmem:s2] =	stream.indirect.scatter.add.f32 [tilespmem:s16], [sflag:$0x2], $0x80, s30, s14, $0xb8;
	[tilespmem:$0x1E400] =	vst v63  }
0x2c: {  	_ =	swait.ge [sflag:s20], $0x4000  }
0x2d: {  	[sflag:s20] =	ssyncset.done $0x0  }
0x2e: {  	s31 =	simm.s32 $0x100;
	[sflag:s20] =	ssyncadd.s32 $0xFFFFC000  }
0x2f: {  	[tilespmem:s15], [sflag:$0x1] =	stream.indirect.gather [hbm4b:s1+s14], $0x80, s31, s14, $0xb8;
	[tilespmem:$0x1E400] =	vst v63  }
0x30: {  	_ =	swait.ge [sflag:s20], $0x4000  }
0x31: {  	[sflag:s20] =	ssyncset.done $0x0  }
0x32: {  	s25 =	simm.s32 $0x180;
	s24 =	simm.s32 $0x400;
	[sflag:s20] =	ssyncadd.s32 $0xFFFFC000  }
.LBB2_2:
0x33: {  	[tilespmem:s16], [sflag:$0x1] =	stream.indirect.gather [hbm4b:s1+s14], $0x80, s25, s14, $0xb8;
	[tilespmem:$0x1E400] =	vst v63  }
0x34: {  	s25 =	smov.u32 s24  }
0x35: {  	p0 =	sne.s32 s24, $0x4800;
	s24 =	sadd.s32 $0x400, s24;
	_ =	swait.ge [sflag:s19], $0x4000  }
0x36: {  	s25 =	sshra.s32 s25, $0x2;
	[sflag:s19] =	ssyncset.done $0x0  }
0x37: {  	s26 =	sadd.s32 $0x1400, s25;
	[sflag:s19] =	ssyncadd.s32 $0xFFFFC000  }
0x38: {  	[spmem:s2] =	stream.indirect.scatter.add.f32 [tilespmem:s15], [sflag:$0x2], $0x80, s26, s14, $0xb8;
	[tilespmem:$0x1E400] =	vst v63  }
0x39: {  	_ =	swait.ge [sflag:s19], $0x4000  }
0x3a: {  	[sflag:s19] =	ssyncset.done $0x0  }
0x3b: {  	s26 =	sadd.s32 $0x1480, s25;
	[sflag:s19] =	ssyncadd.s32 $0xFFFFC000  }
0x3c: {  	[spmem:s2] =	stream.indirect.scatter.add.f32 [tilespmem:s16], [sflag:$0x2], $0x80, s26, s14, $0xb8;
	[tilespmem:$0x1E400] =	vst v63  }
0x3d: {  	_ =	swait.ge [sflag:s20], $0x4000  }
0x3e: {  	[sflag:s20] =	ssyncset.done $0x0  }
.Ltmp0:
0x3f: {  	s26 =	sadd.s32 $0x100, s25;
	[sflag:s20] =	ssyncadd.s32 $0xFFFFC000;
	(pc) =	sbr.rel @p0 .LBB2_2-.Ltmp0, $4  }
0x40: {  	[tilespmem:s15], [sflag:$0x1] =	stream.indirect.gather [hbm4b:s1+s14], $0x80, s26, s14, $0xb8;
	[tilespmem:$0x1E400] =	vst v63  }
0x41: {  	_ =	swait.ge [sflag:s20], $0x4000  }
0x42: {  	[sflag:s20] =	ssyncset.done $0x0  }
0x43: {  	s25 =	sadd.s32 $0x180, s25;
	[sflag:s20] =	ssyncadd.s32 $0xFFFFC000  }
0x44: {  	[tilespmem:s16], [sflag:$0x1] =	stream.indirect.gather [hbm4b:s1+s14], $0x80, s25, s14, $0xb8;
	[tilespmem:$0x1E400] =	vst v63  }
0x45: {  	_ =	swait.ge [sflag:s19], $0x4000  }
0x46: {  	[sflag:s19] =	ssyncset.done $0x0  }
0x47: {  	[sflag:s19] =	ssyncadd.s32 $0xFFFFC000  }
0x48: {  	[spmem:s2] =	stream.indirect.scatter.add.f32 [tilespmem:s15], [sflag:$0x2], $0x80, s21, s14, $0xb8;
	[tilespmem:$0x1E400] =	vst v63  }
0x49: {  	_ =	swait.ge [sflag:s19], $0x4000  }
0x4a: {  	[sflag:s19] =	ssyncset.done $0x0  }
0x4b: {  	[sflag:s19] =	ssyncadd.s32 $0xFFFFC000  }
0x4c: {  	[spmem:s2] =	stream.indirect.scatter.add.f32 [tilespmem:s16], [sflag:$0x2], $0x80, s22, s14, $0xb8;
	[tilespmem:$0x1E400] =	vst v63  }
0x4d: {  	_ =	swait.ge [sflag:s20], $0x4000  }
0x4e: {  	[sflag:s20] =	ssyncset.done $0x0  }
0x4f: {  	s24 =	simm.s32 $0x0;
	[sflag:s20] =	ssyncadd.s32 $0xFFFFC000  }
0x50: {  	[tilespmem:s15], [sflag:$0x1] =	stream.indirect.gather [hbm4b:s1+s14], $0x80, s24, s14, $0xb8;
	[tilespmem:$0x1E400] =	vst v63  }
0x51: {  	_ =	swait.ge [sflag:s20], $0x4000  }
0x52: {  	[sflag:s20] =	ssyncset.done $0x0  }
0x53: {  	[sflag:s20] =	ssyncadd.s32 $0xFFFFC000  }
0x54: {  	[tilespmem:s16], [sflag:$0x1] =	stream.indirect.gather [hbm4b:s1+s14], $0x80, s14, s14, $0xb8;
	[tilespmem:$0x1E400] =	vst v63  }
0x55: {  	_ =	swait.ge [sflag:s19], $0x4000  }
0x56: {  	[sflag:s19] =	ssyncset.done $0x0  }
0x57: {  	[sflag:s19] =	ssyncadd.s32 $0xFFFFC000  }
0x58: {  	_ =	swait.ge [sflag:s19], $0x4000  }
0x59: {  	[sflag:s19] =	ssyncset.done $0x0  }
0x5a: {  	[sflag:s19] =	ssyncadd.s32 $0xFFFFC000  }
0x5b: {  	[tilespmem:s24], [sflag:$0x3] =	stream.linear.gather [hbm4b:s8+s24], $0x1400, $0x38;
	[tilespmem:$0x1E400] =	vst v63  }
0x5c: {  	_ =	swait.ge [sflag:s12], $0x1400  }
0x5d: {  	[sflag:s12] =	ssyncset.done $0x0  }
0x5e: {  	[sflag:s12] =	ssyncadd.s32 $0xFFFFEC00  }
0x5f: {  	[tilespmem:s13], [sflag:$0x3] =	stream.linear.gather [hbm4b:s9+s24], $0x1400, $0x38;
	[tilespmem:$0x1E400] =	vst v63  }
0x60: {  	_ =	swait.ge [sflag:s12], $0x1400  }
0x61: {  	[sflag:s12] =	ssyncset.done $0x0  }
0x62: {  	[sflag:s12] =	ssyncadd.s32 $0xFFFFEC00  }
0x63: {  	[tilespmem:s15], [sflag:$0x1] =	stream.indirect.gather [hbm4b:s1+s14], $0x80, s24, s14, $0xb8;
	[tilespmem:$0x1E400] =	vst v63  }
0x64: {  	_ = 	snop  }
0x65: {  	[tilespmem:s16], [sflag:$0x1] =	stream.indirect.gather [hbm4b:s1+s14], $0x80, s14, s14, $0xb8;
	[tilespmem:$0x1E400] =	vst v63  }
0x66: {  	_ =	swait.ge [sflag:s19], $0x4000  }
0x67: {  	[sflag:s19] =	ssyncset.done $0x0  }
0x68: {  	s29 =	simm.s32 $0x1400;
	[sflag:s19] =	ssyncadd.s32 $0xFFFFC000  }
0x69: {  	[spmem:s2] =	stream.indirect.scatter.add.f32 [tilespmem:s15], [sflag:$0x2], $0x80, s29, s14, $0xb8;
	[tilespmem:$0x1E400] =	vst v63  }
0x6a: {  	_ =	swait.ge [sflag:s19], $0x4000  }
0x6b: {  	[sflag:s19] =	ssyncset.done $0x0  }
0x6c: {  	s30 =	simm.s32 $0x1480;
	[sflag:s19] =	ssyncadd.s32 $0xFFFFC000  }
0x6d: {  	[spmem:s2] =	stream.indirect.scatter.add.f32 [tilespmem:s16], [sflag:$0x2], $0x80, s30, s14, $0xb8;
	[tilespmem:$0x1E400] =	vst v63  }
0x6e: {  	_ =	swait.ge [sflag:s20], $0x4000  }
0x6f: {  	[sflag:s20] =	ssyncset.done $0x0  }
0x70: {  	s31 =	simm.s32 $0x100;
	[sflag:s20] =	ssyncadd.s32 $0xFFFFC000  }
0x71: {  	[tilespmem:s15], [sflag:$0x1] =	stream.indirect.gather [hbm4b:s1+s14], $0x80, s31, s14, $0xb8;
	[tilespmem:$0x1E400] =	vst v63  }
0x72: {  	_ =	swait.ge [sflag:s20], $0x4000  }
0x73: {  	[sflag:s20] =	ssyncset.done $0x0  }
0x74: {  	s25 =	simm.s32 $0x180;
	s24 =	simm.s32 $0x400;
	[sflag:s20] =	ssyncadd.s32 $0xFFFFC000  }
.LBB2_4:
0x75: {  	[tilespmem:s16], [sflag:$0x1] =	stream.indirect.gather [hbm4b:s1+s14], $0x80, s25, s14, $0xb8;
	[tilespmem:$0x1E400] =	vst v63  }
0x76: {  	s25 =	smov.u32 s24  }
0x77: {  	p0 =	sne.s32 s24, $0x4800;
	s24 =	sadd.s32 $0x400, s24;
	_ =	swait.ge [sflag:s19], $0x4000  }
0x78: {  	s25 =	sshra.s32 s25, $0x2;
	[sflag:s19] =	ssyncset.done $0x0  }
0x79: {  	s26 =	sadd.s32 $0x1400, s25;
	[sflag:s19] =	ssyncadd.s32 $0xFFFFC000  }
0x7a: {  	[spmem:s2] =	stream.indirect.scatter.add.f32 [tilespmem:s15], [sflag:$0x2], $0x80, s26, s14, $0xb8;
	[tilespmem:$0x1E400] =	vst v63  }
0x7b: {  	_ =	swait.ge [sflag:s19], $0x4000  }
0x7c: {  	[sflag:s19] =	ssyncset.done $0x0  }
0x7d: {  	s26 =	sadd.s32 $0x1480, s25;
	[sflag:s19] =	ssyncadd.s32 $0xFFFFC000  }
0x7e: {  	[spmem:s2] =	stream.indirect.scatter.add.f32 [tilespmem:s16], [sflag:$0x2], $0x80, s26, s14, $0xb8;
	[tilespmem:$0x1E400] =	vst v63  }
0x7f: {  	_ =	swait.ge [sflag:s20], $0x4000  }
0x80: {  	[sflag:s20] =	ssyncset.done $0x0  }
.Ltmp1:
0x81: {  	s26 =	sadd.s32 $0x100, s25;
	[sflag:s20] =	ssyncadd.s32 $0xFFFFC000;
	(pc) =	sbr.rel @p0 .LBB2_4-.Ltmp1, $4  }
0x82: {  	[tilespmem:s15], [sflag:$0x1] =	stream.indirect.gather [hbm4b:s1+s14], $0x80, s26, s14, $0xb8;
	[tilespmem:$0x1E400] =	vst v63  }
0x83: {  	_ =	swait.ge [sflag:s20], $0x4000  }
0x84: {  	[sflag:s20] =	ssyncset.done $0x0  }
0x85: {  	s25 =	sadd.s32 $0x180, s25;
	[sflag:s20] =	ssyncadd.s32 $0xFFFFC000  }
0x86: {  	[tilespmem:s16], [sflag:$0x1] =	stream.indirect.gather [hbm4b:s1+s14], $0x80, s25, s14, $0xb8;
	[tilespmem:$0x1E400] =	vst v63  }
0x87: {  	_ =	swait.ge [sflag:s19], $0x4000  }
0x88: {  	[sflag:s19] =	ssyncset.done $0x0  }
0x89: {  	[sflag:s19] =	ssyncadd.s32 $0xFFFFC000  }
0x8a: {  	[spmem:s2] =	stream.indirect.scatter.add.f32 [tilespmem:s15], [sflag:$0x2], $0x80, s21, s14, $0xb8;
	[tilespmem:$0x1E400] =	vst v63  }
0x8b: {  	_ =	swait.ge [sflag:s19], $0x4000  }
0x8c: {  	[sflag:s19] =	ssyncset.done $0x0  }
0x8d: {  	[sflag:s19] =	ssyncadd.s32 $0xFFFFC000  }
0x8e: {  	[spmem:s2] =	stream.indirect.scatter.add.f32 [tilespmem:s16], [sflag:$0x2], $0x80, s22, s14, $0xb8;
	[tilespmem:$0x1E400] =	vst v63  }
0x8f: {  	_ =	swait.ge [sflag:s20], $0x4000  }
0x90: {  	[sflag:s20] =	ssyncset.done $0x0  }
0x91: {  	[sflag:s20] =	ssyncadd.s32 $0xFFFFC000  }
0x92: {  	[tilespmem:s15], [sflag:$0x1] =	stream.indirect.gather [hbm4b:s1+s14], $0x80, s4, s14, $0xb8;
	[tilespmem:$0x1E400] =	vst v63  }
0x93: {  	_ =	swait.ge [sflag:s20], $0x4000  }
0x94: {  	[sflag:s20] =	ssyncset.done $0x0  }
0x95: {  	[sflag:s20] =	ssyncadd.s32 $0xFFFFC000  }
0x96: {  	[tilespmem:s16], [sflag:$0x1] =	stream.indirect.gather [hbm4b:s1+s14], $0x80, s14, s14, $0xb8;
	[tilespmem:$0x1E400] =	vst v63  }
0x97: {  	_ =	swait.ge [sflag:s19], $0x4000  }
0x98: {  	[sflag:s19] =	ssyncset.done $0x0  }
0x99: {  	[sflag:s19] =	ssyncadd.s32 $0xFFFFC000  }
0x9a: {  	_ =	swait.ge [sflag:s19], $0x4000  }
0x9b: {  	s23 =	sadd.s32 $0x1, s23;
	[sflag:s19] =	ssyncset.done $0x0  }
0x9c: {  	p0 =	sne.s32 s23, s11;
	[sflag:s19] =	ssyncadd.s32 $0xFFFFC000  }
.Ltmp2:
0x9d: {  	[bflag:$0x0] =	sbarrier.arrive $0xFFFF;
	(pc) =	sbr.rel @p0 .LBB2_1-.Ltmp2, $4  }
0x9e: {  	[hbm:s10], [sflag:s17] =	dma.local [spmem:s18], $0x2780  }
0x9f: {  	_ =	swait.ge [sflag:s12], $0x2780  }
0xa0: {  	[sflag:s12] =	ssyncset.done $0x0  }
0xa1: {  	[sflag:s12] =	ssyncadd.s32 $0xFFFFD880  }
0xa2: {  	_ =	sfence.sel $0x180000  }
0xa3: {  	[bflag:$0x0] =	sbarrier.arrive $0xFFFF  }
0xa4: {  	p0 =	sne.s32 s3, $0x0;
	_ =	strace $0x90000047  }
0xa5: {  	s0 =	sadd.s32 @!p0 $0x100000, s0;
	[bflag:$0x2] =	sbarrier.arrive $0xFFFF  }
0xa6: {  	[sflag:s0] =	ssyncadd.tile.s32 @!p0 $0x1;
	_ =	shalt  }
.Lfunc_end2:
_tile_overlayer_lowered:
.L_overlay_start_2:
0xa7: {  	(tag) =	ssettag $0x2  }
0xa8: {  	s0 =	rddreg [dreg:$0x0];
	s2 =	stileid.u32  }
0xa9: {  	s1 =	rddreg [dreg:$0x1];
	p0 =	sne.s32 s2, $0x0  }
0xaa: {  	s3 =	rddreg [dreg:$0x2];
	[bflag:$0x3] =	sbarrier.arrive $0xFFFF;
	s2 =	simm.s32 @!p0 $0x1C03  }
0xab: {  	[timem:s3], [sflag:s2] =	dma.local @!p0 [hbm:s0], s1  }
0xac: {  	s0 =	simm.s32 @!p0 $0x3  }
0xad: {  	_ =	swait.ge @!p0 [sflag:s0], s1  }
0xae: {  	s1 =	ssub.s32 @!p0 $0x0, s1;
	[sflag:s0] =	ssyncset.done @!p0 $0x0  }
0xaf: {  	[sflag:s0] =	ssyncadd.s32 @!p0 s1  }
0xb0: {  	[bflag:$0x3] =	sbarrier.arrive $0xFFFF  }
0xb1: {  	_ =	shalt  }

// kernel: kernel.13.cloned.1.call-start
scs
__scs_entry_jumppad:
0x0: {  	(pc) =	sbr.rel $0x88, $3  }
0x1: {  	(tag) =	ssettag $0x0;
	lr =	simm.s32 $0x1  }
0x2: {  	[smem:$0x3F99] =	sst lr;
	_ =	strace $0xD0000000  }
0x3: {  	_ = 	snop  }
0x4: {  	_ = 	snop  }
0x5: {  	_ = 	snop  }
0x6: {  	_ = 	snop  }
0x7: {  	_ = 	snop  }
__scs_overlays_trampoline_lowered:
0x8: {  	[smem:$0x3FA8] =	sst s0  }
0x9: {  	[smem:$0x3FA9] =	sst s1  }
0xa: {  	[smem:$0x3FAA] =	sst s2  }
0xb: {  	[smem:$0x3FAB] =	sst s3  }
0xc: {  	[smem:$0x3FAC] =	sst s4  }
0xd: {  	[smem:$0x3FAD] =	sst s5  }
0xe: {  	[smem:$0x3FAE] =	sst s6  }
0xf: {  	[smem:$0x3FAF] =	sst s7  }
0x10: {  	[smem:$0x3FB0] =	sst s8  }
0x11: {  	[smem:$0x3FB1] =	sst s9;
	s0 =	simm.s32 @!p0 $0x0  }
0x12: {  	s1 =	sld [smem:$0x3F97];
	s0 =	simm.s32 @p0 $0x1  }
0x13: {  	[smem:$0x3FB2] =	sst s0;
	s0 =	simm.s32 @!p1 $0x0  }
0x14: {  	s2 =	sld [smem:$0x3F96];
	s0 =	simm.s32 @p1 $0x1  }
0x15: {  	[smem:$0x3FB3] =	sst s0;
	s0 =	simm.s32 @!p2 $0x0  }
0x16: {  	s3 =	sld [smem:$0x3FDB];
	s0 =	simm.s32 @p2 $0x1  }
0x17: {  	s4 =	simm.s32 $0x1BF5;
	[smem:$0x3FB5] =	sst s0  }
0x18: {  	s0 =	sld [smem:$0x3F98];
	_ =	swait.ge [sflag:s4], $0x0  }
0x19: {  	s7 =	sld [smem:$0x3F99]  }
0x1a: {  	s8 =	sadd.s32 $0xFFFFE003, lr  }
0x1b: {  	s9 =	sadd.s32 $0xFFFFFEF7, lr;
	s5 =	simm.s32 $0xFFFFFFFF;
	p2 =	slt.u32 s8, $0xFFFFF086  }
0x1c: {  	p1 =	slt.u32 s9, $0xF7A;
	s5 =	simm.s32 @!p2 $0x0  }
0x1d: {  	s5 =	simm.s32 @p1 $0x1;
	p0 =	seq.s32 s7, s2  }
0x1e: {  	s7 =	smul.u32 @!p0 $0xF7A, s2;
	p2 =	seq.s32 @!p0 s5, $0x0  }
0x1f: {  	s9 =	smul.u32 $0xF7A, s1;
	s8 =	simm.s32 @!p0 $0x1BF5;
	p2 =	por !p2, p0  }
0x20: {  	[sflag:s8] =	ssyncset.s32 @!p0 $0xFFFFF086;
	s6 =	sadd.s32 @!p0 s3, s7;
	s7 =	simm.s32 @!p0 $0x108  }
0x21: {  	s3 =	sadd.s32 s3, s9;
	s6 =	sadd.s32 @!p0 $0x88, s6;
	s7 =	simm.s32 @p2 $0x1082  }
0x22: {  	[simem:s7], [sflag:s8] =	dma.local @!p0 [hbm:s6], $0xF7A  }
0x23: {  	s9 =	sor.u32 $0xD0000000, s2;
	s6 =	simm.s32 $0x108;
	_ =	swait.ge @!p0 [sflag:s8], $0x0  }
0x24: {  	s3 =	sadd.s32 $0x88, s3;
	s6 =	simm.s32 @!p1 $0x1082;
	[sflag:s4] =	ssyncset.s32 $0xFFFFF086  }
0x25: {  	[simem:s6], [sflag:s4] =	dma.local [hbm:s3], $0xF7A  }
0x26: {  	[smem:$0x3F99] =	sst s1;
	(tag) =	ssettag s2;
	_ =	strace s9  }
0x27: {  	s1 =	sld [smem:$0x3FA9]  }
0x28: {  	s2 =	sld [smem:$0x3FAA]  }
0x29: {  	s4 =	sld [smem:$0x3FAC]  }
0x2a: {  	p0 =	seq.s32 s5, $0x0;
	s5 =	sld [smem:$0x3FAD]  }
0x2b: {  	s6 =	sld [smem:$0x3FAE]  }
0x2c: {  	s7 =	sld [smem:$0x3FAF]  }
0x2d: {  	s3 =	simm.s32 $0x108;
	s8 =	sld [smem:$0x3FB0]  }
0x2e: {  	s3 =	simm.s32 @!p0 $0x1082;
	s9 =	sld [smem:$0x3FB1]  }
0x2f: {  	lr =	sadd.s32 s0, s3;
	s0 =	sld [smem:$0x3FA8]  }
0x30: {  	s3 =	sld [smem:$0x3FAB]  }
0x31: {  	[smem:$0x3FB4] =	sst s10  }
0x32: {  	s10 =	sld [smem:$0x3FB2];
	_ =	sdelay $0x3  }
0x33: {  	p0 =	seq.s32 s10, $0x1;
	s10 =	sld [smem:$0x3FB4];
	_ =	sdelay $0x3  }
0x34: {  	[smem:$0x3FB4] =	sst s10  }
0x35: {  	s10 =	sld [smem:$0x3FB3];
	_ =	sdelay $0x3  }
0x36: {  	p1 =	seq.s32 s10, $0x1;
	s10 =	sld [smem:$0x3FB4];
	_ =	sdelay $0x3  }
0x37: {  	[smem:$0x3FB4] =	sst s10  }
0x38: {  	s10 =	sld [smem:$0x3FB5]  }
0x39: {  	_ = 	snop;
	(pc) =	sbr.ind lr, $3  }
0x3a: {  	_ = 	snop  }
0x3b: {  	_ = 	snop  }
0x3c: {  	p2 =	seq.s32 s10, $0x1;
	s10 =	sld [smem:$0x3FB4]  }
0x3d: {  	_ =	shalt  }
0x3e: {  	_ =	shalt  }
0x3f: {  	_ =	shalt  }
0x40: {  	_ =	shalt  }
0x41: {  	_ =	shalt  }
0x42: {  	_ =	shalt  }
0x43: {  	_ =	shalt  }
0x44: {  	_ =	shalt  }
0x45: {  	_ =	shalt  }
0x46: {  	_ =	shalt  }
0x47: {  	_ =	shalt  }
0x48: {  	_ =	shalt  }
0x49: {  	_ =	shalt  }
0x4a: {  	_ =	shalt  }
0x4b: {  	_ =	shalt  }
0x4c: {  	_ =	shalt  }
0x4d: {  	_ =	shalt  }
0x4e: {  	_ =	shalt  }
0x4f: {  	_ =	shalt  }
0x50: {  	_ =	shalt  }
0x51: {  	_ =	shalt  }
0x52: {  	_ =	shalt  }
0x53: {  	_ =	shalt  }
0x54: {  	_ =	shalt  }
0x55: {  	_ =	shalt  }
0x56: {  	_ =	shalt  }
0x57: {  	_ =	shalt  }
0x58: {  	_ =	shalt  }
0x59: {  	_ =	shalt  }
0x5a: {  	_ =	shalt  }
0x5b: {  	_ =	shalt  }
0x5c: {  	_ =	shalt  }
0x5d: {  	_ =	shalt  }
0x5e: {  	_ =	shalt  }
0x5f: {  	_ =	shalt  }
0x60: {  	_ =	shalt  }
0x61: {  	_ =	shalt  }
0x62: {  	_ =	shalt  }
0x63: {  	_ =	shalt  }
0x64: {  	_ =	shalt  }
0x65: {  	_ =	shalt  }
0x66: {  	_ =	shalt  }
0x67: {  	_ =	shalt  }
0x68: {  	_ =	shalt  }
0x69: {  	_ =	shalt  }
0x6a: {  	_ =	shalt  }
0x6b: {  	_ =	shalt  }
0x6c: {  	_ =	shalt  }
0x6d: {  	_ =	shalt  }
0x6e: {  	_ =	shalt  }
0x6f: {  	_ =	shalt  }
0x70: {  	_ =	shalt  }
0x71: {  	_ =	shalt  }
0x72: {  	_ =	shalt  }
0x73: {  	_ =	shalt  }
0x74: {  	_ =	shalt  }
0x75: {  	_ =	shalt  }
0x76: {  	_ =	shalt  }
0x77: {  	_ =	shalt  }
0x78: {  	_ =	shalt  }
0x79: {  	_ =	shalt  }
0x7a: {  	_ =	shalt  }
0x7b: {  	_ =	shalt  }
0x7c: {  	_ =	shalt  }
0x7d: {  	_ =	shalt  }
0x7e: {  	_ =	shalt  }
0x7f: {  	_ =	shalt  }
0x80: {  	_ =	shalt  }
0x81: {  	_ =	shalt  }
0x82: {  	_ =	shalt  }
0x83: {  	_ =	shalt  }
0x84: {  	_ =	shalt  }
0x85: {  	_ =	shalt  }
0x86: {  	_ =	shalt  }
0x87: {  	_ =	shalt  }
.Lfunc_end0:
.L_simem_size_0:
called_computation.2_lowered:
.L_overlay_start_0:
0x88: {  	s2 =	sld [smem:$0x3FD9]  }
0x89: {  	s3 =	sld [smem:$0x3FFE];
	_ =	sdelay $0x1  }
0x8a: {  	s1 =	srdreg.scid  }
0x8b: {  	s0 =	sand.u32 $0x1, s1  }
0x8c: {  	s17 =	sshll.u32 s0, $0xA;
	s2 =	sadd.s32 s3, s2  }
0x8d: {  	s2 =	sadd.s32 s2, s17  }
0x8e: {  	[smem:$0x3FC0] =	sst s2  }
0x8f: {  	_ = 	snop  }
0x90: {  	s2 =	sld [smem:$0x3FD0];
	(tm) =	ssettm $0x1  }
0x91: {  	s18 =	sld [smem:$0x3FFB];
	_ =	sdelay $0x3  }
0x92: {  	_ =	strace s18  }
0x93: {  	s3 =	sld [smem:$0x3FFC];
	_ =	sdelay $0x3  }
0x94: {  	_ =	strace s3  }
0x95: {  	s3 =	sld [smem:$0x3FFD];
	_ =	sdelay $0x3  }
0x96: {  	_ =	strace s3  }
0x97: {  	_ =	strace $0x8FFFFFFF  }
0x98: {  	s19 =	sld [smem:$0x3FDB];
	_ =	sdelay $0x1  }
0x99: {  	s4 =	simm.s32 $_scs_section_size  }
0x9a: {  	s5 =	simm.s32 $_size__tile_overlayer_lowered;
	s6 =	simm.s32 $_tile_overlayer_lowered  }
0x9b: {  	s22 =	simm.s32 $0x1BFF;
	s21 =	sshll.u32 s6, $0x1;
	s3 =	sadd.s32 s4, s19  }
0x9c: {  	s7 =	simm.s32 $0x0;
	s20 =	sshll.u32 s5, $0x1;
	s5 =	sadd.s32 s21, s3  }
0x9d: {  	[timem:s7], [sflag:s22] =	dma.local [hbm:s5], s20  }
0x9e: {  	_ =	swait.ge [sflag:s22], s20  }
0x9f: {  	s4 =	ssub.s32 $0x0, s20;
	[sflag:s22] =	ssyncset.done $0x0  }
0xa0: {  	[sflag:s22] =	ssyncadd.s32 s4;
	_ =	sdelay $0x1  }
0xa1: {  	s23 =	simm.s32 $0x1B8B  }
0xa2: {  	_ =	swait.ge [sflag:s23], $0x1  }
0xa3: {  	[sflag:s23] =	ssyncset.done $0x0  }
0xa4: {  	s25 =	simm.s32 $0x1B8E;
	s24 =	sld [smem:$0x3FFE];
	[sflag:s23] =	ssyncadd.s32 $0xFFFFFFFF  }
0xa5: {  	s26 =	simm.s32 $execute0_lowered;
	[smem:$0x3FD2] =	sst s25  }
0xa6: {  	s5 =	sshll.u32 s26, $0x1;
	_ =	strace $0x8000004C;
	[dreg:$0x1] =	wrdreg $0xFFFFFFFF  }
0xa7: {  	s28 =	simm.s32 $_size_execute0_lowered;
	s3 =	sadd.s32 s3, s5;
	[dreg:$0x0] =	wrdreg $0x0  }
0xa8: {  	s5 =	sshll.u32 s28, $0x1;
	[dreg:$0x2] =	wrdreg s3  }
0xa9: {  	[dreg:$0x3] =	wrdreg s5  }
0xaa: {  	[dreg:$0x4] =	wrdreg $0xC0  }
0xab: {  	_ =	task [dreg:s7], $0x5FFFF  }
0xac: {  	[dreg:$0x1] =	wrdreg $0xFFFFFFFF  }
0xad: {  	[dreg:$0x0] =	wrdreg $0x60  }
0xae: {  	[dreg:$0x2] =	wrdreg s2  }
0xaf: {  	[dreg:$0x3] =	wrdreg s24  }
0xb0: {  	[dreg:$0x4] =	wrdreg $0xA8000  }
0xb1: {  	[dreg:$0x5] =	wrdreg $0x9  }
0xb2: {  	_ =	task.clear_ibuf [dreg:s7], $0x6FFFF;
	_ =	strace $0x9000004C  }
0xb3: {  	s29 =	simm.s32 $0x9;
	_ =	strace $0x8000004E  }
0xb4: {  	_ =	swait.ge [sflag:s29], $0x1  }
0xb5: {  	[sflag:s29] =	ssyncadd.s32 $0xFFFFFFFF  }
0xb6: {  	_ =	strace $0x9000004E  }
0xb7: {  	_ =	sfence  }
0xb8: {  	s30 =	sld [smem:$0x0];
	_ =	sdelay $0x2  }
0xb9: {  	s31 =	sshll.u32 s1, $0xD;
	s1 =	sshrl.u32 s1, $0x2  }
0xba: {  	s3 =	sand.u32 $0x4000, s31;
	s1 =	sadd.s32 s1, s30  }
0xbb: {  	s0 =	sor.u32 s3, s0;
	s1 =	sshll.u32 s1, $0x11  }
0xbc: {  	s0 =	sor.u32 s1, s0  }
0xbd: {  	s0 =	sadd.s32 $0x8F2B, s0  }
0xbe: {  	[sflag:s0] =	ssyncadd.remote.s32 $0x1  }
0xbf: {  	_ =	sfence.sel $0xFFFF  }
0xc0: {  	[dreg:$0x0] =	wrdreg $0xFFFFFFFF;
	(pc) =	sbr.abs _section_cstart, $3  }
0xc1: {  	[dreg:$0x1] =	wrdreg $0xFFFFFFFF  }
0xc2: {  	_ =	task.clear_ibuf [dreg:s7], $0x2FFFF;
	_ =	strace $0x9FFFFFFF  }
0xc3: {  	(tm) =	ssettm $0x7FFFFFFF  }
tec
execute0_lowered:
.L_overlay_start_1:
0x0: {  	(tag) =	ssettag $0x1  }
0x1: {  	s1 =	rddreg [dreg:$0x0]  }
0x2: {  	s5 =	rddreg [dreg:$0x1]  }
0x3: {  	s2 =	rddreg [dreg:$0x2]  }
0x4: {  	s0 =	rddreg [dreg:$0x3];
	s4 =	simm.s32 $0x0;
	s6 =	srdreg.scid  }
0x5: {  	s3 =	stileid.u32;
	s16 =	simm.s32 $0x6800;
	s19 =	simm.s32 $0x1  }
0x6: {  	s20 =	simm.s32 $0x2;
	s21 =	simm.s32 $0x2700;
	s22 =	simm.s32 $0x2780  }
0x7: {  	s23 =	simm.s32 $0x0;
	[smem:$0x7FF] =	sst s4;
	s6 =	sand.u32 $0x1, s6  }
0x8: {  	s7 =	smul.u32 $0x13C00, s3;
	s9 =	sadd.s32 $0x2200, s5;
	s11 =	sadd.s32 $0xC200, s5  }
0x9: {  	s29 =	smul.u32 $0x4F000, s3;
	s17 =	sshll.u32 s3, $0x6;
	_ =	strace $0x8000004D  }
0xa: {  	s8 =	sshll.u32 s6, $0x4;
	s10 =	smul.u32 $0x13C000, s6;
	s6 =	ssub.s32 $0x2, s6  }
0xb: {  	s17 =	sor.u32 $0x1C03, s17;
	s8 =	sor.u32 s3, s8;
	s12 =	sshrl.u32 s7, $0x3  }
0xc: {  	s14 =	sshrl.u32 s6, $0x1;
	s30 =	sshrl.u32 s29, $0x2;
	s13 =	smul.u32 $0x500, s8  }
0xd: {  	s7 =	sadd.s32 s7, s10;
	s8 =	smul.u32 $0x2800, s8;
	s12 =	sadd.s32 s12, s5  }
0xe: {  	s14 =	ssub.s32 s6, s14;
	s18 =	sadd.s32 s30, s2;
	s7 =	sshrl.u32 s7, $0x3  }
0xf: {  	s18 =	sshrl.u32 s18, $0x3;
	s15 =	sadd.s32 s7, s5;
	s5 =	sadd.s32 s9, s13  }
0x10: {  	s8 =	sshrl.u32 s8, $0x3;
	s6 =	sadd.s32 s11, s13;
	s7 =	sadd.s32 $0x16200, s12  }
0x11: {  	s12 =	simm.s32 $0x3;
	s13 =	simm.s32 $0x1400;
	s31 =	sadd.s32 $0x280, s8  }
0x12: {  	s10 =	sadd.s32 $0x3DA00, s15;
	s15 =	simm.s32 $0x2800;
	s8 =	sadd.s32 s9, s31  }
0x13: {  	s9 =	sadd.s32 s11, s31;
	s11 =	smax.u32 s14, $0x1;
	s14 =	simm.s32 $0x80  }
.LBB2_1:
0x14: {  	[tilespmem:s4], [sflag:$0x3] =	stream.linear.gather [hbm4b:s5+s4], $0x1400, $0x38;
	[tilespmem:$0x1E400] =	vst v63  }
0x15: {  	_ =	swait.ge [sflag:s12], $0x1400  }
0x16: {  	[sflag:s12] =	ssyncset.done $0x0  }
0x17: {  	[sflag:s12] =	ssyncadd.s32 $0xFFFFEC00  }
0x18: {  	[tilespmem:s13], [sflag:$0x3] =	stream.linear.gather [hbm4b:s6+s4], $0x1400, $0x38;
	[tilespmem:$0x1E400] =	vst v63  }
0x19: {  	_ =	swait.ge [sflag:s12], $0x1400  }
0x1a: {  	[sflag:s12] =	ssyncset.done $0x0  }
0x1b: {  	[sflag:s12] =	ssyncadd.s32 $0xFFFFEC00  }
0x1c: {  	[tilespmem:s15], [sflag:$0x1] =	stream.indirect.gather [hbm4b:s1+s14], $0x80, s4, s14, $0xb8;
	[tilespmem:$0x1E400] =	vst v63  }
0x1d: {  	_ = 	snop  }
0x1e: {  	[tilespmem:s16], [sflag:$0x1] =	stream.indirect.gather [hbm4b:s1+s14], $0x80, s14, s14, $0xb8;
	[tilespmem:$0x1E400] =	vst v63  }
0x1f: {  	[spmem:s18], [sflag:s17] =	dma.local [hbm:s7], $0x2780  }
0x20: {  	_ =	swait.ge [sflag:s12], $0x2780  }
0x21: {  	[sflag:s12] =	ssyncset.done $0x0  }
0x22: {  	[sflag:s12] =	ssyncadd.s32 $0xFFFFD880  }
0x23: {  	[bflag:$0x0] =	sbarrier.arrive $0xFFFF  }
0x24: {  	_ =	swait.ge [sflag:s19], $0x4000  }
0x25: {  	[sflag:s19] =	ssyncset.done $0x0  }
0x26: {  	s24 =	simm.s32 $0x1400;
	[sflag:s19] =	ssyncadd.s32 $0xFFFFC000  }
0x27: {  	[spmem:s2] =	stream.indirect.scatter.add.f32 [tilespmem:s15], [sflag:$0x2], $0x80, s24, s14, $0xb8;
	[tilespmem:$0x1E400] =	vst v63  }
0x28: {  	_ =	swait.ge [sflag:s19], $0x4000  }
0x29: {  	[sflag:s19] =	ssyncset.done $0x0  }
0x2a: {  	s30 =	simm.s32 $0x1480;
	[sflag:s19] =	ssyncadd.s32 $0xFFFFC000  }
0x2b: {  	[spmem:s2] =	stream.indirect.scatter.add.f32 [tilespmem:s16], [sflag:$0x2], $0x80, s30, s14, $0xb8;
	[tilespmem:$0x1E400] =	vst v63  }
0x2c: {  	_ =	swait.ge [sflag:s20], $0x4000  }
0x2d: {  	[sflag:s20] =	ssyncset.done $0x0  }
0x2e: {  	s31 =	simm.s32 $0x100;
	[sflag:s20] =	ssyncadd.s32 $0xFFFFC000  }
0x2f: {  	[tilespmem:s15], [sflag:$0x1] =	stream.indirect.gather [hbm4b:s1+s14], $0x80, s31, s14, $0xb8;
	[tilespmem:$0x1E400] =	vst v63  }
0x30: {  	_ =	swait.ge [sflag:s20], $0x4000  }
0x31: {  	[sflag:s20] =	ssyncset.done $0x0  }
0x32: {  	s25 =	simm.s32 $0x180;
	s24 =	simm.s32 $0x400;
	[sflag:s20] =	ssyncadd.s32 $0xFFFFC000  }
.LBB2_2:
0x33: {  	[tilespmem:s16], [sflag:$0x1] =	stream.indirect.gather [hbm4b:s1+s14], $0x80, s25, s14, $0xb8;
	[tilespmem:$0x1E400] =	vst v63  }
0x34: {  	s25 =	smov.u32 s24  }
0x35: {  	p0 =	sne.s32 s24, $0x4800;
	s24 =	sadd.s32 $0x400, s24;
	_ =	swait.ge [sflag:s19], $0x4000  }
0x36: {  	s25 =	sshra.s32 s25, $0x2;
	[sflag:s19] =	ssyncset.done $0x0  }
0x37: {  	s26 =	sadd.s32 $0x1400, s25;
	[sflag:s19] =	ssyncadd.s32 $0xFFFFC000  }
0x38: {  	[spmem:s2] =	stream.indirect.scatter.add.f32 [tilespmem:s15], [sflag:$0x2], $0x80, s26, s14, $0xb8;
	[tilespmem:$0x1E400] =	vst v63  }
0x39: {  	_ =	swait.ge [sflag:s19], $0x4000  }
0x3a: {  	[sflag:s19] =	ssyncset.done $0x0  }
0x3b: {  	s26 =	sadd.s32 $0x1480, s25;
	[sflag:s19] =	ssyncadd.s32 $0xFFFFC000  }
0x3c: {  	[spmem:s2] =	stream.indirect.scatter.add.f32 [tilespmem:s16], [sflag:$0x2], $0x80, s26, s14, $0xb8;
	[tilespmem:$0x1E400] =	vst v63  }
0x3d: {  	_ =	swait.ge [sflag:s20], $0x4000  }
0x3e: {  	[sflag:s20] =	ssyncset.done $0x0  }
.Ltmp0:
0x3f: {  	s26 =	sadd.s32 $0x100, s25;
	[sflag:s20] =	ssyncadd.s32 $0xFFFFC000;
	(pc) =	sbr.rel @p0 .LBB2_2-.Ltmp0, $4  }
0x40: {  	[tilespmem:s15], [sflag:$0x1] =	stream.indirect.gather [hbm4b:s1+s14], $0x80, s26, s14, $0xb8;
	[tilespmem:$0x1E400] =	vst v63  }
0x41: {  	_ =	swait.ge [sflag:s20], $0x4000  }
0x42: {  	[sflag:s20] =	ssyncset.done $0x0  }
0x43: {  	s25 =	sadd.s32 $0x180, s25;
	[sflag:s20] =	ssyncadd.s32 $0xFFFFC000  }
0x44: {  	[tilespmem:s16], [sflag:$0x1] =	stream.indirect.gather [hbm4b:s1+s14], $0x80, s25, s14, $0xb8;
	[tilespmem:$0x1E400] =	vst v63  }
0x45: {  	_ =	swait.ge [sflag:s19], $0x4000  }
0x46: {  	[sflag:s19] =	ssyncset.done $0x0  }
0x47: {  	[sflag:s19] =	ssyncadd.s32 $0xFFFFC000  }
0x48: {  	[spmem:s2] =	stream.indirect.scatter.add.f32 [tilespmem:s15], [sflag:$0x2], $0x80, s21, s14, $0xb8;
	[tilespmem:$0x1E400] =	vst v63  }
0x49: {  	_ =	swait.ge [sflag:s19], $0x4000  }
0x4a: {  	[sflag:s19] =	ssyncset.done $0x0  }
0x4b: {  	[sflag:s19] =	ssyncadd.s32 $0xFFFFC000  }
0x4c: {  	[spmem:s2] =	stream.indirect.scatter.add.f32 [tilespmem:s16], [sflag:$0x2], $0x80, s22, s14, $0xb8;
	[tilespmem:$0x1E400] =	vst v63  }
0x4d: {  	_ =	swait.ge [sflag:s20], $0x4000  }
0x4e: {  	[sflag:s20] =	ssyncset.done $0x0  }
0x4f: {  	s24 =	simm.s32 $0x0;
	[sflag:s20] =	ssyncadd.s32 $0xFFFFC000  }
0x50: {  	[tilespmem:s15], [sflag:$0x1] =	stream.indirect.gather [hbm4b:s1+s14], $0x80, s24, s14, $0xb8;
	[tilespmem:$0x1E400] =	vst v63  }
0x51: {  	_ =	swait.ge [sflag:s20], $0x4000  }
0x52: {  	[sflag:s20] =	ssyncset.done $0x0  }
0x53: {  	[sflag:s20] =	ssyncadd.s32 $0xFFFFC000  }
0x54: {  	[tilespmem:s16], [sflag:$0x1] =	stream.indirect.gather [hbm4b:s1+s14], $0x80, s14, s14, $0xb8;
	[tilespmem:$0x1E400] =	vst v63  }
0x55: {  	_ =	swait.ge [sflag:s19], $0x4000  }
0x56: {  	[sflag:s19] =	ssyncset.done $0x0  }
0x57: {  	[sflag:s19] =	ssyncadd.s32 $0xFFFFC000  }
0x58: {  	_ =	swait.ge [sflag:s19], $0x4000  }
0x59: {  	[sflag:s19] =	ssyncset.done $0x0  }
0x5a: {  	[sflag:s19] =	ssyncadd.s32 $0xFFFFC000  }
0x5b: {  	[tilespmem:s24], [sflag:$0x3] =	stream.linear.gather [hbm4b:s8+s24], $0x1400, $0x38;
	[tilespmem:$0x1E400] =	vst v63  }
0x5c: {  	_ =	swait.ge [sflag:s12], $0x1400  }
0x5d: {  	[sflag:s12] =	ssyncset.done $0x0  }
0x5e: {  	[sflag:s12] =	ssyncadd.s32 $0xFFFFEC00  }
0x5f: {  	[tilespmem:s13], [sflag:$0x3] =	stream.linear.gather [hbm4b:s9+s24], $0x1400, $0x38;
	[tilespmem:$0x1E400] =	vst v63  }
0x60: {  	_ =	swait.ge [sflag:s12], $0x1400  }
0x61: {  	[sflag:s12] =	ssyncset.done $0x0  }
0x62: {  	[sflag:s12] =	ssyncadd.s32 $0xFFFFEC00  }
0x63: {  	[tilespmem:s15], [sflag:$0x1] =	stream.indirect.gather [hbm4b:s1+s14], $0x80, s24, s14, $0xb8;
	[tilespmem:$0x1E400] =	vst v63  }
0x64: {  	_ = 	snop  }
0x65: {  	[tilespmem:s16], [sflag:$0x1] =	stream.indirect.gather [hbm4b:s1+s14], $0x80, s14, s14, $0xb8;
	[tilespmem:$0x1E400] =	vst v63  }
0x66: {  	_ =	swait.ge [sflag:s19], $0x4000  }
0x67: {  	[sflag:s19] =	ssyncset.done $0x0  }
0x68: {  	s29 =	simm.s32 $0x1400;
	[sflag:s19] =	ssyncadd.s32 $0xFFFFC000  }
0x69: {  	[spmem:s2] =	stream.indirect.scatter.add.f32 [tilespmem:s15], [sflag:$0x2], $0x80, s29, s14, $0xb8;
	[tilespmem:$0x1E400] =	vst v63  }
0x6a: {  	_ =	swait.ge [sflag:s19], $0x4000  }
0x6b: {  	[sflag:s19] =	ssyncset.done $0x0  }
0x6c: {  	s30 =	simm.s32 $0x1480;
	[sflag:s19] =	ssyncadd.s32 $0xFFFFC000  }
0x6d: {  	[spmem:s2] =	stream.indirect.scatter.add.f32 [tilespmem:s16], [sflag:$0x2], $0x80, s30, s14, $0xb8;
	[tilespmem:$0x1E400] =	vst v63  }
0x6e: {  	_ =	swait.ge [sflag:s20], $0x4000  }
0x6f: {  	[sflag:s20] =	ssyncset.done $0x0  }
0x70: {  	s31 =	simm.s32 $0x100;
	[sflag:s20] =	ssyncadd.s32 $0xFFFFC000  }
0x71: {  	[tilespmem:s15], [sflag:$0x1] =	stream.indirect.gather [hbm4b:s1+s14], $0x80, s31, s14, $0xb8;
	[tilespmem:$0x1E400] =	vst v63  }
0x72: {  	_ =	swait.ge [sflag:s20], $0x4000  }
0x73: {  	[sflag:s20] =	ssyncset.done $0x0  }
0x74: {  	s25 =	simm.s32 $0x180;
	s24 =	simm.s32 $0x400;
	[sflag:s20] =	ssyncadd.s32 $0xFFFFC000  }
.LBB2_4:
0x75: {  	[tilespmem:s16], [sflag:$0x1] =	stream.indirect.gather [hbm4b:s1+s14], $0x80, s25, s14, $0xb8;
	[tilespmem:$0x1E400] =	vst v63  }
0x76: {  	s25 =	smov.u32 s24  }
0x77: {  	p0 =	sne.s32 s24, $0x4800;
	s24 =	sadd.s32 $0x400, s24;
	_ =	swait.ge [sflag:s19], $0x4000  }
0x78: {  	s25 =	sshra.s32 s25, $0x2;
	[sflag:s19] =	ssyncset.done $0x0  }
0x79: {  	s26 =	sadd.s32 $0x1400, s25;
	[sflag:s19] =	ssyncadd.s32 $0xFFFFC000  }
0x7a: {  	[spmem:s2] =	stream.indirect.scatter.add.f32 [tilespmem:s15], [sflag:$0x2], $0x80, s26, s14, $0xb8;
	[tilespmem:$0x1E400] =	vst v63  }
0x7b: {  	_ =	swait.ge [sflag:s19], $0x4000  }
0x7c: {  	[sflag:s19] =	ssyncset.done $0x0  }
0x7d: {  	s26 =	sadd.s32 $0x1480, s25;
	[sflag:s19] =	ssyncadd.s32 $0xFFFFC000  }
0x7e: {  	[spmem:s2] =	stream.indirect.scatter.add.f32 [tilespmem:s16], [sflag:$0x2], $0x80, s26, s14, $0xb8;
	[tilespmem:$0x1E400] =	vst v63  }
0x7f: {  	_ =	swait.ge [sflag:s20], $0x4000  }
0x80: {  	[sflag:s20] =	ssyncset.done $0x0  }
.Ltmp1:
0x81: {  	s26 =	sadd.s32 $0x100, s25;
	[sflag:s20] =	ssyncadd.s32 $0xFFFFC000;
	(pc) =	sbr.rel @p0 .LBB2_4-.Ltmp1, $4  }
0x82: {  	[tilespmem:s15], [sflag:$0x1] =	stream.indirect.gather [hbm4b:s1+s14], $0x80, s26, s14, $0xb8;
	[tilespmem:$0x1E400] =	vst v63  }
0x83: {  	_ =	swait.ge [sflag:s20], $0x4000  }
0x84: {  	[sflag:s20] =	ssyncset.done $0x0  }
0x85: {  	s25 =	sadd.s32 $0x180, s25;
	[sflag:s20] =	ssyncadd.s32 $0xFFFFC000  }
0x86: {  	[tilespmem:s16], [sflag:$0x1] =	stream.indirect.gather [hbm4b:s1+s14], $0x80, s25, s14, $0xb8;
	[tilespmem:$0x1E400] =	vst v63  }
0x87: {  	_ =	swait.ge [sflag:s19], $0x4000  }
0x88: {  	[sflag:s19] =	ssyncset.done $0x0  }
0x89: {  	[sflag:s19] =	ssyncadd.s32 $0xFFFFC000  }
0x8a: {  	[spmem:s2] =	stream.indirect.scatter.add.f32 [tilespmem:s15], [sflag:$0x2], $0x80, s21, s14, $0xb8;
	[tilespmem:$0x1E400] =	vst v63  }
0x8b: {  	_ =	swait.ge [sflag:s19], $0x4000  }
0x8c: {  	[sflag:s19] =	ssyncset.done $0x0  }
0x8d: {  	[sflag:s19] =	ssyncadd.s32 $0xFFFFC000  }
0x8e: {  	[spmem:s2] =	stream.indirect.scatter.add.f32 [tilespmem:s16], [sflag:$0x2], $0x80, s22, s14, $0xb8;
	[tilespmem:$0x1E400] =	vst v63  }
0x8f: {  	_ =	swait.ge [sflag:s20], $0x4000  }
0x90: {  	[sflag:s20] =	ssyncset.done $0x0  }
0x91: {  	[sflag:s20] =	ssyncadd.s32 $0xFFFFC000  }
0x92: {  	[tilespmem:s15], [sflag:$0x1] =	stream.indirect.gather [hbm4b:s1+s14], $0x80, s4, s14, $0xb8;
	[tilespmem:$0x1E400] =	vst v63  }
0x93: {  	_ =	swait.ge [sflag:s20], $0x4000  }
0x94: {  	[sflag:s20] =	ssyncset.done $0x0  }
0x95: {  	[sflag:s20] =	ssyncadd.s32 $0xFFFFC000  }
0x96: {  	[tilespmem:s16], [sflag:$0x1] =	stream.indirect.gather [hbm4b:s1+s14], $0x80, s14, s14, $0xb8;
	[tilespmem:$0x1E400] =	vst v63  }
0x97: {  	_ =	swait.ge [sflag:s19], $0x4000  }
0x98: {  	[sflag:s19] =	ssyncset.done $0x0  }
0x99: {  	[sflag:s19] =	ssyncadd.s32 $0xFFFFC000  }
0x9a: {  	_ =	swait.ge [sflag:s19], $0x4000  }
0x9b: {  	s23 =	sadd.s32 $0x1, s23;
	[sflag:s19] =	ssyncset.done $0x0  }
0x9c: {  	p0 =	sne.s32 s23, s11;
	[sflag:s19] =	ssyncadd.s32 $0xFFFFC000  }
.Ltmp2:
0x9d: {  	[bflag:$0x0] =	sbarrier.arrive $0xFFFF;
	(pc) =	sbr.rel @p0 .LBB2_1-.Ltmp2, $4  }
0x9e: {  	[hbm:s10], [sflag:s17] =	dma.local [spmem:s18], $0x2780  }
0x9f: {  	_ =	swait.ge [sflag:s12], $0x2780  }
0xa0: {  	[sflag:s12] =	ssyncset.done $0x0  }
0xa1: {  	[sflag:s12] =	ssyncadd.s32 $0xFFFFD880  }
0xa2: {  	_ =	sfence.sel $0x180000  }
0xa3: {  	[bflag:$0x0] =	sbarrier.arrive $0xFFFF  }
0xa4: {  	p0 =	sne.s32 s3, $0x0;
	_ =	strace $0x9000004D  }
0xa5: {  	s0 =	sadd.s32 @!p0 $0x100000, s0;
	[bflag:$0x2] =	sbarrier.arrive $0xFFFF  }
0xa6: {  	[sflag:s0] =	ssyncadd.tile.s32 @!p0 $0x1;
	_ =	shalt  }
.Lfunc_end2:
_tile_overlayer_lowered:
.L_overlay_start_2:
0xa7: {  	(tag) =	ssettag $0x2  }
0xa8: {  	s0 =	rddreg [dreg:$0x0];
	s2 =	stileid.u32  }
0xa9: {  	s1 =	rddreg [dreg:$0x1];
	p0 =	sne.s32 s2, $0x0  }
0xaa: {  	s3 =	rddreg [dreg:$0x2];
	[bflag:$0x3] =	sbarrier.arrive $0xFFFF;
	s2 =	simm.s32 @!p0 $0x1C03  }
0xab: {  	[timem:s3], [sflag:s2] =	dma.local @!p0 [hbm:s0], s1  }
0xac: {  	s0 =	simm.s32 @!p0 $0x3  }
0xad: {  	_ =	swait.ge @!p0 [sflag:s0], s1  }
0xae: {  	s1 =	ssub.s32 @!p0 $0x0, s1;
	[sflag:s0] =	ssyncset.done @!p0 $0x0  }
0xaf: {  	[sflag:s0] =	ssyncadd.s32 @!p0 s1  }
0xb0: {  	[bflag:$0x3] =	sbarrier.arrive $0xFFFF  }
0xb1: {  	_ =	shalt  }

// kernel: kernel.7.cloned.1.call-start
scs
__scs_entry_jumppad:
0x0: {  	(pc) =	sbr.rel $0x88, $3  }
0x1: {  	(tag) =	ssettag $0x0;
	lr =	simm.s32 $0x1  }
0x2: {  	[smem:$0x3F99] =	sst lr;
	_ =	strace $0xD0000000  }
0x3: {  	_ = 	snop  }
0x4: {  	_ = 	snop  }
0x5: {  	_ = 	snop  }
0x6: {  	_ = 	snop  }
0x7: {  	_ = 	snop  }
__scs_overlays_trampoline_lowered:
0x8: {  	[smem:$0x3FA8] =	sst s0  }
0x9: {  	[smem:$0x3FA9] =	sst s1  }
0xa: {  	[smem:$0x3FAA] =	sst s2  }
0xb: {  	[smem:$0x3FAB] =	sst s3  }
0xc: {  	[smem:$0x3FAC] =	sst s4  }
0xd: {  	[smem:$0x3FAD] =	sst s5  }
0xe: {  	[smem:$0x3FAE] =	sst s6  }
0xf: {  	[smem:$0x3FAF] =	sst s7  }
0x10: {  	[smem:$0x3FB0] =	sst s8  }
0x11: {  	[smem:$0x3FB1] =	sst s9;
	s0 =	simm.s32 @!p0 $0x0  }
0x12: {  	s1 =	sld [smem:$0x3F97];
	s0 =	simm.s32 @p0 $0x1  }
0x13: {  	[smem:$0x3FB2] =	sst s0;
	s0 =	simm.s32 @!p1 $0x0  }
0x14: {  	s2 =	sld [smem:$0x3F96];
	s0 =	simm.s32 @p1 $0x1  }
0x15: {  	[smem:$0x3FB3] =	sst s0;
	s0 =	simm.s32 @!p2 $0x0  }
0x16: {  	s3 =	sld [smem:$0x3FDB];
	s0 =	simm.s32 @p2 $0x1  }
0x17: {  	s4 =	simm.s32 $0x1BF5;
	[smem:$0x3FB5] =	sst s0  }
0x18: {  	s0 =	sld [smem:$0x3F98];
	_ =	swait.ge [sflag:s4], $0x0  }
0x19: {  	s7 =	sld [smem:$0x3F99]  }
0x1a: {  	s8 =	sadd.s32 $0xFFFFE003, lr  }
0x1b: {  	s9 =	sadd.s32 $0xFFFFFEF7, lr;
	s5 =	simm.s32 $0xFFFFFFFF;
	p2 =	slt.u32 s8, $0xFFFFF086  }
0x1c: {  	p1 =	slt.u32 s9, $0xF7A;
	s5 =	simm.s32 @!p2 $0x0  }
0x1d: {  	s5 =	simm.s32 @p1 $0x1;
	p0 =	seq.s32 s7, s2  }
0x1e: {  	s7 =	smul.u32 @!p0 $0xF7A, s2;
	p2 =	seq.s32 @!p0 s5, $0x0  }
0x1f: {  	s9 =	smul.u32 $0xF7A, s1;
	s8 =	simm.s32 @!p0 $0x1BF5;
	p2 =	por !p2, p0  }
0x20: {  	[sflag:s8] =	ssyncset.s32 @!p0 $0xFFFFF086;
	s6 =	sadd.s32 @!p0 s3, s7;
	s7 =	simm.s32 @!p0 $0x108  }
0x21: {  	s3 =	sadd.s32 s3, s9;
	s6 =	sadd.s32 @!p0 $0x88, s6;
	s7 =	simm.s32 @p2 $0x1082  }
0x22: {  	[simem:s7], [sflag:s8] =	dma.local @!p0 [hbm:s6], $0xF7A  }
0x23: {  	s9 =	sor.u32 $0xD0000000, s2;
	s6 =	simm.s32 $0x108;
	_ =	swait.ge @!p0 [sflag:s8], $0x0  }
0x24: {  	s3 =	sadd.s32 $0x88, s3;
	s6 =	simm.s32 @!p1 $0x1082;
	[sflag:s4] =	ssyncset.s32 $0xFFFFF086  }
0x25: {  	[simem:s6], [sflag:s4] =	dma.local [hbm:s3], $0xF7A  }
0x26: {  	[smem:$0x3F99] =	sst s1;
	(tag) =	ssettag s2;
	_ =	strace s9  }
0x27: {  	s1 =	sld [smem:$0x3FA9]  }
0x28: {  	s2 =	sld [smem:$0x3FAA]  }
0x29: {  	s4 =	sld [smem:$0x3FAC]  }
0x2a: {  	p0 =	seq.s32 s5, $0x0;
	s5 =	sld [smem:$0x3FAD]  }
0x2b: {  	s6 =	sld [smem:$0x3FAE]  }
0x2c: {  	s7 =	sld [smem:$0x3FAF]  }
0x2d: {  	s3 =	simm.s32 $0x108;
	s8 =	sld [smem:$0x3FB0]  }
0x2e: {  	s3 =	simm.s32 @!p0 $0x1082;
	s9 =	sld [smem:$0x3FB1]  }
0x2f: {  	lr =	sadd.s32 s0, s3;
	s0 =	sld [smem:$0x3FA8]  }
0x30: {  	s3 =	sld [smem:$0x3FAB]  }
0x31: {  	[smem:$0x3FB4] =	sst s10  }
0x32: {  	s10 =	sld [smem:$0x3FB2];
	_ =	sdelay $0x3  }
0x33: {  	p0 =	seq.s32 s10, $0x1;
	s10 =	sld [smem:$0x3FB4];
	_ =	sdelay $0x3  }
0x34: {  	[smem:$0x3FB4] =	sst s10  }
0x35: {  	s10 =	sld [smem:$0x3FB3];
	_ =	sdelay $0x3  }
0x36: {  	p1 =	seq.s32 s10, $0x1;
	s10 =	sld [smem:$0x3FB4];
	_ =	sdelay $0x3  }
0x37: {  	[smem:$0x3FB4] =	sst s10  }
0x38: {  	s10 =	sld [smem:$0x3FB5]  }
0x39: {  	_ = 	snop;
	(pc) =	sbr.ind lr, $3  }
0x3a: {  	_ = 	snop  }
0x3b: {  	_ = 	snop  }
0x3c: {  	p2 =	seq.s32 s10, $0x1;
	s10 =	sld [smem:$0x3FB4]  }
0x3d: {  	_ =	shalt  }
0x3e: {  	_ =	shalt  }
0x3f: {  	_ =	shalt  }
0x40: {  	_ =	shalt  }
0x41: {  	_ =	shalt  }
0x42: {  	_ =	shalt  }
0x43: {  	_ =	shalt  }
0x44: {  	_ =	shalt  }
0x45: {  	_ =	shalt  }
0x46: {  	_ =	shalt  }
0x47: {  	_ =	shalt  }
0x48: {  	_ =	shalt  }
0x49: {  	_ =	shalt  }
0x4a: {  	_ =	shalt  }
0x4b: {  	_ =	shalt  }
0x4c: {  	_ =	shalt  }
0x4d: {  	_ =	shalt  }
0x4e: {  	_ =	shalt  }
0x4f: {  	_ =	shalt  }
0x50: {  	_ =	shalt  }
0x51: {  	_ =	shalt  }
0x52: {  	_ =	shalt  }
0x53: {  	_ =	shalt  }
0x54: {  	_ =	shalt  }
0x55: {  	_ =	shalt  }
0x56: {  	_ =	shalt  }
0x57: {  	_ =	shalt  }
0x58: {  	_ =	shalt  }
0x59: {  	_ =	shalt  }
0x5a: {  	_ =	shalt  }
0x5b: {  	_ =	shalt  }
0x5c: {  	_ =	shalt  }
0x5d: {  	_ =	shalt  }
0x5e: {  	_ =	shalt  }
0x5f: {  	_ =	shalt  }
0x60: {  	_ =	shalt  }
0x61: {  	_ =	shalt  }
0x62: {  	_ =	shalt  }
0x63: {  	_ =	shalt  }
0x64: {  	_ =	shalt  }
0x65: {  	_ =	shalt  }
0x66: {  	_ =	shalt  }
0x67: {  	_ =	shalt  }
0x68: {  	_ =	shalt  }
0x69: {  	_ =	shalt  }
0x6a: {  	_ =	shalt  }
0x6b: {  	_ =	shalt  }
0x6c: {  	_ =	shalt  }
0x6d: {  	_ =	shalt  }
0x6e: {  	_ =	shalt  }
0x6f: {  	_ =	shalt  }
0x70: {  	_ =	shalt  }
0x71: {  	_ =	shalt  }
0x72: {  	_ =	shalt  }
0x73: {  	_ =	shalt  }
0x74: {  	_ =	shalt  }
0x75: {  	_ =	shalt  }
0x76: {  	_ =	shalt  }
0x77: {  	_ =	shalt  }
0x78: {  	_ =	shalt  }
0x79: {  	_ =	shalt  }
0x7a: {  	_ =	shalt  }
0x7b: {  	_ =	shalt  }
0x7c: {  	_ =	shalt  }
0x7d: {  	_ =	shalt  }
0x7e: {  	_ =	shalt  }
0x7f: {  	_ =	shalt  }
0x80: {  	_ =	shalt  }
0x81: {  	_ =	shalt  }
0x82: {  	_ =	shalt  }
0x83: {  	_ =	shalt  }
0x84: {  	_ =	shalt  }
0x85: {  	_ =	shalt  }
0x86: {  	_ =	shalt  }
0x87: {  	_ =	shalt  }
.Lfunc_end0:
.L_simem_size_0:
called_computation_lowered:
.L_overlay_start_0:
0x88: {  	s2 =	sld [smem:$0x3FD9]  }
0x89: {  	s3 =	sld [smem:$0x3FFE];
	_ =	sdelay $0x1  }
0x8a: {  	s1 =	srdreg.scid  }
0x8b: {  	s0 =	sand.u32 $0x1, s1  }
0x8c: {  	s17 =	sshll.u32 s0, $0xA;
	s2 =	sadd.s32 s3, s2  }
0x8d: {  	s2 =	sadd.s32 s2, s17  }
0x8e: {  	[smem:$0x3FC0] =	sst s2  }
0x8f: {  	_ = 	snop  }
0x90: {  	s18 =	sld [smem:$0x3FD0];
	(tm) =	ssettm $0x1  }
0x91: {  	s19 =	sld [smem:$0x3FFB];
	_ =	sdelay $0x3  }
0x92: {  	_ =	strace s19  }
0x93: {  	s2 =	sld [smem:$0x3FFC];
	_ =	sdelay $0x3  }
0x94: {  	_ =	strace s2  }
0x95: {  	s2 =	sld [smem:$0x3FFD];
	_ =	sdelay $0x3  }
0x96: {  	_ =	strace s2  }
0x97: {  	_ =	strace $0x8FFFFFFF  }
0x98: {  	s20 =	sld [smem:$0x3FDB];
	_ =	sdelay $0x1  }
0x99: {  	s4 =	simm.s32 $_scs_section_size  }
0x9a: {  	s5 =	simm.s32 $_size__tile_overlayer_lowered;
	s6 =	simm.s32 $_tile_overlayer_lowered  }
0x9b: {  	s7 =	simm.s32 $0x1BFF;
	s21 =	sshll.u32 s6, $0x1;
	s4 =	sadd.s32 s4, s20  }
0x9c: {  	s22 =	simm.s32 $0x0;
	s5 =	sshll.u32 s5, $0x1;
	s6 =	sadd.s32 s21, s4  }
0x9d: {  	[timem:s22], [sflag:s7] =	dma.local [hbm:s6], s5  }
0x9e: {  	_ =	swait.ge [sflag:s7], s5  }
0x9f: {  	s5 =	ssub.s32 $0x0, s5;
	[sflag:s7] =	ssyncset.done $0x0  }
0xa0: {  	[sflag:s7] =	ssyncadd.s32 s5;
	_ =	sdelay $0x1  }
0xa1: {  	s23 =	simm.s32 $0x1B8B  }
0xa2: {  	_ =	swait.ge [sflag:s23], $0x1  }
0xa3: {  	[sflag:s23] =	ssyncset.done $0x0  }
0xa4: {  	[sflag:s23] =	ssyncadd.s32 $0xFFFFFFFF  }
0xa5: {  	s5 =	sld [smem:$0x0]  }
0xa6: {  	s6 =	sand.u32 $0xFFFFFFFE, s1  }
0xa7: {  	p0 =	sne.s32 s1, s6  }
0xa8: {  	s6 =	sshll.u32 @p0 s6, $0xE  }
0xa9: {  	s6 =	sadd.s32 @p0 $0x11B8D, s6;
	s7 =	sshll.u32 @p0 s5, $0x11  }
0xaa: {  	s6 =	sor.u32 @p0 s7, s6  }
0xab: {  	[sflag:s6] =	ssyncadd.remote.s32 @p0 $0x1;
	_ =	sdelay $0x1  }
0xac: {  	s6 =	simm.s32 @p0 $0x1B8D  }
0xad: {  	_ =	swait.eq @p0 [sflag:s6], $0x1  }
0xae: {  	[sflag:s6] =	ssyncadd.s32 @p0 $0xFFFFFFFF  }
0xaf: {  	s7 =	sshll.u32 @!p0 s1, $0xE  }
0xb0: {  	s7 =	sor.u32 @!p0 $0x4000, s7;
	s6 =	simm.s32 @!p0 $0x1B8D  }
0xb1: {  	s5 =	sshll.u32 @!p0 s5, $0x11;
	s7 =	sadd.s32 @!p0 $0x11B8D, s7;
	_ =	swait.eq @!p0 [sflag:s6], $0x1  }
0xb2: {  	s5 =	sor.u32 @!p0 s5, s7;
	[sflag:s6] =	ssyncadd.s32 @!p0 $0xFFFFFFFF  }
0xb3: {  	s25 =	simm.s32 $0x1B8E;
	s24 =	sld [smem:$0x3FFE];
	[sflag:s5] =	ssyncadd.remote.s32 @!p0 $0x1  }
0xb4: {  	s26 =	simm.s32 $execute0_lowered;
	[smem:$0x3FD2] =	sst s25  }
0xb5: {  	s6 =	sshll.u32 s26, $0x1;
	_ =	strace $0x80000049;
	[dreg:$0x1] =	wrdreg $0xFFFFFFFF  }
0xb6: {  	s28 =	simm.s32 $_size_execute0_lowered;
	s4 =	sadd.s32 s4, s6;
	[dreg:$0x0] =	wrdreg $0x0  }
0xb7: {  	s6 =	sshll.u32 s28, $0x1;
	[dreg:$0x2] =	wrdreg s4  }
0xb8: {  	[dreg:$0x3] =	wrdreg s6  }
0xb9: {  	[dreg:$0x4] =	wrdreg $0xC0  }
0xba: {  	_ =	task [dreg:s22], $0x5FFFF  }
0xbb: {  	[dreg:$0x1] =	wrdreg $0xFFFFFFFF  }
0xbc: {  	[dreg:$0x0] =	wrdreg $0x60  }
0xbd: {  	[dreg:$0x2] =	wrdreg s24  }
0xbe: {  	[dreg:$0x3] =	wrdreg s18  }
0xbf: {  	[dreg:$0x4] =	wrdreg $0x68000  }
0xc0: {  	[dreg:$0x5] =	wrdreg $0x9  }
0xc1: {  	_ =	task.clear_ibuf [dreg:s22], $0x6FFFF;
	_ =	strace $0x90000049  }
0xc2: {  	s29 =	simm.s32 $0x9;
	_ =	strace $0x8000004B  }
0xc3: {  	_ =	swait.ge [sflag:s29], $0x1  }
0xc4: {  	[sflag:s29] =	ssyncadd.s32 $0xFFFFFFFF  }
0xc5: {  	_ =	strace $0x9000004B  }
0xc6: {  	_ =	sfence  }
0xc7: {  	s30 =	sld [smem:$0x0];
	_ =	sdelay $0x2  }
0xc8: {  	s31 =	sshll.u32 s1, $0xD;
	s1 =	sshrl.u32 s1, $0x2  }
0xc9: {  	s4 =	sand.u32 $0x4000, s31;
	s1 =	sadd.s32 s1, s30  }
0xca: {  	s0 =	sor.u32 s4, s0;
	s1 =	sshll.u32 s1, $0x11  }
0xcb: {  	s0 =	sor.u32 s1, s0  }
0xcc: {  	s0 =	sadd.s32 $0x8F2B, s0  }
0xcd: {  	[sflag:s0] =	ssyncadd.remote.s32 $0x1  }
0xce: {  	_ =	sfence.sel $0xFFFF  }
0xcf: {  	[dreg:$0x0] =	wrdreg $0xFFFFFFFF;
	(pc) =	sbr.abs _section_cstart, $3  }
0xd0: {  	[dreg:$0x1] =	wrdreg $0xFFFFFFFF  }
0xd1: {  	_ =	task.clear_ibuf [dreg:s22], $0x2FFFF;
	_ =	strace $0x9FFFFFFF  }
0xd2: {  	(tm) =	ssettm $0x7FFFFFFF  }
0xd3: {  	_ =	shalt  }
tec
execute0_lowered:
.L_overlay_start_1:
0x0: {  	(tag) =	ssettag $0x1  }
0x1: {  	s6 =	rddreg [dreg:$0x0]  }
0x2: {  	s0 =	srdreg.scid;
	s2 =	rddreg [dreg:$0x1]  }
0x3: {  	s3 =	rddreg [dreg:$0x2];
	s4 =	simm.s32 $0x0;
	s13 =	simm.s32 $0x80  }
0x4: {  	s14 =	simm.s32 $0x1;
	s5 =	sand.u32 $0x1, s0;
	s0 =	stileid.u32  }
0x5: {  	s15 =	simm.s32 $0x0;
	[smem:$0x7FF] =	sst s4;
	s8 =	smul.u32 $0x13C00, s0  }
0x6: {  	s1 =	sshll.u32 s5, $0x4;
	s9 =	smul.u32 $0x13C000, s5;
	s5 =	ssub.s32 $0x2, s5  }
0x7: {  	s28 =	smul.u32 $0x4F000, s0;
	s31 =	sshll.u32 s0, $0x6;
	s1 =	sor.u32 s0, s1  }
0x8: {  	s29 =	sshrl.u32 s5, $0x1;
	s7 =	smul.u32 $0x500, s1;
	s1 =	rddreg [dreg:$0x3]  }
0x9: {  	_ =	strace $0x8000004A;
	s10 =	sshrl.u32 s8, $0x3;
	s8 =	sadd.s32 s8, s9  }
0xa: {  	s11 =	ssub.s32 s5, s29;
	s30 =	sshrl.u32 s28, $0x2;
	s8 =	sshrl.u32 s8, $0x3  }
0xb: {  	s10 =	sadd.s32 s10, s6;
	s12 =	sadd.s32 s30, s3;
	s9 =	smax.u32 s11, $0x1  }
0xc: {  	s11 =	simm.s32 $0x2;
	s7 =	sadd.s32 s7, s6;
	s8 =	sadd.s32 s8, s6  }
0xd: {  	s5 =	sadd.s32 $0x16200, s10;
	s6 =	sor.u32 $0x1C02, s31;
	s10 =	sshrl.u32 s12, $0x3  }
0xe: {  	s12 =	simm.s32 $0x2800;
	s7 =	sadd.s32 $0xC200, s7;
	s8 =	sadd.s32 $0x8CA00, s8  }
.LBB2_1:
0xf: {  	[spmem:s10], [sflag:s6] =	dma.local [hbm:s5], $0x2780  }
0x10: {  	_ =	swait.ge [sflag:s11], $0x2780  }
0x11: {  	[sflag:s11] =	ssyncset.done $0x0  }
0x12: {  	[sflag:s11] =	ssyncadd.s32 $0xFFFFD880  }
0x13: {  	[tilespmem:s12], [sflag:$0x2] =	stream.linear.gather [hbm4b:s2+s4], $0x4000, $0x38;
	[tilespmem:$0x1A400] =	vst v63  }
0x14: {  	_ =	swait.ge [sflag:s11], $0x4000  }
0x15: {  	[sflag:s11] =	ssyncset.done $0x0  }
0x16: {  	[sflag:s11] =	ssyncadd.s32 $0xFFFFC000  }
0x17: {  	[tilespmem:s4], [sflag:$0x2] =	stream.linear.gather [hbm4b:s7+s4], $0x2800, $0x38;
	[tilespmem:$0x1A400] =	vst v63  }
0x18: {  	_ =	swait.ge [sflag:s11], $0x2800  }
0x19: {  	[sflag:s11] =	ssyncset.done $0x0  }
0x1a: {  	[sflag:s11] =	ssyncadd.s32 $0xFFFFD800  }
0x1b: {  	s16 =	simm.s32 $0x0;
	[bflag:$0x0] =	sbarrier.arrive $0xFFFF  }
0x1c: {  	[spmem:s3] =	stream.indirect.scatter.add.f32 [tilespmem:s12], [sflag:$0x1], $0x80, s16, s13, $0xb8;
	[tilespmem:$0x1A400] =	vst v63  }
0x1d: {  	s24 =	simm.s32 $0x80  }
0x1e: {  	[spmem:s3] =	stream.indirect.scatter.add.f32 [tilespmem:s12], [sflag:$0x1], $0x80, s24, s13, $0xb8;
	[tilespmem:$0x1A400] =	vst v63  }
0x1f: {  	s25 =	simm.s32 $0x100  }
0x20: {  	[spmem:s3] =	stream.indirect.scatter.add.f32 [tilespmem:s12], [sflag:$0x1], $0x80, s25, s13, $0xb8;
	[tilespmem:$0x1A400] =	vst v63  }
0x21: {  	s26 =	simm.s32 $0x180  }
0x22: {  	[spmem:s3] =	stream.indirect.scatter.add.f32 [tilespmem:s12], [sflag:$0x1], $0x80, s26, s13, $0xb8;
	[tilespmem:$0x1A400] =	vst v63  }
0x23: {  	s28 =	simm.s32 $0x200  }
0x24: {  	[spmem:s3] =	stream.indirect.scatter.add.f32 [tilespmem:s12], [sflag:$0x1], $0x80, s28, s13, $0xb8;
	[tilespmem:$0x1A400] =	vst v63  }
0x25: {  	s29 =	simm.s32 $0x280  }
0x26: {  	[spmem:s3] =	stream.indirect.scatter.add.f32 [tilespmem:s12], [sflag:$0x1], $0x80, s29, s13, $0xb8;
	[tilespmem:$0x1A400] =	vst v63  }
0x27: {  	s30 =	simm.s32 $0x300  }
0x28: {  	[spmem:s3] =	stream.indirect.scatter.add.f32 [tilespmem:s12], [sflag:$0x1], $0x80, s30, s13, $0xb8;
	[tilespmem:$0x1A400] =	vst v63  }
0x29: {  	s31 =	simm.s32 $0x380  }
0x2a: {  	[spmem:s3] =	stream.indirect.scatter.add.f32 [tilespmem:s12], [sflag:$0x1], $0x80, s31, s13, $0xb8;
	[tilespmem:$0x1A400] =	vst v63  }
0x2b: {  	_ =	swait.ge [sflag:s14], $0x4000  }
0x2c: {  	[sflag:s14] =	ssyncset.done $0x0  }
0x2d: {  	[sflag:s14] =	ssyncadd.s32 $0xFFFFC000  }
0x2e: {  	_ =	swait.ge [sflag:s14], $0x4000  }
0x2f: {  	[sflag:s14] =	ssyncset.done $0x0  }
0x30: {  	[sflag:s14] =	ssyncadd.s32 $0xFFFFC000  }
0x31: {  	_ =	swait.ge [sflag:s14], $0x4000  }
0x32: {  	[sflag:s14] =	ssyncset.done $0x0  }
0x33: {  	[sflag:s14] =	ssyncadd.s32 $0xFFFFC000  }
0x34: {  	_ =	swait.ge [sflag:s14], $0x4000  }
0x35: {  	[sflag:s14] =	ssyncset.done $0x0  }
0x36: {  	[sflag:s14] =	ssyncadd.s32 $0xFFFFC000  }
0x37: {  	_ =	swait.ge [sflag:s14], $0x4000  }
0x38: {  	[sflag:s14] =	ssyncset.done $0x0  }
0x39: {  	[sflag:s14] =	ssyncadd.s32 $0xFFFFC000  }
0x3a: {  	_ =	swait.ge [sflag:s14], $0x4000  }
0x3b: {  	[sflag:s14] =	ssyncset.done $0x0  }
0x3c: {  	[sflag:s14] =	ssyncadd.s32 $0xFFFFC000  }
0x3d: {  	_ =	swait.ge [sflag:s14], $0x4000  }
0x3e: {  	[sflag:s14] =	ssyncset.done $0x0  }
0x3f: {  	[sflag:s14] =	ssyncadd.s32 $0xFFFFC000  }
0x40: {  	_ =	swait.ge [sflag:s14], $0x4000  }
0x41: {  	s18 =	simm.s32 $0x2000;
	s16 =	simm.s32 $0x1000;
	[sflag:s14] =	ssyncset.done $0x0  }
.LBB2_2:
0x42: {  	s19 =	sshra.s32 s16, $0x2  }
0x43: {  	[sflag:s14] =	ssyncadd.s32 $0xFFFFC000;
	s16 =	smov.u32 s18;
	s17 =	sadd.s32 $0x1000, s18  }
0x44: {  	[spmem:s3] =	stream.indirect.scatter.add.f32 [tilespmem:s12], [sflag:$0x1], $0x80, s19, s13, $0xb8;
	[tilespmem:$0x1A400] =	vst v63  }
0x45: {  	p0 =	sne.s32 s18, $0x9000;
	s18 =	sadd.s32 $0x80, s19  }
0x46: {  	[spmem:s3] =	stream.indirect.scatter.add.f32 [tilespmem:s12], [sflag:$0x1], $0x80, s18, s13, $0xb8;
	[tilespmem:$0x1A400] =	vst v63  }
0x47: {  	s18 =	sadd.s32 $0x100, s19  }
0x48: {  	[spmem:s3] =	stream.indirect.scatter.add.f32 [tilespmem:s12], [sflag:$0x1], $0x80, s18, s13, $0xb8;
	[tilespmem:$0x1A400] =	vst v63  }
0x49: {  	s18 =	sadd.s32 $0x180, s19  }
0x4a: {  	[spmem:s3] =	stream.indirect.scatter.add.f32 [tilespmem:s12], [sflag:$0x1], $0x80, s18, s13, $0xb8;
	[tilespmem:$0x1A400] =	vst v63  }
0x4b: {  	s18 =	sadd.s32 $0x200, s19  }
0x4c: {  	[spmem:s3] =	stream.indirect.scatter.add.f32 [tilespmem:s12], [sflag:$0x1], $0x80, s18, s13, $0xb8;
	[tilespmem:$0x1A400] =	vst v63  }
0x4d: {  	s18 =	sadd.s32 $0x280, s19  }
0x4e: {  	[spmem:s3] =	stream.indirect.scatter.add.f32 [tilespmem:s12], [sflag:$0x1], $0x80, s18, s13, $0xb8;
	[tilespmem:$0x1A400] =	vst v63  }
0x4f: {  	s18 =	sadd.s32 $0x300, s19  }
0x50: {  	[spmem:s3] =	stream.indirect.scatter.add.f32 [tilespmem:s12], [sflag:$0x1], $0x80, s18, s13, $0xb8;
	[tilespmem:$0x1A400] =	vst v63  }
0x51: {  	s18 =	sadd.s32 $0x380, s19  }
0x52: {  	[spmem:s3] =	stream.indirect.scatter.add.f32 [tilespmem:s12], [sflag:$0x1], $0x80, s18, s13, $0xb8;
	[tilespmem:$0x1A400] =	vst v63  }
0x53: {  	_ =	swait.ge [sflag:s14], $0x4000  }
0x54: {  	[sflag:s14] =	ssyncset.done $0x0  }
0x55: {  	[sflag:s14] =	ssyncadd.s32 $0xFFFFC000  }
0x56: {  	_ =	swait.ge [sflag:s14], $0x4000  }
0x57: {  	[sflag:s14] =	ssyncset.done $0x0  }
0x58: {  	[sflag:s14] =	ssyncadd.s32 $0xFFFFC000  }
0x59: {  	_ =	swait.ge [sflag:s14], $0x4000  }
0x5a: {  	[sflag:s14] =	ssyncset.done $0x0  }
0x5b: {  	[sflag:s14] =	ssyncadd.s32 $0xFFFFC000  }
0x5c: {  	_ =	swait.ge [sflag:s14], $0x4000  }
0x5d: {  	[sflag:s14] =	ssyncset.done $0x0  }
0x5e: {  	[sflag:s14] =	ssyncadd.s32 $0xFFFFC000  }
0x5f: {  	_ =	swait.ge [sflag:s14], $0x4000  }
0x60: {  	[sflag:s14] =	ssyncset.done $0x0  }
0x61: {  	[sflag:s14] =	ssyncadd.s32 $0xFFFFC000  }
0x62: {  	_ =	swait.ge [sflag:s14], $0x4000  }
0x63: {  	[sflag:s14] =	ssyncset.done $0x0  }
0x64: {  	[sflag:s14] =	ssyncadd.s32 $0xFFFFC000  }
.Ltmp0:
0x65: {  	_ =	swait.ge [sflag:s14], $0x4000;
	(pc) =	sbr.rel @p0 .LBB2_2-.Ltmp0, $4  }
0x66: {  	[sflag:s14] =	ssyncset.done $0x0  }
0x67: {  	[sflag:s14] =	ssyncadd.s32 $0xFFFFC000  }
0x68: {  	_ =	swait.ge [sflag:s14], $0x4000  }
0x69: {  	s18 =	smov.u32 s17;
	[sflag:s14] =	ssyncset.done $0x0  }
0x6a: {  	s16 =	sshra.s32 s16, $0x2;
	[sflag:s14] =	ssyncadd.s32 $0xFFFFC000  }
0x6b: {  	[spmem:s3] =	stream.indirect.scatter.add.f32 [tilespmem:s12], [sflag:$0x1], $0x80, s16, s13, $0xb8;
	[tilespmem:$0x1A400] =	vst v63  }
0x6c: {  	s17 =	sadd.s32 $0x80, s16  }
0x6d: {  	[spmem:s3] =	stream.indirect.scatter.add.f32 [tilespmem:s12], [sflag:$0x1], $0x80, s17, s13, $0xb8;
	[tilespmem:$0x1A400] =	vst v63  }
0x6e: {  	s26 =	sadd.s32 $0x100, s16  }
0x6f: {  	[spmem:s3] =	stream.indirect.scatter.add.f32 [tilespmem:s12], [sflag:$0x1], $0x80, s26, s13, $0xb8;
	[tilespmem:$0x1A400] =	vst v63  }
0x70: {  	s28 =	sadd.s32 $0x180, s16  }
0x71: {  	[spmem:s3] =	stream.indirect.scatter.add.f32 [tilespmem:s12], [sflag:$0x1], $0x80, s28, s13, $0xb8;
	[tilespmem:$0x1A400] =	vst v63  }
0x72: {  	s29 =	sadd.s32 $0x200, s16  }
0x73: {  	[spmem:s3] =	stream.indirect.scatter.add.f32 [tilespmem:s12], [sflag:$0x1], $0x80, s29, s13, $0xb8;
	[tilespmem:$0x1A400] =	vst v63  }
0x74: {  	s30 =	sadd.s32 $0x280, s16  }
0x75: {  	[spmem:s3] =	stream.indirect.scatter.add.f32 [tilespmem:s12], [sflag:$0x1], $0x80, s30, s13, $0xb8;
	[tilespmem:$0x1A400] =	vst v63  }
0x76: {  	s31 =	sadd.s32 $0x300, s16  }
0x77: {  	[spmem:s3] =	stream.indirect.scatter.add.f32 [tilespmem:s12], [sflag:$0x1], $0x80, s31, s13, $0xb8;
	[tilespmem:$0x1A400] =	vst v63  }
0x78: {  	s16 =	sadd.s32 $0x380, s16  }
0x79: {  	[spmem:s3] =	stream.indirect.scatter.add.f32 [tilespmem:s12], [sflag:$0x1], $0x80, s16, s13, $0xb8;
	[tilespmem:$0x1A400] =	vst v63  }
0x7a: {  	_ =	swait.ge [sflag:s14], $0x4000  }
0x7b: {  	[sflag:s14] =	ssyncset.done $0x0  }
0x7c: {  	[sflag:s14] =	ssyncadd.s32 $0xFFFFC000  }
0x7d: {  	_ =	swait.ge [sflag:s14], $0x4000  }
0x7e: {  	[sflag:s14] =	ssyncset.done $0x0  }
0x7f: {  	[sflag:s14] =	ssyncadd.s32 $0xFFFFC000  }
0x80: {  	_ =	swait.ge [sflag:s14], $0x4000  }
0x81: {  	[sflag:s14] =	ssyncset.done $0x0  }
0x82: {  	[sflag:s14] =	ssyncadd.s32 $0xFFFFC000  }
0x83: {  	_ =	swait.ge [sflag:s14], $0x4000  }
0x84: {  	[sflag:s14] =	ssyncset.done $0x0  }
0x85: {  	[sflag:s14] =	ssyncadd.s32 $0xFFFFC000  }
0x86: {  	_ =	swait.ge [sflag:s14], $0x4000  }
0x87: {  	[sflag:s14] =	ssyncset.done $0x0  }
0x88: {  	[sflag:s14] =	ssyncadd.s32 $0xFFFFC000  }
0x89: {  	_ =	swait.ge [sflag:s14], $0x4000  }
0x8a: {  	[sflag:s14] =	ssyncset.done $0x0  }
0x8b: {  	[sflag:s14] =	ssyncadd.s32 $0xFFFFC000  }
0x8c: {  	_ =	swait.ge [sflag:s14], $0x4000  }
0x8d: {  	[sflag:s14] =	ssyncset.done $0x0  }
0x8e: {  	[sflag:s14] =	ssyncadd.s32 $0xFFFFC000  }
0x8f: {  	_ =	swait.ge [sflag:s14], $0x4000  }
0x90: {  	s15 =	sadd.s32 $0x1, s15;
	[sflag:s14] =	ssyncset.done $0x0  }
0x91: {  	p0 =	sne.s32 s15, s9;
	[sflag:s14] =	ssyncadd.s32 $0xFFFFC000  }
.Ltmp1:
0x92: {  	[bflag:$0x0] =	sbarrier.arrive $0xFFFF;
	(pc) =	sbr.rel @p0 .LBB2_1-.Ltmp1, $4  }
0x93: {  	[hbm:s8], [sflag:s6] =	dma.local [spmem:s10], $0x2780  }
0x94: {  	_ =	swait.ge [sflag:s11], $0x2780  }
0x95: {  	[sflag:s11] =	ssyncset.done $0x0  }
0x96: {  	[sflag:s11] =	ssyncadd.s32 $0xFFFFD880  }
0x97: {  	_ =	sfence.sel $0x180000  }
0x98: {  	[bflag:$0x0] =	sbarrier.arrive $0xFFFF  }
0x99: {  	p0 =	sne.s32 s0, $0x0;
	_ =	strace $0x9000004A  }
0x9a: {  	s0 =	sadd.s32 @!p0 $0x100000, s1;
	[bflag:$0x2] =	sbarrier.arrive $0xFFFF  }
0x9b: {  	[sflag:s0] =	ssyncadd.tile.s32 @!p0 $0x1;
	_ =	shalt  }
.Lfunc_end2:
_tile_overlayer_lowered:
.L_overlay_start_2:
0x9c: {  	(tag) =	ssettag $0x2  }
0x9d: {  	s0 =	rddreg [dreg:$0x0];
	s2 =	stileid.u32  }
0x9e: {  	s1 =	rddreg [dreg:$0x1];
	p0 =	sne.s32 s2, $0x0  }
0x9f: {  	s3 =	rddreg [dreg:$0x2];
	[bflag:$0x3] =	sbarrier.arrive $0xFFFF;
	s2 =	simm.s32 @!p0 $0x1C02  }
0xa0: {  	[timem:s3], [sflag:s2] =	dma.local @!p0 [hbm:s0], s1  }
0xa1: {  	s0 =	simm.s32 @!p0 $0x2  }
0xa2: {  	_ =	swait.ge @!p0 [sflag:s0], s1  }
0xa3: {  	s1 =	ssub.s32 @!p0 $0x0, s1;
	[sflag:s0] =	ssyncset.done @!p0 $0x0  }
0xa4: {  	[sflag:s0] =	ssyncadd.s32 @!p0 s1  }
0xa5: {  	[bflag:$0x3] =	sbarrier.arrive $0xFFFF  }
0xa6: {  	_ =	shalt  }

</sc_bundles>
